<compile_context>
chip_gen: v7x
topology: tpu7x:2x2x1
jax: 0.10.2.dev20260603
libtpu: 0.0.44.dev20260713+nightly
codegen_flags: <defaults>
</compile_context>

<pallas_src>
import functools

import jax
import jax.numpy as jnp
from jax import lax
from jax.experimental import pallas as pl
from jax.experimental.pallas import tpu as pltpu
from jax.experimental.pallas import tpu_sc as plsc

N = 1000
C = 150
CP = 160
NP = 1024
R = 256
HID = 256
OBJ_DIM = 4096
NUM_REL = 51
TSTEPS = 3
NMS_T = 0.3

NW = 32
ROWS_PER_W = CP // NW
GB = 512 // NW


CHUNK = 128


def _nms_body(xcat_ref, ps_ref, out_ref, keep_ref):
    keep_ref[...] = jnp.ones((CP, NP), jnp.float32)
    sub128 = lax.broadcasted_iota(jnp.int32, (CHUNK, 1), 0)

    for ci in range(NP // CHUNK):
        base = ci * CHUNK
        span = NP - base
        hi = min(N - base, CHUNK)
        if hi <= 0:
            break
        lane = lax.broadcasted_iota(jnp.int32, (CP, span), 1)
        xs = xcat_ref[:, base:]
        x1 = xs[0 * CP:1 * CP]
        y1 = xs[1 * CP:2 * CP]
        x2 = xs[2 * CP:3 * CP]
        y2 = xs[3 * CP:4 * CP]
        area = (x2 - x1) * (y2 - y1)
        xc = xcat_ref[:, base:base + CHUNK]

        def body(j, carry, xc=xc, x1=x1, y1=y1, x2=x2, y2=y2, area=area,
                 lane=lane, base=base, span=span):
            oh = (sub128 == j).astype(jnp.float32)
            cs = jax.lax.dot(xc, oh, precision=jax.lax.Precision.HIGHEST,
                             preferred_element_type=jnp.float32)
            kc = keep_ref[:, base:base + CHUNK]
            ki = jax.lax.dot(kc, oh, precision=jax.lax.Precision.HIGHEST,
                             preferred_element_type=jnp.float32)
            x1i = cs[0 * CP:1 * CP]
            y1i = cs[1 * CP:2 * CP]
            x2i = cs[2 * CP:3 * CP]
            y2i = cs[3 * CP:4 * CP]
            ai = (x2i - x1i) * (y2i - y1i)
            xx1 = jnp.maximum(x1i, x1)
            yy1 = jnp.maximum(y1i, y1)
            xx2 = jnp.minimum(x2i, x2)
            yy2 = jnp.minimum(y2i, y2)
            inter = jnp.maximum(xx2 - xx1, 0.0) * jnp.maximum(yy2 - yy1, 0.0)
            iou = inter / (ai + area - inter + 1e-8)
            sup = ((iou > NMS_T) & (lane > j)).astype(jnp.float32) * ki
            keep_ref[:, base:] = keep_ref[:, base:] * (1.0 - sup)
            return carry

        lax.fori_loop(0, hi, body, 0)

    out_ref[...] = keep_ref[...] * ps_ref[...]


def _nms_call(xcat, ps):
    return pl.pallas_call(
        _nms_body,
        out_shape=jax.ShapeDtypeStruct((CP, NP), jnp.float32),
        scratch_shapes=[pltpu.VMEM((CP, NP), jnp.float32)],
    )(xcat, ps)


def _argmax_body(val_ref, out_ref):
    val = val_ref[...]
    m = jnp.max(val, axis=0, keepdims=True)
    cidx = lax.broadcasted_iota(jnp.int32, (CP, NP), 0)
    cand = jnp.where(val == m, cidx, CP)
    out_ref[...] = jnp.min(cand, axis=0, keepdims=True) + 1


def _argmax_call(val):
    return pl.pallas_call(
        _argmax_body,
        out_shape=jax.ShapeDtypeStruct((1, NP), jnp.int32),
    )(val)


SC_ROWS = CP * NP // 128 // NW


@functools.lru_cache(maxsize=None)
def _scatter_call():
    mesh = plsc.VectorSubcoreMesh(core_axis_name="c", subcore_axis_name="s")

    @functools.partial(
        pl.kernel,
        out_type=jax.ShapeDtypeStruct((CP * NP,), jnp.float32),
        mesh=mesh,
        scratch_types=[
            pltpu.VMEM((SC_ROWS, 128), jnp.float32),
            pltpu.VMEM((SC_ROWS, 128), jnp.int32),
        ],
    )
    def k(val_hbm, idx_hbm, out_hbm, val_v, idx_v):
        wid = lax.axis_index("c") * 16 + lax.axis_index("s")
        base = wid * SC_ROWS
        pltpu.sync_copy(val_hbm.at[pl.ds(base, SC_ROWS)], val_v)
        pltpu.sync_copy(idx_hbm.at[pl.ds(base, SC_ROWS)], idx_v)

        def body(j, carry):
            pltpu.sync_copy(val_v.at[j], out_hbm.at[idx_v.at[j]])
            return carry

        lax.fori_loop(0, SC_ROWS, body, 0)

    return k


@functools.lru_cache(maxsize=None)
def _gather_call():
    mesh = plsc.VectorSubcoreMesh(core_axis_name="c", subcore_axis_name="s")

    @functools.partial(
        pl.kernel,
        out_type=jax.ShapeDtypeStruct((2 * R, OBJ_DIM), jnp.float32),
        mesh=mesh,
        scratch_types=[
            pltpu.VMEM((GB,), jnp.int32),
            pltpu.VMEM((GB, OBJ_DIM), jnp.float32),
            pltpu.SemaphoreType.DMA,
        ],
    )
    def k(table_hbm, idx_hbm, out_hbm, idx_v, rows_v, sem):
        wid = lax.axis_index("c") * 16 + lax.axis_index("s")
        base = wid * GB
        pltpu.sync_copy(idx_hbm.at[pl.ds(base, GB)], idx_v)
        pltpu.async_copy(table_hbm.at[idx_v], rows_v, sem).wait()
        pltpu.sync_copy(rows_v, out_hbm.at[pl.ds(base, GB)])

    return k


def _ggnn_body(g_ref, vr_ref, wo_ref, bo_ref, wr_ref, br_ref,
               w3_ref, u3_ref, b3_ref, w4_ref, u4_ref, b4_ref,
               w5_ref, u5_ref, b5_ref, woa_ref, wob_ref, bout_ref,
               wsc_ref, bsc_ref, out_ref):
    def dot(a, b):
        return jnp.dot(a, b, preferred_element_type=jnp.float32)

    p = dot(g_ref[...], wo_ref[...]) + bo_ref[...]
    vrp = dot(vr_ref[...], wr_ref[...]) + br_ref[...]
    h = jnp.concatenate([p, vrp], axis=0)
    c = jnp.float32(1.0 / NUM_REL)
    for _ in range(TSTEPS):
        h0 = h[:R]
        h1 = h[R:2 * R]
        e = h[2 * R:]
        m = h0 * c + h1 * c
        wside = jnp.concatenate([e, e, m], axis=0)
        z = jax.nn.sigmoid(dot(wside, w3_ref[...]) + dot(h, u3_ref[...])
                           + b3_ref[...])
        r = jax.nn.sigmoid(dot(wside, w4_ref[...]) + dot(h, u4_ref[...])
                           + b4_ref[...])
        hh = jnp.tanh(dot(wside, w5_ref[...]) + dot(r * h, u5_ref[...])
                      + b5_ref[...])
        h = (1.0 - z) * h + z * hh
    e = h[2 * R:]
    out = jax.nn.relu(dot(e, woa_ref[...]) + dot(vrp, wob_ref[...])
                      + bout_ref[...])
    rel = jnp.sum(out * wsc_ref[...], axis=1, keepdims=True) + bsc_ref[...]
    out_ref[...] = jnp.broadcast_to(rel, (R, NUM_REL))


def _ggnn_call(*args):
    return pl.pallas_call(
        _ggnn_body,
        out_shape=jax.ShapeDtypeStruct((R, NUM_REL), jnp.float32),
    )(*args)


def kernel(obj_fmaps, obj_logits, rel_inds, vr, boxes_per_cls, params):
    probs = jax.nn.softmax(obj_logits, axis=1)
    scores = probs[:, 1:].T
    order = jnp.argsort(-scores, axis=1).astype(jnp.int32)
    boxes = jnp.transpose(boxes_per_cls[:, 1:, :], (1, 0, 2))
    sbox = jnp.take_along_axis(boxes, order[:, :, None], axis=1)
    ps = jnp.take_along_axis(scores, order, axis=1)

    pad = ((0, CP - C), (0, NP - N))
    x1 = jnp.pad(sbox[..., 0], pad)
    y1 = jnp.pad(sbox[..., 1], pad)
    x2 = jnp.pad(sbox[..., 2], pad)
    y2 = jnp.pad(sbox[..., 3], pad)
    psp = jnp.pad(ps, pad)
    lane = jnp.arange(NP, dtype=jnp.int32)
    ordp = jnp.concatenate(
        [jnp.concatenate([order, jnp.broadcast_to(lane[N:], (C, NP - N))], axis=1),
         jnp.broadcast_to(lane, (CP - C, NP))], axis=0)

    xcat = jnp.concatenate([x1, y1, x2, y2], axis=0)
    val_sorted = _nms_call(xcat, psp)
    gidx = jnp.arange(CP, dtype=jnp.int32)[:, None] * NP + ordp
    val_orig = _scatter_call()(
        val_sorted.reshape(-1, 128), gidx.reshape(-1, 128)
    ).reshape(CP, NP)
    obj_preds = _argmax_call(val_orig)[0, :N]

    idx = jnp.concatenate([rel_inds[:, 1], rel_inds[:, 2]]).astype(jnp.int32)
    g = _gather_call()(obj_fmaps, idx)

    wo, bo = params['obj_proj']
    wr, br = params['rel_proj']

    def fold(name):
        w, bw = params[name + '_w']
        u, bu = params[name + '_u']
        return w[:HID] + w[HID:], u, (bw + bu)[None, :]

    w3, u3, b3 = fold('eq3')
    w4, u4, b4 = fold('eq4')
    w5, u5, b5 = fold('eq5')
    wout, bout = params['fc_output']
    wsc, bsc = params['fc_score']

    rel_dists = _ggnn_call(g, vr, wo, bo[None, :], wr, br[None, :],
                           w3, u3, b3, w4, u4, b4, w5, u5, b5,
                           wout[:HID], wout[HID:], bout[None, :],
                           wsc.T, bsc.reshape(1, 1))
    return (obj_logits, obj_preds, rel_dists)

# --- scband reference (transcript-rebuilt; emitter-appended) ---
"""Pipeline reference for scband-ggnnrel-reason-21680994910744 (READ-ONLY COPY).

The authoritative reference and input builder live on the scoring server;
editing this copy changes nothing except your own understanding.
"""

import jax, jax.numpy as jnp
import numpy as np
from jax import lax

N = 1000
R = 256
NUM_OBJ = 151
NUM_REL = 51
OBJ_DIM = 4096
REL_DIM = 4096
HID = 256
OUT = 256
TSTEPS = 3
NMS_T = 0.3


def _lin_init(k, din, dout):
    w = jax.random.normal(k, (din, dout), jnp.float32) * (1.0 / np.sqrt(din))
    b = jnp.zeros((dout,), jnp.float32)
    return (w, b)


def setup_inputs(seed: int = 0):
    key = jax.random.key(seed)
    ks = jax.random.split(key, 8)
    obj_fmaps = jax.random.normal(ks[0], (N, OBJ_DIM), jnp.float32)
    obj_logits = jax.random.normal(ks[1], (N, NUM_OBJ), jnp.float32) * 2.0
    rel_so = jax.random.randint(ks[2], (R, 2), 0, N, dtype=jnp.int32)
    rel_inds = jnp.concatenate([jnp.zeros((R, 1), jnp.int32), rel_so], axis=1)
    vr = jax.random.normal(ks[3], (R, REL_DIM), jnp.float32)
    pts = jax.random.uniform(ks[4], (N, NUM_OBJ, 2, 2), jnp.float32) * 512.0
    boxes_per_cls = jnp.concatenate([jnp.min(pts, axis=2), jnp.max(pts, axis=2)], axis=-1)
    pk = jax.random.split(ks[5], 12)
    params = {}
    params['obj_proj'] = _lin_init(pk[0], OBJ_DIM, HID)
    params['rel_proj'] = _lin_init(pk[1], REL_DIM, HID)
    for i, name in enumerate(['eq3', 'eq4', 'eq5']):
        params[name + '_w'] = _lin_init(pk[2 + 2 * i], 2 * HID, HID)
        params[name + '_u'] = _lin_init(pk[3 + 2 * i], HID, HID)
    params['fc_output'] = _lin_init(pk[8], 2 * HID, OUT)
    params['fc_score'] = _lin_init(pk[9], OUT, 1)
    return {'obj_fmaps': obj_fmaps, 'obj_logits': obj_logits, 'rel_inds': rel_inds,
            'vr': vr, 'boxes_per_cls': boxes_per_cls, 'params': params}


def _iou_matrix(boxes):
    x1, y1, x2, y2 = boxes[:, 0], boxes[:, 1], boxes[:, 2], boxes[:, 3]
    area = (x2 - x1) * (y2 - y1)
    xx1 = jnp.maximum(x1[:, None], x1[None, :])
    yy1 = jnp.maximum(y1[:, None], y1[None, :])
    xx2 = jnp.minimum(x2[:, None], x2[None, :])
    yy2 = jnp.minimum(y2[:, None], y2[None, :])
    inter = jnp.clip(xx2 - xx1, 0.0) * jnp.clip(yy2 - yy1, 0.0)
    return inter / (area[:, None] + area[None, :] - inter + 1e-8)


def _nms_class(scores, boxes):
    n = scores.shape[0]
    order = jnp.argsort(-scores)
    iou = _iou_matrix(boxes[order])
    idx = jnp.arange(n)
    def body(i, keep):
        sup = (iou[i] > NMS_T) & (idx > i) & keep[i]
        return keep & (~sup)
    keep = lax.fori_loop(0, n, body, jnp.ones((n,), bool))
    return jnp.zeros((n,), jnp.float32).at[order].set(keep.astype(jnp.float32))


def _obj_preds_via_nms(obj_logits, boxes_per_cls):
    probs = jax.nn.softmax(obj_logits, axis=1)
    def step(carry, c):
        m = _nms_class(jnp.take(probs, c, axis=1), jnp.take(boxes_per_cls, c, axis=1))
        return carry, m
    _, masks = lax.scan(step, None, jnp.arange(1, NUM_OBJ))
    nms_mask = jnp.concatenate([jnp.zeros((1, probs.shape[0]), jnp.float32), masks], axis=0).T
    obj_preds = jnp.argmax((nms_mask * probs)[:, 1:], axis=1) + 1
    return obj_preds


def _ggnn_rel(sub_obj_preds, input_ggnn, params):
    Rn = input_ggnn.shape[0]
    A = jnp.full((Rn, 2, NUM_REL), 1.0 / NUM_REL, jnp.float32)  # use_knowledge=False -> uniform prior
    def lin(p, x):
        return x @ p[0] + p[1]
    hidden = input_ggnn
    for _ in range(TSTEPS):
        m_ent = jnp.einsum('rkn,rnh->rkh', A, hidden[:, 2:])
        m_rel = jnp.einsum('rkn,rkh->rnh', A, hidden[:, :2])
        av = jnp.concatenate([m_ent, m_rel], axis=1)
        av2 = jnp.concatenate([av, av], axis=-1)
        z = jax.nn.sigmoid(lin(params['eq3_w'], av2) + lin(params['eq3_u'], hidden))
        r = jax.nn.sigmoid(lin(params['eq4_w'], av2) + lin(params['eq4_u'], hidden))
        h = jnp.tanh(lin(params['eq5_w'], av2) + lin(params['eq5_u'], r * hidden))
        hidden = (1.0 - z) * hidden + z * h
    out = jax.nn.relu(lin(params['fc_output'], jnp.concatenate([hidden[:, 2:], input_ggnn[:, 2:]], axis=-1)))
    rel_dists = lin(params['fc_score'], out)[..., 0]
    return rel_dists


def reference(obj_fmaps, obj_logits, rel_inds, vr, boxes_per_cls, params):
    # mode == 'sgdet', eval: per-class NMS to pick object predictions
    obj_dists2 = obj_logits
    obj_preds = _obj_preds_via_nms(obj_dists2, boxes_per_cls)
    sub = rel_inds[:, 1]
    obj = rel_inds[:, 2]
    sub_obj_preds = jnp.stack([obj_preds[sub], obj_preds[obj]], axis=1)
    of = obj_fmaps @ params['obj_proj'][0] + params['obj_proj'][1]
    vrp = vr @ params['rel_proj'][0] + params['rel_proj'][1]
    input_ggnn = jnp.concatenate(
        [of[sub][:, None, :], of[obj][:, None, :],
         jnp.broadcast_to(vrp[:, None, :], (vrp.shape[0], NUM_REL, HID))], axis=1)
    rel_dists = _ggnn_rel(sub_obj_preds, input_ggnn, params)
    return (obj_dists2, obj_preds, rel_dists)

if __name__ == "__main__":
    import jax
    _d = setup_inputs()
    print(jax.jit(kernel)(*tuple(_d.values())))

</pallas_src>

<mosaic_0001>
#map = affine_map<(d0, d1) -> (0, 0)>
#map1 = affine_map<(d0, d1) -> (0)>
module attributes {stable_mosaic.version = 14 : i64} {
  func.func @k(%arg0: i32, %arg1: i32, %arg2: memref<1280x128xf32, #tpu.memory_space<hbm>>, %arg3: memref<1280x128xi32, #tpu.memory_space<hbm>>, %arg4: memref<163840xf32, #tpu.memory_space<hbm>>, %arg5: memref<40x128xf32, #tpu.memory_space<vmem>>, %arg6: memref<40x128xi32, #tpu.memory_space<vmem>>) attributes {dimension_semantics = [#tpu.dimension_semantics<core_parallel>, #tpu.dimension_semantics<subcore_parallel>], iteration_bounds = array<i64: 2, 16>, scalar_prefetch = 0 : i64, scratch_operands = 2 : i64, tpu.core_type = #tpu.core_type<sc_vector_subcore>, window_params = [{transform_indices = #map}, {transform_indices = #map}, {transform_indices = #map1}]} {
    %mul3A = arith.constant 16 : i32
    %mul3A_0 = arith.muli %arg0, %mul3A : i32
    %add3A = arith.addi %mul3A_0, %arg1 : i32
    %mul3A_1 = arith.constant 40 : i32
    %mul3A_2 = arith.muli %add3A, %mul3A_1 : i32
    "tpu.region"() ({
      %run_scoped3A = tpu.sem_alloc : memref<!tpu.dma_semaphore, #tpu.memory_space<semaphore_mem>>
      %dma_start3A = arith.constant 0 : i32
      %dma_start3A_8 = tpu.memref_slice %arg2[%mul3A_2, %dma_start3A] : memref<1280x128xf32, #tpu.memory_space<hbm>> -> memref<40x128xf32, #tpu.memory_space<hbm>>
      %dma_start3A_9 = arith.constant 0 : i32
      %dma_start3A_10 = tpu.memref_slice %arg2[%mul3A_2, %dma_start3A_9] : memref<1280x128xf32, #tpu.memory_space<hbm>> -> memref<40x128xf32, #tpu.memory_space<hbm>>
      tpu.enqueue_dma source(%dma_start3A_10 : memref<40x128xf32, #tpu.memory_space<hbm>>) target(%arg5 : memref<40x128xf32, #tpu.memory_space<vmem>>) target_semaphore(%run_scoped3A : memref<!tpu.dma_semaphore, #tpu.memory_space<semaphore_mem>>)
      %dma_wait3A = arith.constant 0 : i32
      %dma_wait3A_11 = tpu.memref_slice %arg2[%mul3A_2, %dma_wait3A] : memref<1280x128xf32, #tpu.memory_space<hbm>> -> memref<40x128xf32, #tpu.memory_space<hbm>>
      %dma_wait3A_12 = arith.constant 0 : i32
      %dma_wait3A_13 = tpu.memref_slice %arg2[%mul3A_2, %dma_wait3A_12] : memref<1280x128xf32, #tpu.memory_space<hbm>> -> memref<40x128xf32, #tpu.memory_space<hbm>>
      tpu.wait_dma2 semaphore(%run_scoped3A : memref<!tpu.dma_semaphore, #tpu.memory_space<semaphore_mem>>) src(%dma_wait3A_13 : memref<40x128xf32, #tpu.memory_space<hbm>>) dst(%arg5 : memref<40x128xf32, #tpu.memory_space<vmem>>)
      tpu.yield
    }) : () -> ()
    "tpu.region"() ({
      %run_scoped3A = tpu.sem_alloc : memref<!tpu.dma_semaphore, #tpu.memory_space<semaphore_mem>>
      %dma_start3A = arith.constant 0 : i32
      %dma_start3A_8 = tpu.memref_slice %arg3[%mul3A_2, %dma_start3A] : memref<1280x128xi32, #tpu.memory_space<hbm>> -> memref<40x128xi32, #tpu.memory_space<hbm>>
      %dma_start3A_9 = arith.constant 0 : i32
      %dma_start3A_10 = tpu.memref_slice %arg3[%mul3A_2, %dma_start3A_9] : memref<1280x128xi32, #tpu.memory_space<hbm>> -> memref<40x128xi32, #tpu.memory_space<hbm>>
      tpu.enqueue_dma source(%dma_start3A_10 : memref<40x128xi32, #tpu.memory_space<hbm>>) target(%arg6 : memref<40x128xi32, #tpu.memory_space<vmem>>) target_semaphore(%run_scoped3A : memref<!tpu.dma_semaphore, #tpu.memory_space<semaphore_mem>>)
      %dma_wait3A = arith.constant 0 : i32
      %dma_wait3A_11 = tpu.memref_slice %arg3[%mul3A_2, %dma_wait3A] : memref<1280x128xi32, #tpu.memory_space<hbm>> -> memref<40x128xi32, #tpu.memory_space<hbm>>
      %dma_wait3A_12 = arith.constant 0 : i32
      %dma_wait3A_13 = tpu.memref_slice %arg3[%mul3A_2, %dma_wait3A_12] : memref<1280x128xi32, #tpu.memory_space<hbm>> -> memref<40x128xi32, #tpu.memory_space<hbm>>
      tpu.wait_dma2 semaphore(%run_scoped3A : memref<!tpu.dma_semaphore, #tpu.memory_space<semaphore_mem>>) src(%dma_wait3A_13 : memref<40x128xi32, #tpu.memory_space<hbm>>) dst(%arg6 : memref<40x128xi32, #tpu.memory_space<vmem>>)
      tpu.yield
    }) : () -> ()
    %scan3A = arith.constant 0 : i32
    %scan3A_3 = arith.constant 0 : i32
    %scan3A_4 = arith.constant 40 : i32
    %scan3A_5 = arith.addi %scan3A_3, %scan3A_4 : i32
    %scan3A_6 = arith.constant 1 : i32
    scf.for %scan3A_8 = %scan3A_3 to %scan3A_5 step %scan3A_6  : i32 {
      "tpu.region"() ({
        %run_scoped3A = tpu.sem_alloc : memref<!tpu.dma_semaphore, #tpu.memory_space<semaphore_mem>>
        %dma_start3A = arith.constant 0 : i32
        %dma_start3A_9 = tpu.memref_slice %arg5[%scan3A_8, %dma_start3A] : memref<40x128xf32, #tpu.memory_space<vmem>> -> memref<1x128xf32, #tpu.memory_space<vmem>>
        %dma_start3A_10 = tpu.memref_squeeze %dma_start3A_9 : memref<1x128xf32, #tpu.memory_space<vmem>> -> memref<128xf32, #tpu.memory_space<vmem>>
        %dma_start3A_11 = arith.constant 0 : i32
        %dma_start3A_12 = tpu.memref_slice %arg6[%scan3A_8, %dma_start3A_11] : memref<40x128xi32, #tpu.memory_space<vmem>> -> memref<1x128xi32, #tpu.memory_space<vmem>>
        %dma_start3A_13 = tpu.memref_squeeze %dma_start3A_12 : memref<1x128xi32, #tpu.memory_space<vmem>> -> memref<128xi32, #tpu.memory_space<vmem>>
        %dma_start3A_14 = arith.constant 0 : i32
        %dma_start3A_15 = tpu.memref_slice %arg4[%dma_start3A_14] : memref<163840xf32, #tpu.memory_space<hbm>> -> memref<163840xf32, #tpu.memory_space<hbm>>
        tpu.enqueue_indirect_dma source(%dma_start3A_10 : memref<128xf32, #tpu.memory_space<vmem>>) target(%dma_start3A_15 : memref<163840xf32, #tpu.memory_space<hbm>>) offsets(%dma_start3A_13 : memref<128xi32, #tpu.memory_space<vmem>>) semaphore(%run_scoped3A : memref<!tpu.dma_semaphore, #tpu.memory_space<semaphore_mem>>)
        %dma_wait3A = arith.constant 0 : i32
        %dma_wait3A_16 = tpu.memref_slice %arg5[%scan3A_8, %dma_wait3A] : memref<40x128xf32, #tpu.memory_space<vmem>> -> memref<1x128xf32, #tpu.memory_space<vmem>>
        %dma_wait3A_17 = tpu.memref_squeeze %dma_wait3A_16 : memref<1x128xf32, #tpu.memory_space<vmem>> -> memref<128xf32, #tpu.memory_space<vmem>>
        %dma_wait3A_18 = arith.constant 0 : i32
        %dma_wait3A_19 = tpu.memref_slice %arg6[%scan3A_8, %dma_wait3A_18] : memref<40x128xi32, #tpu.memory_space<vmem>> -> memref<1x128xi32, #tpu.memory_space<vmem>>
        %dma_wait3A_20 = tpu.memref_squeeze %dma_wait3A_19 : memref<1x128xi32, #tpu.memory_space<vmem>> -> memref<128xi32, #tpu.memory_space<vmem>>
        %dma_wait3A_21 = arith.constant 0 : i32
        %dma_wait3A_22 = tpu.memref_slice %arg4[%dma_wait3A_21] : memref<163840xf32, #tpu.memory_space<hbm>> -> memref<163840xf32, #tpu.memory_space<hbm>>
        tpu.wait_indirect_dma semaphore(%run_scoped3A : memref<!tpu.dma_semaphore, #tpu.memory_space<semaphore_mem>>) src(%dma_wait3A_17 : memref<128xf32, #tpu.memory_space<vmem>>) dst(%dma_wait3A_22 : memref<163840xf32, #tpu.memory_space<hbm>>)
        tpu.yield
      }) : () -> ()
    }
    %scan3A_7 = arith.constant 40 : i32
    return
  }
}

#map = affine_map<(d0, d1) -> (0, 0)>
#map1 = affine_map<(d0, d1) -> (0)>
module attributes {stable_mosaic.version = 14 : i64} {
  func.func @k(%arg0: i32, %arg1: i32, %arg2: memref<1000x4096xf32, #tpu.memory_space<hbm>>, %arg3: memref<512xi32, #tpu.memory_space<hbm>>, %arg4: memref<512x4096xf32, #tpu.memory_space<hbm>>, %arg5: memref<16xi32, #tpu.memory_space<vmem>>, %arg6: memref<16x4096xf32, #tpu.memory_space<vmem>>, %arg7: memref<!tpu.dma_semaphore, #tpu.memory_space<semaphore_mem>>) attributes {dimension_semantics = [#tpu.dimension_semantics<core_parallel>, #tpu.dimension_semantics<subcore_parallel>], iteration_bounds = array<i64: 2, 16>, scalar_prefetch = 0 : i64, scratch_operands = 3 : i64, tpu.core_type = #tpu.core_type<sc_vector_subcore>, window_params = [{transform_indices = #map}, {transform_indices = #map1}, {transform_indices = #map}]} {
    %mul3A = arith.constant 16 : i32
    %mul3A_0 = arith.muli %arg0, %mul3A : i32
    %add3A = arith.addi %mul3A_0, %arg1 : i32
    %mul3A_1 = arith.constant 16 : i32
    %mul3A_2 = arith.muli %add3A, %mul3A_1 : i32
    "tpu.region"() ({
      %run_scoped3A = tpu.sem_alloc : memref<!tpu.dma_semaphore, #tpu.memory_space<semaphore_mem>>
      %dma_start3A_7 = tpu.memref_slice %arg3[%mul3A_2] : memref<512xi32, #tpu.memory_space<hbm>> -> memref<16xi32, #tpu.memory_space<hbm>>
      %dma_start3A_8 = tpu.memref_slice %arg3[%mul3A_2] : memref<512xi32, #tpu.memory_space<hbm>> -> memref<16xi32, #tpu.memory_space<hbm>>
      tpu.enqueue_dma source(%dma_start3A_8 : memref<16xi32, #tpu.memory_space<hbm>>) target(%arg5 : memref<16xi32, #tpu.memory_space<vmem>>) target_semaphore(%run_scoped3A : memref<!tpu.dma_semaphore, #tpu.memory_space<semaphore_mem>>)
      %dma_wait3A_9 = tpu.memref_slice %arg3[%mul3A_2] : memref<512xi32, #tpu.memory_space<hbm>> -> memref<16xi32, #tpu.memory_space<hbm>>
      %dma_wait3A_10 = tpu.memref_slice %arg3[%mul3A_2] : memref<512xi32, #tpu.memory_space<hbm>> -> memref<16xi32, #tpu.memory_space<hbm>>
      tpu.wait_dma2 semaphore(%run_scoped3A : memref<!tpu.dma_semaphore, #tpu.memory_space<semaphore_mem>>) src(%dma_wait3A_10 : memref<16xi32, #tpu.memory_space<hbm>>) dst(%arg5 : memref<16xi32, #tpu.memory_space<vmem>>)
      tpu.yield
    }) : () -> ()
    %dma_start3A = arith.constant 0 : i32
    %dma_start3A_3 = arith.constant 0 : i32
    %dma_start3A_4 = tpu.memref_slice %arg2[%dma_start3A, %dma_start3A_3] : memref<1000x4096xf32, #tpu.memory_space<hbm>> -> memref<1000x4096xf32, #tpu.memory_space<hbm>>
    tpu.enqueue_indirect_dma source(%dma_start3A_4 : memref<1000x4096xf32, #tpu.memory_space<hbm>>) target(%arg6 : memref<16x4096xf32, #tpu.memory_space<vmem>>) offsets(%arg5 : memref<16xi32, #tpu.memory_space<vmem>>) semaphore(%arg7 : memref<!tpu.dma_semaphore, #tpu.memory_space<semaphore_mem>>)
    %dma_wait3A = arith.constant 0 : i32
    %dma_wait3A_5 = arith.constant 0 : i32
    %dma_wait3A_6 = tpu.memref_slice %arg2[%dma_wait3A, %dma_wait3A_5] : memref<1000x4096xf32, #tpu.memory_space<hbm>> -> memref<1000x4096xf32, #tpu.memory_space<hbm>>
    tpu.wait_indirect_dma semaphore(%arg7 : memref<!tpu.dma_semaphore, #tpu.memory_space<semaphore_mem>>) src(%dma_wait3A_6 : memref<1000x4096xf32, #tpu.memory_space<hbm>>) dst(%arg6 : memref<16x4096xf32, #tpu.memory_space<vmem>>)
    "tpu.region"() ({
      %run_scoped3A = tpu.sem_alloc : memref<!tpu.dma_semaphore, #tpu.memory_space<semaphore_mem>>
      %dma_start3A_7 = arith.constant 0 : i32
      %dma_start3A_8 = tpu.memref_slice %arg4[%mul3A_2, %dma_start3A_7] : memref<512x4096xf32, #tpu.memory_space<hbm>> -> memref<16x4096xf32, #tpu.memory_space<hbm>>
      %dma_start3A_9 = arith.constant 0 : i32
      %dma_start3A_10 = tpu.memref_slice %arg4[%mul3A_2, %dma_start3A_9] : memref<512x4096xf32, #tpu.memory_space<hbm>> -> memref<16x4096xf32, #tpu.memory_space<hbm>>
      tpu.enqueue_dma source(%arg6 : memref<16x4096xf32, #tpu.memory_space<vmem>>) target(%dma_start3A_10 : memref<16x4096xf32, #tpu.memory_space<hbm>>) target_semaphore(%run_scoped3A : memref<!tpu.dma_semaphore, #tpu.memory_space<semaphore_mem>>)
      %dma_wait3A_11 = arith.constant 0 : i32
      %dma_wait3A_12 = tpu.memref_slice %arg4[%mul3A_2, %dma_wait3A_11] : memref<512x4096xf32, #tpu.memory_space<hbm>> -> memref<16x4096xf32, #tpu.memory_space<hbm>>
      %dma_wait3A_13 = arith.constant 0 : i32
      %dma_wait3A_14 = tpu.memref_slice %arg4[%mul3A_2, %dma_wait3A_13] : memref<512x4096xf32, #tpu.memory_space<hbm>> -> memref<16x4096xf32, #tpu.memory_space<hbm>>
      tpu.wait_dma2 semaphore(%run_scoped3A : memref<!tpu.dma_semaphore, #tpu.memory_space<semaphore_mem>>) src(%arg6 : memref<16x4096xf32, #tpu.memory_space<vmem>>) dst(%dma_wait3A_14 : memref<16x4096xf32, #tpu.memory_space<hbm>>)
      tpu.yield
    }) : () -> ()
    return
  }
}

module attributes {stable_mosaic.version = 14 : i64} {
  func.func @_nms_body(%arg0: memref<640x1024xf32, #tpu.memory_space<vmem>>, %arg1: memref<160x1024xf32, #tpu.memory_space<vmem>>, %arg2: memref<160x1024xf32, #tpu.memory_space<vmem>>, %arg3: memref<160x1024xf32, #tpu.memory_space<vmem>>) attributes {dimension_semantics = [], scalar_prefetch = 0 : i64, scratch_operands = 1 : i64, tpu.core_type = #tpu.core_type<tc>} {
    %broadcast_in_dim3A = arith.constant 1.000000e+00 : f32
    %broadcast_in_dim3A_0 = vector.broadcast %broadcast_in_dim3A : f32 to vector<160x1024xf32>
    %swap3A = arith.constant 0 : index
    %swap3A_1 = arith.constant 0 : index
    %swap3A_2 = vector.load %arg3[%swap3A, %swap3A_1] : memref<160x1024xf32, #tpu.memory_space<vmem>>, vector<160x1024xf32>
    tpu.vector_store %arg3[%swap3A, %swap3A_1], %broadcast_in_dim3A_0 {strides = array<i32>} : memref<160x1024xf32, #tpu.memory_space<vmem>>, vector<160x1024xf32>,
    %iota3A = tpu.iota {dimensions = array<i32: 0>} : vector<128x1xi32>
    %iota3A_3 = tpu.iota {dimensions = array<i32: 1>} : vector<160x1024xi32>
    %get3A = arith.constant 0 : index
    %get3A_4 = arith.constant 0 : index
    %get3A_5 = vector.load %arg0[%get3A, %get3A_4] : memref<640x1024xf32, #tpu.memory_space<vmem>>, vector<640x1024xf32>
    %slice3A = vector.extract_strided_slice %get3A_5 {offsets = [0, 0], sizes = [160, 1024], strides = [1, 1]} : vector<640x1024xf32> to vector<160x1024xf32>
    %slice3A_6 = vector.extract_strided_slice %get3A_5 {offsets = [160, 0], sizes = [160, 1024], strides = [1, 1]} : vector<640x1024xf32> to vector<160x1024xf32>
    %slice3A_7 = vector.extract_strided_slice %get3A_5 {offsets = [320, 0], sizes = [160, 1024], strides = [1, 1]} : vector<640x1024xf32> to vector<160x1024xf32>
    %slice3A_8 = vector.extract_strided_slice %get3A_5 {offsets = [480, 0], sizes = [160, 1024], strides = [1, 1]} : vector<640x1024xf32> to vector<160x1024xf32>
    %sub3A = arith.subf %slice3A_7, %slice3A : vector<160x1024xf32>
    %sub3A_9 = arith.subf %slice3A_8, %slice3A_6 : vector<160x1024xf32>
    %mul3A = arith.mulf %sub3A, %sub3A_9 : vector<160x1024xf32>
    %get3A_10 = arith.constant 0 : index
    %get3A_11 = arith.constant 0 : index
    %get3A_12 = vector.load %arg0[%get3A_10, %get3A_11] : memref<640x1024xf32, #tpu.memory_space<vmem>>, vector<640x128xf32>
    %scan3A = arith.constant 0 : i32
    %scan3A_13 = arith.constant 128 : i32
    %scan3A_14 = arith.addi %scan3A, %scan3A_13 : i32
    %scan3A_15 = arith.constant 1 : i32
    scf.for %scan3A_160 = %scan3A to %scan3A_14 step %scan3A_15  : i32 {
      %eq3A = vector.broadcast %scan3A_160 : i32 to vector<128x1xi32>
      %eq3A_161 = arith.cmpi eq, %iota3A, %eq3A : vector<128x1xi32>
      %convert_element_type3A = arith.extui %eq3A_161 : vector<128x1xi1> to vector<128x1xi32>
      %convert_element_type3A_162 = arith.sitofp %convert_element_type3A : vector<128x1xi32> to vector<128x1xf32>
      %dot_general3A = arith.constant dense<0.000000e+00> : vector<640x1xf32>
      %dot_general3A_163 = tpu.matmul %get3A_12, %convert_element_type3A_162, %dot_general3A {dimension_numbers = #tpu.dot_dimension_numbers<[1], [0], [0], [1], [0, 0, 1, 1], [], []>, precision = #tpu.contract_precision<fp32>, transpose_lhs_hint = false} : vector<640x128xf32>, vector<128x1xf32>, vector<640x1xf32> -> vector<640x1xf32>
      %get3A_164 = arith.constant 0 : index
      %get3A_165 = arith.constant 0 : index
      %get3A_166 = vector.load %arg3[%get3A_164, %get3A_165] : memref<160x1024xf32, #tpu.memory_space<vmem>>, vector<160x128xf32>
      %dot_general3A_167 = arith.constant dense<0.000000e+00> : vector<160x1xf32>
      %dot_general3A_168 = tpu.matmul %get3A_166, %convert_element_type3A_162, %dot_general3A_167 {dimension_numbers = #tpu.dot_dimension_numbers<[1], [0], [0], [1], [0, 0, 1, 1], [], []>, precision = #tpu.contract_precision<fp32>, transpose_lhs_hint = false} : vector<160x128xf32>, vector<128x1xf32>, vector<160x1xf32> -> vector<160x1xf32>
      %slice3A_169 = vector.extract_strided_slice %dot_general3A_163 {offsets = [0, 0], sizes = [160, 1], strides = [1, 1]} : vector<640x1xf32> to vector<160x1xf32>
      %slice3A_170 = vector.extract_strided_slice %dot_general3A_163 {offsets = [160, 0], sizes = [160, 1], strides = [1, 1]} : vector<640x1xf32> to vector<160x1xf32>
      %slice3A_171 = vector.extract_strided_slice %dot_general3A_163 {offsets = [320, 0], sizes = [160, 1], strides = [1, 1]} : vector<640x1xf32> to vector<160x1xf32>
      %slice3A_172 = vector.extract_strided_slice %dot_general3A_163 {offsets = [480, 0], sizes = [160, 1], strides = [1, 1]} : vector<640x1xf32> to vector<160x1xf32>
      %sub3A_173 = arith.subf %slice3A_171, %slice3A_169 : vector<160x1xf32>
      %sub3A_174 = arith.subf %slice3A_172, %slice3A_170 : vector<160x1xf32>
      %mul3A_175 = arith.mulf %sub3A_173, %sub3A_174 : vector<160x1xf32>
      %max3A = vector.broadcast %slice3A_169 : vector<160x1xf32> to vector<160x1024xf32>
      %max3A_176 = arith.maximumf %max3A, %slice3A : vector<160x1024xf32>
      %max3A_177 = vector.broadcast %slice3A_170 : vector<160x1xf32> to vector<160x1024xf32>
      %max3A_178 = arith.maximumf %max3A_177, %slice3A_6 : vector<160x1024xf32>
      %min3A = vector.broadcast %slice3A_171 : vector<160x1xf32> to vector<160x1024xf32>
      %min3A_179 = arith.minimumf %min3A, %slice3A_7 : vector<160x1024xf32>
      %min3A_180 = vector.broadcast %slice3A_172 : vector<160x1xf32> to vector<160x1024xf32>
      %min3A_181 = arith.minimumf %min3A_180, %slice3A_8 : vector<160x1024xf32>
      %sub3A_182 = arith.subf %min3A_179, %max3A_176 : vector<160x1024xf32>
      %max3A_183 = arith.constant 0.000000e+00 : f32
      %max3A_184 = vector.broadcast %max3A_183 : f32 to vector<160x1024xf32>
      %max3A_185 = arith.maximumf %sub3A_182, %max3A_184 : vector<160x1024xf32>
      %sub3A_186 = arith.subf %min3A_181, %max3A_178 : vector<160x1024xf32>
      %max3A_187 = arith.constant 0.000000e+00 : f32
      %max3A_188 = vector.broadcast %max3A_187 : f32 to vector<160x1024xf32>
      %max3A_189 = arith.maximumf %sub3A_186, %max3A_188 : vector<160x1024xf32>
      %mul3A_190 = arith.mulf %max3A_185, %max3A_189 : vector<160x1024xf32>
      %add3A = vector.broadcast %mul3A_175 : vector<160x1xf32> to vector<160x1024xf32>
      %add3A_191 = arith.addf %add3A, %mul3A : vector<160x1024xf32>
      %sub3A_192 = arith.subf %add3A_191, %mul3A_190 : vector<160x1024xf32>
      %add3A_193 = arith.constant 9.99999993E-9 : f32
      %add3A_194 = vector.broadcast %add3A_193 : f32 to vector<160x1024xf32>
      %add3A_195 = arith.addf %sub3A_192, %add3A_194 : vector<160x1024xf32>
      %div3A = arith.divf %mul3A_190, %add3A_195 : vector<160x1024xf32>
      %gt3A = arith.constant 3.000000e-01 : f32
      %gt3A_196 = vector.broadcast %gt3A : f32 to vector<160x1024xf32>
      %gt3A_197 = arith.cmpf ogt, %div3A, %gt3A_196 : vector<160x1024xf32>
      %gt3A_198 = vector.broadcast %scan3A_160 : i32 to vector<160x1024xi32>
      %gt3A_199 = arith.cmpi sgt, %iota3A_3, %gt3A_198 : vector<160x1024xi32>
      %and3A = arith.andi %gt3A_197, %gt3A_199 : vector<160x1024xi1>
      %convert_element_type3A_200 = arith.extui %and3A : vector<160x1024xi1> to vector<160x1024xi32>
      %convert_element_type3A_201 = arith.sitofp %convert_element_type3A_200 : vector<160x1024xi32> to vector<160x1024xf32>
      %mul3A_202 = vector.broadcast %dot_general3A_168 : vector<160x1xf32> to vector<160x1024xf32>
      %mul3A_203 = arith.mulf %convert_element_type3A_201, %mul3A_202 : vector<160x1024xf32>
      %get3A_204 = arith.constant 0 : index
      %get3A_205 = arith.constant 0 : index
      %get3A_206 = vector.load %arg3[%get3A_204, %get3A_205] : memref<160x1024xf32, #tpu.memory_space<vmem>>, vector<160x1024xf32>
      %sub3A_207 = arith.constant 1.000000e+00 : f32
      %sub3A_208 = vector.broadcast %sub3A_207 : f32 to vector<160x1024xf32>
      %sub3A_209 = arith.subf %sub3A_208, %mul3A_203 : vector<160x1024xf32>
      %mul3A_210 = arith.mulf %get3A_206, %sub3A_209 : vector<160x1024xf32>
      %swap3A_211 = arith.constant 0 : index
      %swap3A_212 = arith.constant 0 : index
      %swap3A_213 = vector.load %arg3[%swap3A_211, %swap3A_212] : memref<160x1024xf32, #tpu.memory_space<vmem>>, vector<160x1024xf32>
      tpu.vector_store %arg3[%swap3A_211, %swap3A_212], %mul3A_210 {strides = array<i32>} : memref<160x1024xf32, #tpu.memory_space<vmem>>, vector<160x1024xf32>,
    }
    %scan3A_16 = arith.constant 128 : i32
    %iota3A_17 = tpu.iota {dimensions = array<i32: 1>} : vector<160x896xi32>
    %get3A_18 = arith.constant 0 : index
    %get3A_19 = arith.constant 128 : index
    %get3A_20 = vector.load %arg0[%get3A_18, %get3A_19] : memref<640x1024xf32, #tpu.memory_space<vmem>>, vector<640x896xf32>
    %slice3A_21 = vector.extract_strided_slice %get3A_20 {offsets = [0, 0], sizes = [160, 896], strides = [1, 1]} : vector<640x896xf32> to vector<160x896xf32>
    %slice3A_22 = vector.extract_strided_slice %get3A_20 {offsets = [160, 0], sizes = [160, 896], strides = [1, 1]} : vector<640x896xf32> to vector<160x896xf32>
    %slice3A_23 = vector.extract_strided_slice %get3A_20 {offsets = [320, 0], sizes = [160, 896], strides = [1, 1]} : vector<640x896xf32> to vector<160x896xf32>
    %slice3A_24 = vector.extract_strided_slice %get3A_20 {offsets = [480, 0], sizes = [160, 896], strides = [1, 1]} : vector<640x896xf32> to vector<160x896xf32>
    %sub3A_25 = arith.subf %slice3A_23, %slice3A_21 : vector<160x896xf32>
    %sub3A_26 = arith.subf %slice3A_24, %slice3A_22 : vector<160x896xf32>
    %mul3A_27 = arith.mulf %sub3A_25, %sub3A_26 : vector<160x896xf32>
    %get3A_28 = arith.constant 0 : index
    %get3A_29 = arith.constant 128 : index
    %get3A_30 = vector.load %arg0[%get3A_28, %get3A_29] : memref<640x1024xf32, #tpu.memory_space<vmem>>, vector<640x128xf32>
    %scan3A_31 = arith.constant 0 : i32
    %scan3A_32 = arith.constant 128 : i32
    %scan3A_33 = arith.addi %scan3A_31, %scan3A_32 : i32
    %scan3A_34 = arith.constant 1 : i32
    scf.for %scan3A_160 = %scan3A_31 to %scan3A_33 step %scan3A_34  : i32 {
      %eq3A = vector.broadcast %scan3A_160 : i32 to vector<128x1xi32>
      %eq3A_161 = arith.cmpi eq, %iota3A, %eq3A : vector<128x1xi32>
      %convert_element_type3A = arith.extui %eq3A_161 : vector<128x1xi1> to vector<128x1xi32>
      %convert_element_type3A_162 = arith.sitofp %convert_element_type3A : vector<128x1xi32> to vector<128x1xf32>
      %dot_general3A = arith.constant dense<0.000000e+00> : vector<640x1xf32>
      %dot_general3A_163 = tpu.matmul %get3A_30, %convert_element_type3A_162, %dot_general3A {dimension_numbers = #tpu.dot_dimension_numbers<[1], [0], [0], [1], [0, 0, 1, 1], [], []>, precision = #tpu.contract_precision<fp32>, transpose_lhs_hint = false} : vector<640x128xf32>, vector<128x1xf32>, vector<640x1xf32> -> vector<640x1xf32>
      %get3A_164 = arith.constant 0 : index
      %get3A_165 = arith.constant 128 : index
      %get3A_166 = vector.load %arg3[%get3A_164, %get3A_165] : memref<160x1024xf32, #tpu.memory_space<vmem>>, vector<160x128xf32>
      %dot_general3A_167 = arith.constant dense<0.000000e+00> : vector<160x1xf32>
      %dot_general3A_168 = tpu.matmul %get3A_166, %convert_element_type3A_162, %dot_general3A_167 {dimension_numbers = #tpu.dot_dimension_numbers<[1], [0], [0], [1], [0, 0, 1, 1], [], []>, precision = #tpu.contract_precision<fp32>, transpose_lhs_hint = false} : vector<160x128xf32>, vector<128x1xf32>, vector<160x1xf32> -> vector<160x1xf32>
      %slice3A_169 = vector.extract_strided_slice %dot_general3A_163 {offsets = [0, 0], sizes = [160, 1], strides = [1, 1]} : vector<640x1xf32> to vector<160x1xf32>
      %slice3A_170 = vector.extract_strided_slice %dot_general3A_163 {offsets = [160, 0], sizes = [160, 1], strides = [1, 1]} : vector<640x1xf32> to vector<160x1xf32>
      %slice3A_171 = vector.extract_strided_slice %dot_general3A_163 {offsets = [320, 0], sizes = [160, 1], strides = [1, 1]} : vector<640x1xf32> to vector<160x1xf32>
      %slice3A_172 = vector.extract_strided_slice %dot_general3A_163 {offsets = [480, 0], sizes = [160, 1], strides = [1, 1]} : vector<640x1xf32> to vector<160x1xf32>
      %sub3A_173 = arith.subf %slice3A_171, %slice3A_169 : vector<160x1xf32>
      %sub3A_174 = arith.subf %slice3A_172, %slice3A_170 : vector<160x1xf32>
      %mul3A_175 = arith.mulf %sub3A_173, %sub3A_174 : vector<160x1xf32>
      %max3A = vector.broadcast %slice3A_169 : vector<160x1xf32> to vector<160x896xf32>
      %max3A_176 = arith.maximumf %max3A, %slice3A_21 : vector<160x896xf32>
      %max3A_177 = vector.broadcast %slice3A_170 : vector<160x1xf32> to vector<160x896xf32>
      %max3A_178 = arith.maximumf %max3A_177, %slice3A_22 : vector<160x896xf32>
      %min3A = vector.broadcast %slice3A_171 : vector<160x1xf32> to vector<160x896xf32>
      %min3A_179 = arith.minimumf %min3A, %slice3A_23 : vector<160x896xf32>
      %min3A_180 = vector.broadcast %slice3A_172 : vector<160x1xf32> to vector<160x896xf32>
      %min3A_181 = arith.minimumf %min3A_180, %slice3A_24 : vector<160x896xf32>
      %sub3A_182 = arith.subf %min3A_179, %max3A_176 : vector<160x896xf32>
      %max3A_183 = arith.constant 0.000000e+00 : f32
      %max3A_184 = vector.broadcast %max3A_183 : f32 to vector<160x896xf32>
      %max3A_185 = arith.maximumf %sub3A_182, %max3A_184 : vector<160x896xf32>
      %sub3A_186 = arith.subf %min3A_181, %max3A_178 : vector<160x896xf32>
      %max3A_187 = arith.constant 0.000000e+00 : f32
      %max3A_188 = vector.broadcast %max3A_187 : f32 to vector<160x896xf32>
      %max3A_189 = arith.maximumf %sub3A_186, %max3A_188 : vector<160x896xf32>
      %mul3A_190 = arith.mulf %max3A_185, %max3A_189 : vector<160x896xf32>
      %add3A = vector.broadcast %mul3A_175 : vector<160x1xf32> to vector<160x896xf32>
      %add3A_191 = arith.addf %add3A, %mul3A_27 : vector<160x896xf32>
      %sub3A_192 = arith.subf %add3A_191, %mul3A_190 : vector<160x896xf32>
      %add3A_193 = arith.constant 9.99999993E-9 : f32
      %add3A_194 = vector.broadcast %add3A_193 : f32 to vector<160x896xf32>
      %add3A_195 = arith.addf %sub3A_192, %add3A_194 : vector<160x896xf32>
      %div3A = arith.divf %mul3A_190, %add3A_195 : vector<160x896xf32>
      %gt3A = arith.constant 3.000000e-01 : f32
      %gt3A_196 = vector.broadcast %gt3A : f32 to vector<160x896xf32>
      %gt3A_197 = arith.cmpf ogt, %div3A, %gt3A_196 : vector<160x896xf32>
      %gt3A_198 = vector.broadcast %scan3A_160 : i32 to vector<160x896xi32>
      %gt3A_199 = arith.cmpi sgt, %iota3A_17, %gt3A_198 : vector<160x896xi32>
      %and3A = arith.andi %gt3A_197, %gt3A_199 : vector<160x896xi1>
      %convert_element_type3A_200 = arith.extui %and3A : vector<160x896xi1> to vector<160x896xi32>
      %convert_element_type3A_201 = arith.sitofp %convert_element_type3A_200 : vector<160x896xi32> to vector<160x896xf32>
      %mul3A_202 = vector.broadcast %dot_general3A_168 : vector<160x1xf32> to vector<160x896xf32>
      %mul3A_203 = arith.mulf %convert_element_type3A_201, %mul3A_202 : vector<160x896xf32>
      %get3A_204 = arith.constant 0 : index
      %get3A_205 = arith.constant 128 : index
      %get3A_206 = vector.load %arg3[%get3A_204, %get3A_205] : memref<160x1024xf32, #tpu.memory_space<vmem>>, vector<160x896xf32>
      %sub3A_207 = arith.constant 1.000000e+00 : f32
      %sub3A_208 = vector.broadcast %sub3A_207 : f32 to vector<160x896xf32>
      %sub3A_209 = arith.subf %sub3A_208, %mul3A_203 : vector<160x896xf32>
      %mul3A_210 = arith.mulf %get3A_206, %sub3A_209 : vector<160x896xf32>
      %swap3A_211 = arith.constant 0 : index
      %swap3A_212 = arith.constant 128 : index
      %swap3A_213 = vector.load %arg3[%swap3A_211, %swap3A_212] : memref<160x1024xf32, #tpu.memory_space<vmem>>, vector<160x896xf32>
      tpu.vector_store %arg3[%swap3A_211, %swap3A_212], %mul3A_210 {strides = array<i32>} : memref<160x1024xf32, #tpu.memory_space<vmem>>, vector<160x896xf32>,
    }
    %scan3A_35 = arith.constant 128 : i32
    %iota3A_36 = tpu.iota {dimensions = array<i32: 1>} : vector<160x768xi32>
    %get3A_37 = arith.constant 0 : index
    %get3A_38 = arith.constant 256 : index
    %get3A_39 = vector.load %arg0[%get3A_37, %get3A_38] : memref<640x1024xf32, #tpu.memory_space<vmem>>, vector<640x768xf32>
    %slice3A_40 = vector.extract_strided_slice %get3A_39 {offsets = [0, 0], sizes = [160, 768], strides = [1, 1]} : vector<640x768xf32> to vector<160x768xf32>
    %slice3A_41 = vector.extract_strided_slice %get3A_39 {offsets = [160, 0], sizes = [160, 768], strides = [1, 1]} : vector<640x768xf32> to vector<160x768xf32>
    %slice3A_42 = vector.extract_strided_slice %get3A_39 {offsets = [320, 0], sizes = [160, 768], strides = [1, 1]} : vector<640x768xf32> to vector<160x768xf32>
    %slice3A_43 = vector.extract_strided_slice %get3A_39 {offsets = [480, 0], sizes = [160, 768], strides = [1, 1]} : vector<640x768xf32> to vector<160x768xf32>
    %sub3A_44 = arith.subf %slice3A_42, %slice3A_40 : vector<160x768xf32>
    %sub3A_45 = arith.subf %slice3A_43, %slice3A_41 : vector<160x768xf32>
    %mul3A_46 = arith.mulf %sub3A_44, %sub3A_45 : vector<160x768xf32>
    %get3A_47 = arith.constant 0 : index
    %get3A_48 = arith.constant 256 : index
    %get3A_49 = vector.load %arg0[%get3A_47, %get3A_48] : memref<640x1024xf32, #tpu.memory_space<vmem>>, vector<640x128xf32>
    %scan3A_50 = arith.constant 0 : i32
    %scan3A_51 = arith.constant 128 : i32
    %scan3A_52 = arith.addi %scan3A_50, %scan3A_51 : i32
    %scan3A_53 = arith.constant 1 : i32
    scf.for %scan3A_160 = %scan3A_50 to %scan3A_52 step %scan3A_53  : i32 {
      %eq3A = vector.broadcast %scan3A_160 : i32 to vector<128x1xi32>
      %eq3A_161 = arith.cmpi eq, %iota3A, %eq3A : vector<128x1xi32>
      %convert_element_type3A = arith.extui %eq3A_161 : vector<128x1xi1> to vector<128x1xi32>
      %convert_element_type3A_162 = arith.sitofp %convert_element_type3A : vector<128x1xi32> to vector<128x1xf32>
      %dot_general3A = arith.constant dense<0.000000e+00> : vector<640x1xf32>
      %dot_general3A_163 = tpu.matmul %get3A_49, %convert_element_type3A_162, %dot_general3A {dimension_numbers = #tpu.dot_dimension_numbers<[1], [0], [0], [1], [0, 0, 1, 1], [], []>, precision = #tpu.contract_precision<fp32>, transpose_lhs_hint = false} : vector<640x128xf32>, vector<128x1xf32>, vector<640x1xf32> -> vector<640x1xf32>
      %get3A_164 = arith.constant 0 : index
      %get3A_165 = arith.constant 256 : index
      %get3A_166 = vector.load %arg3[%get3A_164, %get3A_165] : memref<160x1024xf32, #tpu.memory_space<vmem>>, vector<160x128xf32>
      %dot_general3A_167 = arith.constant dense<0.000000e+00> : vector<160x1xf32>
      %dot_general3A_168 = tpu.matmul %get3A_166, %convert_element_type3A_162, %dot_general3A_167 {dimension_numbers = #tpu.dot_dimension_numbers<[1], [0], [0], [1], [0, 0, 1, 1], [], []>, precision = #tpu.contract_precision<fp32>, transpose_lhs_hint = false} : vector<160x128xf32>, vector<128x1xf32>, vector<160x1xf32> -> vector<160x1xf32>
      %slice3A_169 = vector.extract_strided_slice %dot_general3A_163 {offsets = [0, 0], sizes = [160, 1], strides = [1, 1]} : vector<640x1xf32> to vector<160x1xf32>
      %slice3A_170 = vector.extract_strided_slice %dot_general3A_163 {offsets = [160, 0], sizes = [160, 1], strides = [1, 1]} : vector<640x1xf32> to vector<160x1xf32>
      %slice3A_171 = vector.extract_strided_slice %dot_general3A_163 {offsets = [320, 0], sizes = [160, 1], strides = [1, 1]} : vector<640x1xf32> to vector<160x1xf32>
      %slice3A_172 = vector.extract_strided_slice %dot_general3A_163 {offsets = [480, 0], sizes = [160, 1], strides = [1, 1]} : vector<640x1xf32> to vector<160x1xf32>
      %sub3A_173 = arith.subf %slice3A_171, %slice3A_169 : vector<160x1xf32>
      %sub3A_174 = arith.subf %slice3A_172, %slice3A_170 : vector<160x1xf32>
      %mul3A_175 = arith.mulf %sub3A_173, %sub3A_174 : vector<160x1xf32>
      %max3A = vector.broadcast %slice3A_169 : vector<160x1xf32> to vector<160x768xf32>
      %max3A_176 = arith.maximumf %max3A, %slice3A_40 : vector<160x768xf32>
      %max3A_177 = vector.broadcast %slice3A_170 : vector<160x1xf32> to vector<160x768xf32>
      %max3A_178 = arith.maximumf %max3A_177, %slice3A_41 : vector<160x768xf32>
      %min3A = vector.broadcast %slice3A_171 : vector<160x1xf32> to vector<160x768xf32>
      %min3A_179 = arith.minimumf %min3A, %slice3A_42 : vector<160x768xf32>
      %min3A_180 = vector.broadcast %slice3A_172 : vector<160x1xf32> to vector<160x768xf32>
      %min3A_181 = arith.minimumf %min3A_180, %slice3A_43 : vector<160x768xf32>
      %sub3A_182 = arith.subf %min3A_179, %max3A_176 : vector<160x768xf32>
      %max3A_183 = arith.constant 0.000000e+00 : f32
      %max3A_184 = vector.broadcast %max3A_183 : f32 to vector<160x768xf32>
      %max3A_185 = arith.maximumf %sub3A_182, %max3A_184 : vector<160x768xf32>
      %sub3A_186 = arith.subf %min3A_181, %max3A_178 : vector<160x768xf32>
      %max3A_187 = arith.constant 0.000000e+00 : f32
      %max3A_188 = vector.broadcast %max3A_187 : f32 to vector<160x768xf32>
      %max3A_189 = arith.maximumf %sub3A_186, %max3A_188 : vector<160x768xf32>
      %mul3A_190 = arith.mulf %max3A_185, %max3A_189 : vector<160x768xf32>
      %add3A = vector.broadcast %mul3A_175 : vector<160x1xf32> to vector<160x768xf32>
      %add3A_191 = arith.addf %add3A, %mul3A_46 : vector<160x768xf32>
      %sub3A_192 = arith.subf %add3A_191, %mul3A_190 : vector<160x768xf32>
      %add3A_193 = arith.constant 9.99999993E-9 : f32
      %add3A_194 = vector.broadcast %add3A_193 : f32 to vector<160x768xf32>
      %add3A_195 = arith.addf %sub3A_192, %add3A_194 : vector<160x768xf32>
      %div3A = arith.divf %mul3A_190, %add3A_195 : vector<160x768xf32>
      %gt3A = arith.constant 3.000000e-01 : f32
      %gt3A_196 = vector.broadcast %gt3A : f32 to vector<160x768xf32>
      %gt3A_197 = arith.cmpf ogt, %div3A, %gt3A_196 : vector<160x768xf32>
      %gt3A_198 = vector.broadcast %scan3A_160 : i32 to vector<160x768xi32>
      %gt3A_199 = arith.cmpi sgt, %iota3A_36, %gt3A_198 : vector<160x768xi32>
      %and3A = arith.andi %gt3A_197, %gt3A_199 : vector<160x768xi1>
      %convert_element_type3A_200 = arith.extui %and3A : vector<160x768xi1> to vector<160x768xi32>
      %convert_element_type3A_201 = arith.sitofp %convert_element_type3A_200 : vector<160x768xi32> to vector<160x768xf32>
      %mul3A_202 = vector.broadcast %dot_general3A_168 : vector<160x1xf32> to vector<160x768xf32>
      %mul3A_203 = arith.mulf %convert_element_type3A_201, %mul3A_202 : vector<160x768xf32>
      %get3A_204 = arith.constant 0 : index
      %get3A_205 = arith.constant 256 : index
      %get3A_206 = vector.load %arg3[%get3A_204, %get3A_205] : memref<160x1024xf32, #tpu.memory_space<vmem>>, vector<160x768xf32>
      %sub3A_207 = arith.constant 1.000000e+00 : f32
      %sub3A_208 = vector.broadcast %sub3A_207 : f32 to vector<160x768xf32>
      %sub3A_209 = arith.subf %sub3A_208, %mul3A_203 : vector<160x768xf32>
      %mul3A_210 = arith.mulf %get3A_206, %sub3A_209 : vector<160x768xf32>
      %swap3A_211 = arith.constant 0 : index
      %swap3A_212 = arith.constant 256 : index
      %swap3A_213 = vector.load %arg3[%swap3A_211, %swap3A_212] : memref<160x1024xf32, #tpu.memory_space<vmem>>, vector<160x768xf32>
      tpu.vector_store %arg3[%swap3A_211, %swap3A_212], %mul3A_210 {strides = array<i32>} : memref<160x1024xf32, #tpu.memory_space<vmem>>, vector<160x768xf32>,
    }
    %scan3A_54 = arith.constant 128 : i32
    %iota3A_55 = tpu.iota {dimensions = array<i32: 1>} : vector<160x640xi32>
    %get3A_56 = arith.constant 0 : index
    %get3A_57 = arith.constant 384 : index
    %get3A_58 = vector.load %arg0[%get3A_56, %get3A_57] : memref<640x1024xf32, #tpu.memory_space<vmem>>, vector<640x640xf32>
    %slice3A_59 = vector.extract_strided_slice %get3A_58 {offsets = [0, 0], sizes = [160, 640], strides = [1, 1]} : vector<640x640xf32> to vector<160x640xf32>
    %slice3A_60 = vector.extract_strided_slice %get3A_58 {offsets = [160, 0], sizes = [160, 640], strides = [1, 1]} : vector<640x640xf32> to vector<160x640xf32>
    %slice3A_61 = vector.extract_strided_slice %get3A_58 {offsets = [320, 0], sizes = [160, 640], strides = [1, 1]} : vector<640x640xf32> to vector<160x640xf32>
    %slice3A_62 = vector.extract_strided_slice %get3A_58 {offsets = [480, 0], sizes = [160, 640], strides = [1, 1]} : vector<640x640xf32> to vector<160x640xf32>
    %sub3A_63 = arith.subf %slice3A_61, %slice3A_59 : vector<160x640xf32>
    %sub3A_64 = arith.subf %slice3A_62, %slice3A_60 : vector<160x640xf32>
    %mul3A_65 = arith.mulf %sub3A_63, %sub3A_64 : vector<160x640xf32>
    %get3A_66 = arith.constant 0 : index
    %get3A_67 = arith.constant 384 : index
    %get3A_68 = vector.load %arg0[%get3A_66, %get3A_67] : memref<640x1024xf32, #tpu.memory_space<vmem>>, vector<640x128xf32>
    %scan3A_69 = arith.constant 0 : i32
    %scan3A_70 = arith.constant 128 : i32
    %scan3A_71 = arith.addi %scan3A_69, %scan3A_70 : i32
    %scan3A_72 = arith.constant 1 : i32
    scf.for %scan3A_160 = %scan3A_69 to %scan3A_71 step %scan3A_72  : i32 {
      %eq3A = vector.broadcast %scan3A_160 : i32 to vector<128x1xi32>
      %eq3A_161 = arith.cmpi eq, %iota3A, %eq3A : vector<128x1xi32>
      %convert_element_type3A = arith.extui %eq3A_161 : vector<128x1xi1> to vector<128x1xi32>
      %convert_element_type3A_162 = arith.sitofp %convert_element_type3A : vector<128x1xi32> to vector<128x1xf32>
      %dot_general3A = arith.constant dense<0.000000e+00> : vector<640x1xf32>
      %dot_general3A_163 = tpu.matmul %get3A_68, %convert_element_type3A_162, %dot_general3A {dimension_numbers = #tpu.dot_dimension_numbers<[1], [0], [0], [1], [0, 0, 1, 1], [], []>, precision = #tpu.contract_precision<fp32>, transpose_lhs_hint = false} : vector<640x128xf32>, vector<128x1xf32>, vector<640x1xf32> -> vector<640x1xf32>
      %get3A_164 = arith.constant 0 : index
      %get3A_165 = arith.constant 384 : index
      %get3A_166 = vector.load %arg3[%get3A_164, %get3A_165] : memref<160x1024xf32, #tpu.memory_space<vmem>>, vector<160x128xf32>
      %dot_general3A_167 = arith.constant dense<0.000000e+00> : vector<160x1xf32>
      %dot_general3A_168 = tpu.matmul %get3A_166, %convert_element_type3A_162, %dot_general3A_167 {dimension_numbers = #tpu.dot_dimension_numbers<[1], [0], [0], [1], [0, 0, 1, 1], [], []>, precision = #tpu.contract_precision<fp32>, transpose_lhs_hint = false} : vector<160x128xf32>, vector<128x1xf32>, vector<160x1xf32> -> vector<160x1xf32>
      %slice3A_169 = vector.extract_strided_slice %dot_general3A_163 {offsets = [0, 0], sizes = [160, 1], strides = [1, 1]} : vector<640x1xf32> to vector<160x1xf32>
      %slice3A_170 = vector.extract_strided_slice %dot_general3A_163 {offsets = [160, 0], sizes = [160, 1], strides = [1, 1]} : vector<640x1xf32> to vector<160x1xf32>
      %slice3A_171 = vector.extract_strided_slice %dot_general3A_163 {offsets = [320, 0], sizes = [160, 1], strides = [1, 1]} : vector<640x1xf32> to vector<160x1xf32>
      %slice3A_172 = vector.extract_strided_slice %dot_general3A_163 {offsets = [480, 0], sizes = [160, 1], strides = [1, 1]} : vector<640x1xf32> to vector<160x1xf32>
      %sub3A_173 = arith.subf %slice3A_171, %slice3A_169 : vector<160x1xf32>
      %sub3A_174 = arith.subf %slice3A_172, %slice3A_170 : vector<160x1xf32>
      %mul3A_175 = arith.mulf %sub3A_173, %sub3A_174 : vector<160x1xf32>
      %max3A = vector.broadcast %slice3A_169 : vector<160x1xf32> to vector<160x640xf32>
      %max3A_176 = arith.maximumf %max3A, %slice3A_59 : vector<160x640xf32>
      %max3A_177 = vector.broadcast %slice3A_170 : vector<160x1xf32> to vector<160x640xf32>
      %max3A_178 = arith.maximumf %max3A_177, %slice3A_60 : vector<160x640xf32>
      %min3A = vector.broadcast %slice3A_171 : vector<160x1xf32> to vector<160x640xf32>
      %min3A_179 = arith.minimumf %min3A, %slice3A_61 : vector<160x640xf32>
      %min3A_180 = vector.broadcast %slice3A_172 : vector<160x1xf32> to vector<160x640xf32>
      %min3A_181 = arith.minimumf %min3A_180, %slice3A_62 : vector<160x640xf32>
      %sub3A_182 = arith.subf %min3A_179, %max3A_176 : vector<160x640xf32>
      %max3A_183 = arith.constant 0.000000e+00 : f32
      %max3A_184 = vector.broadcast %max3A_183 : f32 to vector<160x640xf32>
      %max3A_185 = arith.maximumf %sub3A_182, %max3A_184 : vector<160x640xf32>
      %sub3A_186 = arith.subf %min3A_181, %max3A_178 : vector<160x640xf32>
      %max3A_187 = arith.constant 0.000000e+00 : f32
      %max3A_188 = vector.broadcast %max3A_187 : f32 to vector<160x640xf32>
      %max3A_189 = arith.maximumf %sub3A_186, %max3A_188 : vector<160x640xf32>
      %mul3A_190 = arith.mulf %max3A_185, %max3A_189 : vector<160x640xf32>
      %add3A = vector.broadcast %mul3A_175 : vector<160x1xf32> to vector<160x640xf32>
      %add3A_191 = arith.addf %add3A, %mul3A_65 : vector<160x640xf32>
      %sub3A_192 = arith.subf %add3A_191, %mul3A_190 : vector<160x640xf32>
      %add3A_193 = arith.constant 9.99999993E-9 : f32
      %add3A_194 = vector.broadcast %add3A_193 : f32 to vector<160x640xf32>
      %add3A_195 = arith.addf %sub3A_192, %add3A_194 : vector<160x640xf32>
      %div3A = arith.divf %mul3A_190, %add3A_195 : vector<160x640xf32>
      %gt3A = arith.constant 3.000000e-01 : f32
      %gt3A_196 = vector.broadcast %gt3A : f32 to vector<160x640xf32>
      %gt3A_197 = arith.cmpf ogt, %div3A, %gt3A_196 : vector<160x640xf32>
      %gt3A_198 = vector.broadcast %scan3A_160 : i32 to vector<160x640xi32>
      %gt3A_199 = arith.cmpi sgt, %iota3A_55, %gt3A_198 : vector<160x640xi32>
      %and3A = arith.andi %gt3A_197, %gt3A_199 : vector<160x640xi1>
      %convert_element_type3A_200 = arith.extui %and3A : vector<160x640xi1> to vector<160x640xi32>
      %convert_element_type3A_201 = arith.sitofp %convert_element_type3A_200 : vector<160x640xi32> to vector<160x640xf32>
      %mul3A_202 = vector.broadcast %dot_general3A_168 : vector<160x1xf32> to vector<160x640xf32>
      %mul3A_203 = arith.mulf %convert_element_type3A_201, %mul3A_202 : vector<160x640xf32>
      %get3A_204 = arith.constant 0 : index
      %get3A_205 = arith.constant 384 : index
      %get3A_206 = vector.load %arg3[%get3A_204, %get3A_205] : memref<160x1024xf32, #tpu.memory_space<vmem>>, vector<160x640xf32>
      %sub3A_207 = arith.constant 1.000000e+00 : f32
      %sub3A_208 = vector.broadcast %sub3A_207 : f32 to vector<160x640xf32>
      %sub3A_209 = arith.subf %sub3A_208, %mul3A_203 : vector<160x640xf32>
      %mul3A_210 = arith.mulf %get3A_206, %sub3A_209 : vector<160x640xf32>
      %swap3A_211 = arith.constant 0 : index
      %swap3A_212 = arith.constant 384 : index
      %swap3A_213 = vector.load %arg3[%swap3A_211, %swap3A_212] : memref<160x1024xf32, #tpu.memory_space<vmem>>, vector<160x640xf32>
      tpu.vector_store %arg3[%swap3A_211, %swap3A_212], %mul3A_210 {strides = array<i32>} : memref<160x1024xf32, #tpu.memory_space<vmem>>, vector<160x640xf32>,
    }
    %scan3A_73 = arith.constant 128 : i32
    %iota3A_74 = tpu.iota {dimensions = array<i32: 1>} : vector<160x512xi32>
    %get3A_75 = arith.constant 0 : index
    %get3A_76 = arith.constant 512 : index
    %get3A_77 = vector.load %arg0[%get3A_75, %get3A_76] : memref<640x1024xf32, #tpu.memory_space<vmem>>, vector<640x512xf32>
    %slice3A_78 = vector.extract_strided_slice %get3A_77 {offsets = [0, 0], sizes = [160, 512], strides = [1, 1]} : vector<640x512xf32> to vector<160x512xf32>
    %slice3A_79 = vector.extract_strided_slice %get3A_77 {offsets = [160, 0], sizes = [160, 512], strides = [1, 1]} : vector<640x512xf32> to vector<160x512xf32>
    %slice3A_80 = vector.extract_strided_slice %get3A_77 {offsets = [320, 0], sizes = [160, 512], strides = [1, 1]} : vector<640x512xf32> to vector<160x512xf32>
    %slice3A_81 = vector.extract_strided_slice %get3A_77 {offsets = [480, 0], sizes = [160, 512], strides = [1, 1]} : vector<640x512xf32> to vector<160x512xf32>
    %sub3A_82 = arith.subf %slice3A_80, %slice3A_78 : vector<160x512xf32>
    %sub3A_83 = arith.subf %slice3A_81, %slice3A_79 : vector<160x512xf32>
    %mul3A_84 = arith.mulf %sub3A_82, %sub3A_83 : vector<160x512xf32>
    %get3A_85 = arith.constant 0 : index
    %get3A_86 = arith.constant 512 : index
    %get3A_87 = vector.load %arg0[%get3A_85, %get3A_86] : memref<640x1024xf32, #tpu.memory_space<vmem>>, vector<640x128xf32>
    %scan3A_88 = arith.constant 0 : i32
    %scan3A_89 = arith.constant 128 : i32
    %scan3A_90 = arith.addi %scan3A_88, %scan3A_89 : i32
    %scan3A_91 = arith.constant 1 : i32
    scf.for %scan3A_160 = %scan3A_88 to %scan3A_90 step %scan3A_91  : i32 {
      %eq3A = vector.broadcast %scan3A_160 : i32 to vector<128x1xi32>
      %eq3A_161 = arith.cmpi eq, %iota3A, %eq3A : vector<128x1xi32>
      %convert_element_type3A = arith.extui %eq3A_161 : vector<128x1xi1> to vector<128x1xi32>
      %convert_element_type3A_162 = arith.sitofp %convert_element_type3A : vector<128x1xi32> to vector<128x1xf32>
      %dot_general3A = arith.constant dense<0.000000e+00> : vector<640x1xf32>
      %dot_general3A_163 = tpu.matmul %get3A_87, %convert_element_type3A_162, %dot_general3A {dimension_numbers = #tpu.dot_dimension_numbers<[1], [0], [0], [1], [0, 0, 1, 1], [], []>, precision = #tpu.contract_precision<fp32>, transpose_lhs_hint = false} : vector<640x128xf32>, vector<128x1xf32>, vector<640x1xf32> -> vector<640x1xf32>
      %get3A_164 = arith.constant 0 : index
      %get3A_165 = arith.constant 512 : index
      %get3A_166 = vector.load %arg3[%get3A_164, %get3A_165] : memref<160x1024xf32, #tpu.memory_space<vmem>>, vector<160x128xf32>
      %dot_general3A_167 = arith.constant dense<0.000000e+00> : vector<160x1xf32>
      %dot_general3A_168 = tpu.matmul %get3A_166, %convert_element_type3A_162, %dot_general3A_167 {dimension_numbers = #tpu.dot_dimension_numbers<[1], [0], [0], [1], [0, 0, 1, 1], [], []>, precision = #tpu.contract_precision<fp32>, transpose_lhs_hint = false} : vector<160x128xf32>, vector<128x1xf32>, vector<160x1xf32> -> vector<160x1xf32>
      %slice3A_169 = vector.extract_strided_slice %dot_general3A_163 {offsets = [0, 0], sizes = [160, 1], strides = [1, 1]} : vector<640x1xf32> to vector<160x1xf32>
      %slice3A_170 = vector.extract_strided_slice %dot_general3A_163 {offsets = [160, 0], sizes = [160, 1], strides = [1, 1]} : vector<640x1xf32> to vector<160x1xf32>
      %slice3A_171 = vector.extract_strided_slice %dot_general3A_163 {offsets = [320, 0], sizes = [160, 1], strides = [1, 1]} : vector<640x1xf32> to vector<160x1xf32>
      %slice3A_172 = vector.extract_strided_slice %dot_general3A_163 {offsets = [480, 0], sizes = [160, 1], strides = [1, 1]} : vector<640x1xf32> to vector<160x1xf32>
      %sub3A_173 = arith.subf %slice3A_171, %slice3A_169 : vector<160x1xf32>
      %sub3A_174 = arith.subf %slice3A_172, %slice3A_170 : vector<160x1xf32>
      %mul3A_175 = arith.mulf %sub3A_173, %sub3A_174 : vector<160x1xf32>
      %max3A = vector.broadcast %slice3A_169 : vector<160x1xf32> to vector<160x512xf32>
      %max3A_176 = arith.maximumf %max3A, %slice3A_78 : vector<160x512xf32>
      %max3A_177 = vector.broadcast %slice3A_170 : vector<160x1xf32> to vector<160x512xf32>
      %max3A_178 = arith.maximumf %max3A_177, %slice3A_79 : vector<160x512xf32>
      %min3A = vector.broadcast %slice3A_171 : vector<160x1xf32> to vector<160x512xf32>
      %min3A_179 = arith.minimumf %min3A, %slice3A_80 : vector<160x512xf32>
      %min3A_180 = vector.broadcast %slice3A_172 : vector<160x1xf32> to vector<160x512xf32>
      %min3A_181 = arith.minimumf %min3A_180, %slice3A_81 : vector<160x512xf32>
      %sub3A_182 = arith.subf %min3A_179, %max3A_176 : vector<160x512xf32>
      %max3A_183 = arith.constant 0.000000e+00 : f32
      %max3A_184 = vector.broadcast %max3A_183 : f32 to vector<160x512xf32>
      %max3A_185 = arith.maximumf %sub3A_182, %max3A_184 : vector<160x512xf32>
      %sub3A_186 = arith.subf %min3A_181, %max3A_178 : vector<160x512xf32>
      %max3A_187 = arith.constant 0.000000e+00 : f32
      %max3A_188 = vector.broadcast %max3A_187 : f32 to vector<160x512xf32>
      %max3A_189 = arith.maximumf %sub3A_186, %max3A_188 : vector<160x512xf32>
      %mul3A_190 = arith.mulf %max3A_185, %max3A_189 : vector<160x512xf32>
      %add3A = vector.broadcast %mul3A_175 : vector<160x1xf32> to vector<160x512xf32>
      %add3A_191 = arith.addf %add3A, %mul3A_84 : vector<160x512xf32>
      %sub3A_192 = arith.subf %add3A_191, %mul3A_190 : vector<160x512xf32>
      %add3A_193 = arith.constant 9.99999993E-9 : f32
      %add3A_194 = vector.broadcast %add3A_193 : f32 to vector<160x512xf32>
      %add3A_195 = arith.addf %sub3A_192, %add3A_194 : vector<160x512xf32>
      %div3A = arith.divf %mul3A_190, %add3A_195 : vector<160x512xf32>
      %gt3A = arith.constant 3.000000e-01 : f32
      %gt3A_196 = vector.broadcast %gt3A : f32 to vector<160x512xf32>
      %gt3A_197 = arith.cmpf ogt, %div3A, %gt3A_196 : vector<160x512xf32>
      %gt3A_198 = vector.broadcast %scan3A_160 : i32 to vector<160x512xi32>
      %gt3A_199 = arith.cmpi sgt, %iota3A_74, %gt3A_198 : vector<160x512xi32>
      %and3A = arith.andi %gt3A_197, %gt3A_199 : vector<160x512xi1>
      %convert_element_type3A_200 = arith.extui %and3A : vector<160x512xi1> to vector<160x512xi32>
      %convert_element_type3A_201 = arith.sitofp %convert_element_type3A_200 : vector<160x512xi32> to vector<160x512xf32>
      %mul3A_202 = vector.broadcast %dot_general3A_168 : vector<160x1xf32> to vector<160x512xf32>
      %mul3A_203 = arith.mulf %convert_element_type3A_201, %mul3A_202 : vector<160x512xf32>
      %get3A_204 = arith.constant 0 : index
      %get3A_205 = arith.constant 512 : index
      %get3A_206 = vector.load %arg3[%get3A_204, %get3A_205] : memref<160x1024xf32, #tpu.memory_space<vmem>>, vector<160x512xf32>
      %sub3A_207 = arith.constant 1.000000e+00 : f32
      %sub3A_208 = vector.broadcast %sub3A_207 : f32 to vector<160x512xf32>
      %sub3A_209 = arith.subf %sub3A_208, %mul3A_203 : vector<160x512xf32>
      %mul3A_210 = arith.mulf %get3A_206, %sub3A_209 : vector<160x512xf32>
      %swap3A_211 = arith.constant 0 : index
      %swap3A_212 = arith.constant 512 : index
      %swap3A_213 = vector.load %arg3[%swap3A_211, %swap3A_212] : memref<160x1024xf32, #tpu.memory_space<vmem>>, vector<160x512xf32>
      tpu.vector_store %arg3[%swap3A_211, %swap3A_212], %mul3A_210 {strides = array<i32>} : memref<160x1024xf32, #tpu.memory_space<vmem>>, vector<160x512xf32>,
    }
    %scan3A_92 = arith.constant 128 : i32
    %iota3A_93 = tpu.iota {dimensions = array<i32: 1>} : vector<160x384xi32>
    %get3A_94 = arith.constant 0 : index
    %get3A_95 = arith.constant 640 : index
    %get3A_96 = vector.load %arg0[%get3A_94, %get3A_95] : memref<640x1024xf32, #tpu.memory_space<vmem>>, vector<640x384xf32>
    %slice3A_97 = vector.extract_strided_slice %get3A_96 {offsets = [0, 0], sizes = [160, 384], strides = [1, 1]} : vector<640x384xf32> to vector<160x384xf32>
    %slice3A_98 = vector.extract_strided_slice %get3A_96 {offsets = [160, 0], sizes = [160, 384], strides = [1, 1]} : vector<640x384xf32> to vector<160x384xf32>
    %slice3A_99 = vector.extract_strided_slice %get3A_96 {offsets = [320, 0], sizes = [160, 384], strides = [1, 1]} : vector<640x384xf32> to vector<160x384xf32>
    %slice3A_100 = vector.extract_strided_slice %get3A_96 {offsets = [480, 0], sizes = [160, 384], strides = [1, 1]} : vector<640x384xf32> to vector<160x384xf32>
    %sub3A_101 = arith.subf %slice3A_99, %slice3A_97 : vector<160x384xf32>
    %sub3A_102 = arith.subf %slice3A_100, %slice3A_98 : vector<160x384xf32>
    %mul3A_103 = arith.mulf %sub3A_101, %sub3A_102 : vector<160x384xf32>
    %get3A_104 = arith.constant 0 : index
    %get3A_105 = arith.constant 640 : index
    %get3A_106 = vector.load %arg0[%get3A_104, %get3A_105] : memref<640x1024xf32, #tpu.memory_space<vmem>>, vector<640x128xf32>
    %scan3A_107 = arith.constant 0 : i32
    %scan3A_108 = arith.constant 128 : i32
    %scan3A_109 = arith.addi %scan3A_107, %scan3A_108 : i32
    %scan3A_110 = arith.constant 1 : i32
    scf.for %scan3A_160 = %scan3A_107 to %scan3A_109 step %scan3A_110  : i32 {
      %eq3A = vector.broadcast %scan3A_160 : i32 to vector<128x1xi32>
      %eq3A_161 = arith.cmpi eq, %iota3A, %eq3A : vector<128x1xi32>
      %convert_element_type3A = arith.extui %eq3A_161 : vector<128x1xi1> to vector<128x1xi32>
      %convert_element_type3A_162 = arith.sitofp %convert_element_type3A : vector<128x1xi32> to vector<128x1xf32>
      %dot_general3A = arith.constant dense<0.000000e+00> : vector<640x1xf32>
      %dot_general3A_163 = tpu.matmul %get3A_106, %convert_element_type3A_162, %dot_general3A {dimension_numbers = #tpu.dot_dimension_numbers<[1], [0], [0], [1], [0, 0, 1, 1], [], []>, precision = #tpu.contract_precision<fp32>, transpose_lhs_hint = false} : vector<640x128xf32>, vector<128x1xf32>, vector<640x1xf32> -> vector<640x1xf32>
      %get3A_164 = arith.constant 0 : index
      %get3A_165 = arith.constant 640 : index
      %get3A_166 = vector.load %arg3[%get3A_164, %get3A_165] : memref<160x1024xf32, #tpu.memory_space<vmem>>, vector<160x128xf32>
      %dot_general3A_167 = arith.constant dense<0.000000e+00> : vector<160x1xf32>
      %dot_general3A_168 = tpu.matmul %get3A_166, %convert_element_type3A_162, %dot_general3A_167 {dimension_numbers = #tpu.dot_dimension_numbers<[1], [0], [0], [1], [0, 0, 1, 1], [], []>, precision = #tpu.contract_precision<fp32>, transpose_lhs_hint = false} : vector<160x128xf32>, vector<128x1xf32>, vector<160x1xf32> -> vector<160x1xf32>
      %slice3A_169 = vector.extract_strided_slice %dot_general3A_163 {offsets = [0, 0], sizes = [160, 1], strides = [1, 1]} : vector<640x1xf32> to vector<160x1xf32>
      %slice3A_170 = vector.extract_strided_slice %dot_general3A_163 {offsets = [160, 0], sizes = [160, 1], strides = [1, 1]} : vector<640x1xf32> to vector<160x1xf32>
      %slice3A_171 = vector.extract_strided_slice %dot_general3A_163 {offsets = [320, 0], sizes = [160, 1], strides = [1, 1]} : vector<640x1xf32> to vector<160x1xf32>
      %slice3A_172 = vector.extract_strided_slice %dot_general3A_163 {offsets = [480, 0], sizes = [160, 1], strides = [1, 1]} : vector<640x1xf32> to vector<160x1xf32>
      %sub3A_173 = arith.subf %slice3A_171, %slice3A_169 : vector<160x1xf32>
      %sub3A_174 = arith.subf %slice3A_172, %slice3A_170 : vector<160x1xf32>
      %mul3A_175 = arith.mulf %sub3A_173, %sub3A_174 : vector<160x1xf32>
      %max3A = vector.broadcast %slice3A_169 : vector<160x1xf32> to vector<160x384xf32>
      %max3A_176 = arith.maximumf %max3A, %slice3A_97 : vector<160x384xf32>
      %max3A_177 = vector.broadcast %slice3A_170 : vector<160x1xf32> to vector<160x384xf32>
      %max3A_178 = arith.maximumf %max3A_177, %slice3A_98 : vector<160x384xf32>
      %min3A = vector.broadcast %slice3A_171 : vector<160x1xf32> to vector<160x384xf32>
      %min3A_179 = arith.minimumf %min3A, %slice3A_99 : vector<160x384xf32>
      %min3A_180 = vector.broadcast %slice3A_172 : vector<160x1xf32> to vector<160x384xf32>
      %min3A_181 = arith.minimumf %min3A_180, %slice3A_100 : vector<160x384xf32>
      %sub3A_182 = arith.subf %min3A_179, %max3A_176 : vector<160x384xf32>
      %max3A_183 = arith.constant 0.000000e+00 : f32
      %max3A_184 = vector.broadcast %max3A_183 : f32 to vector<160x384xf32>
      %max3A_185 = arith.maximumf %sub3A_182, %max3A_184 : vector<160x384xf32>
      %sub3A_186 = arith.subf %min3A_181, %max3A_178 : vector<160x384xf32>
      %max3A_187 = arith.constant 0.000000e+00 : f32
      %max3A_188 = vector.broadcast %max3A_187 : f32 to vector<160x384xf32>
      %max3A_189 = arith.maximumf %sub3A_186, %max3A_188 : vector<160x384xf32>
      %mul3A_190 = arith.mulf %max3A_185, %max3A_189 : vector<160x384xf32>
      %add3A = vector.broadcast %mul3A_175 : vector<160x1xf32> to vector<160x384xf32>
      %add3A_191 = arith.addf %add3A, %mul3A_103 : vector<160x384xf32>
      %sub3A_192 = arith.subf %add3A_191, %mul3A_190 : vector<160x384xf32>
      %add3A_193 = arith.constant 9.99999993E-9 : f32
      %add3A_194 = vector.broadcast %add3A_193 : f32 to vector<160x384xf32>
      %add3A_195 = arith.addf %sub3A_192, %add3A_194 : vector<160x384xf32>
      %div3A = arith.divf %mul3A_190, %add3A_195 : vector<160x384xf32>
      %gt3A = arith.constant 3.000000e-01 : f32
      %gt3A_196 = vector.broadcast %gt3A : f32 to vector<160x384xf32>
      %gt3A_197 = arith.cmpf ogt, %div3A, %gt3A_196 : vector<160x384xf32>
      %gt3A_198 = vector.broadcast %scan3A_160 : i32 to vector<160x384xi32>
      %gt3A_199 = arith.cmpi sgt, %iota3A_93, %gt3A_198 : vector<160x384xi32>
      %and3A = arith.andi %gt3A_197, %gt3A_199 : vector<160x384xi1>
      %convert_element_type3A_200 = arith.extui %and3A : vector<160x384xi1> to vector<160x384xi32>
      %convert_element_type3A_201 = arith.sitofp %convert_element_type3A_200 : vector<160x384xi32> to vector<160x384xf32>
      %mul3A_202 = vector.broadcast %dot_general3A_168 : vector<160x1xf32> to vector<160x384xf32>
      %mul3A_203 = arith.mulf %convert_element_type3A_201, %mul3A_202 : vector<160x384xf32>
      %get3A_204 = arith.constant 0 : index
      %get3A_205 = arith.constant 640 : index
      %get3A_206 = vector.load %arg3[%get3A_204, %get3A_205] : memref<160x1024xf32, #tpu.memory_space<vmem>>, vector<160x384xf32>
      %sub3A_207 = arith.constant 1.000000e+00 : f32
      %sub3A_208 = vector.broadcast %sub3A_207 : f32 to vector<160x384xf32>
      %sub3A_209 = arith.subf %sub3A_208, %mul3A_203 : vector<160x384xf32>
      %mul3A_210 = arith.mulf %get3A_206, %sub3A_209 : vector<160x384xf32>
      %swap3A_211 = arith.constant 0 : index
      %swap3A_212 = arith.constant 640 : index
      %swap3A_213 = vector.load %arg3[%swap3A_211, %swap3A_212] : memref<160x1024xf32, #tpu.memory_space<vmem>>, vector<160x384xf32>
      tpu.vector_store %arg3[%swap3A_211, %swap3A_212], %mul3A_210 {strides = array<i32>} : memref<160x1024xf32, #tpu.memory_space<vmem>>, vector<160x384xf32>,
    }
    %scan3A_111 = arith.constant 128 : i32
    %iota3A_112 = tpu.iota {dimensions = array<i32: 1>} : vector<160x256xi32>
    %get3A_113 = arith.constant 0 : index
    %get3A_114 = arith.constant 768 : index
    %get3A_115 = vector.load %arg0[%get3A_113, %get3A_114] : memref<640x1024xf32, #tpu.memory_space<vmem>>, vector<640x256xf32>
    %slice3A_116 = vector.extract_strided_slice %get3A_115 {offsets = [0, 0], sizes = [160, 256], strides = [1, 1]} : vector<640x256xf32> to vector<160x256xf32>
    %slice3A_117 = vector.extract_strided_slice %get3A_115 {offsets = [160, 0], sizes = [160, 256], strides = [1, 1]} : vector<640x256xf32> to vector<160x256xf32>
    %slice3A_118 = vector.extract_strided_slice %get3A_115 {offsets = [320, 0], sizes = [160, 256], strides = [1, 1]} : vector<640x256xf32> to vector<160x256xf32>
    %slice3A_119 = vector.extract_strided_slice %get3A_115 {offsets = [480, 0], sizes = [160, 256], strides = [1, 1]} : vector<640x256xf32> to vector<160x256xf32>
    %sub3A_120 = arith.subf %slice3A_118, %slice3A_116 : vector<160x256xf32>
    %sub3A_121 = arith.subf %slice3A_119, %slice3A_117 : vector<160x256xf32>
    %mul3A_122 = arith.mulf %sub3A_120, %sub3A_121 : vector<160x256xf32>
    %get3A_123 = arith.constant 0 : index
    %get3A_124 = arith.constant 768 : index
    %get3A_125 = vector.load %arg0[%get3A_123, %get3A_124] : memref<640x1024xf32, #tpu.memory_space<vmem>>, vector<640x128xf32>
    %scan3A_126 = arith.constant 0 : i32
    %scan3A_127 = arith.constant 128 : i32
    %scan3A_128 = arith.addi %scan3A_126, %scan3A_127 : i32
    %scan3A_129 = arith.constant 1 : i32
    scf.for %scan3A_160 = %scan3A_126 to %scan3A_128 step %scan3A_129  : i32 {
      %eq3A = vector.broadcast %scan3A_160 : i32 to vector<128x1xi32>
      %eq3A_161 = arith.cmpi eq, %iota3A, %eq3A : vector<128x1xi32>
      %convert_element_type3A = arith.extui %eq3A_161 : vector<128x1xi1> to vector<128x1xi32>
      %convert_element_type3A_162 = arith.sitofp %convert_element_type3A : vector<128x1xi32> to vector<128x1xf32>
      %dot_general3A = arith.constant dense<0.000000e+00> : vector<640x1xf32>
      %dot_general3A_163 = tpu.matmul %get3A_125, %convert_element_type3A_162, %dot_general3A {dimension_numbers = #tpu.dot_dimension_numbers<[1], [0], [0], [1], [0, 0, 1, 1], [], []>, precision = #tpu.contract_precision<fp32>, transpose_lhs_hint = false} : vector<640x128xf32>, vector<128x1xf32>, vector<640x1xf32> -> vector<640x1xf32>
      %get3A_164 = arith.constant 0 : index
      %get3A_165 = arith.constant 768 : index
      %get3A_166 = vector.load %arg3[%get3A_164, %get3A_165] : memref<160x1024xf32, #tpu.memory_space<vmem>>, vector<160x128xf32>
      %dot_general3A_167 = arith.constant dense<0.000000e+00> : vector<160x1xf32>
      %dot_general3A_168 = tpu.matmul %get3A_166, %convert_element_type3A_162, %dot_general3A_167 {dimension_numbers = #tpu.dot_dimension_numbers<[1], [0], [0], [1], [0, 0, 1, 1], [], []>, precision = #tpu.contract_precision<fp32>, transpose_lhs_hint = false} : vector<160x128xf32>, vector<128x1xf32>, vector<160x1xf32> -> vector<160x1xf32>
      %slice3A_169 = vector.extract_strided_slice %dot_general3A_163 {offsets = [0, 0], sizes = [160, 1], strides = [1, 1]} : vector<640x1xf32> to vector<160x1xf32>
      %slice3A_170 = vector.extract_strided_slice %dot_general3A_163 {offsets = [160, 0], sizes = [160, 1], strides = [1, 1]} : vector<640x1xf32> to vector<160x1xf32>
      %slice3A_171 = vector.extract_strided_slice %dot_general3A_163 {offsets = [320, 0], sizes = [160, 1], strides = [1, 1]} : vector<640x1xf32> to vector<160x1xf32>
      %slice3A_172 = vector.extract_strided_slice %dot_general3A_163 {offsets = [480, 0], sizes = [160, 1], strides = [1, 1]} : vector<640x1xf32> to vector<160x1xf32>
      %sub3A_173 = arith.subf %slice3A_171, %slice3A_169 : vector<160x1xf32>
      %sub3A_174 = arith.subf %slice3A_172, %slice3A_170 : vector<160x1xf32>
      %mul3A_175 = arith.mulf %sub3A_173, %sub3A_174 : vector<160x1xf32>
      %max3A = vector.broadcast %slice3A_169 : vector<160x1xf32> to vector<160x256xf32>
      %max3A_176 = arith.maximumf %max3A, %slice3A_116 : vector<160x256xf32>
      %max3A_177 = vector.broadcast %slice3A_170 : vector<160x1xf32> to vector<160x256xf32>
      %max3A_178 = arith.maximumf %max3A_177, %slice3A_117 : vector<160x256xf32>
      %min3A = vector.broadcast %slice3A_171 : vector<160x1xf32> to vector<160x256xf32>
      %min3A_179 = arith.minimumf %min3A, %slice3A_118 : vector<160x256xf32>
      %min3A_180 = vector.broadcast %slice3A_172 : vector<160x1xf32> to vector<160x256xf32>
      %min3A_181 = arith.minimumf %min3A_180, %slice3A_119 : vector<160x256xf32>
      %sub3A_182 = arith.subf %min3A_179, %max3A_176 : vector<160x256xf32>
      %max3A_183 = arith.constant 0.000000e+00 : f32
      %max3A_184 = vector.broadcast %max3A_183 : f32 to vector<160x256xf32>
      %max3A_185 = arith.maximumf %sub3A_182, %max3A_184 : vector<160x256xf32>
      %sub3A_186 = arith.subf %min3A_181, %max3A_178 : vector<160x256xf32>
      %max3A_187 = arith.constant 0.000000e+00 : f32
      %max3A_188 = vector.broadcast %max3A_187 : f32 to vector<160x256xf32>
      %max3A_189 = arith.maximumf %sub3A_186, %max3A_188 : vector<160x256xf32>
      %mul3A_190 = arith.mulf %max3A_185, %max3A_189 : vector<160x256xf32>
      %add3A = vector.broadcast %mul3A_175 : vector<160x1xf32> to vector<160x256xf32>
      %add3A_191 = arith.addf %add3A, %mul3A_122 : vector<160x256xf32>
      %sub3A_192 = arith.subf %add3A_191, %mul3A_190 : vector<160x256xf32>
      %add3A_193 = arith.constant 9.99999993E-9 : f32
      %add3A_194 = vector.broadcast %add3A_193 : f32 to vector<160x256xf32>
      %add3A_195 = arith.addf %sub3A_192, %add3A_194 : vector<160x256xf32>
      %div3A = arith.divf %mul3A_190, %add3A_195 : vector<160x256xf32>
      %gt3A = arith.constant 3.000000e-01 : f32
      %gt3A_196 = vector.broadcast %gt3A : f32 to vector<160x256xf32>
      %gt3A_197 = arith.cmpf ogt, %div3A, %gt3A_196 : vector<160x256xf32>
      %gt3A_198 = vector.broadcast %scan3A_160 : i32 to vector<160x256xi32>
      %gt3A_199 = arith.cmpi sgt, %iota3A_112, %gt3A_198 : vector<160x256xi32>
      %and3A = arith.andi %gt3A_197, %gt3A_199 : vector<160x256xi1>
      %convert_element_type3A_200 = arith.extui %and3A : vector<160x256xi1> to vector<160x256xi32>
      %convert_element_type3A_201 = arith.sitofp %convert_element_type3A_200 : vector<160x256xi32> to vector<160x256xf32>
      %mul3A_202 = vector.broadcast %dot_general3A_168 : vector<160x1xf32> to vector<160x256xf32>
      %mul3A_203 = arith.mulf %convert_element_type3A_201, %mul3A_202 : vector<160x256xf32>
      %get3A_204 = arith.constant 0 : index
      %get3A_205 = arith.constant 768 : index
      %get3A_206 = vector.load %arg3[%get3A_204, %get3A_205] : memref<160x1024xf32, #tpu.memory_space<vmem>>, vector<160x256xf32>
      %sub3A_207 = arith.constant 1.000000e+00 : f32
      %sub3A_208 = vector.broadcast %sub3A_207 : f32 to vector<160x256xf32>
      %sub3A_209 = arith.subf %sub3A_208, %mul3A_203 : vector<160x256xf32>
      %mul3A_210 = arith.mulf %get3A_206, %sub3A_209 : vector<160x256xf32>
      %swap3A_211 = arith.constant 0 : index
      %swap3A_212 = arith.constant 768 : index
      %swap3A_213 = vector.load %arg3[%swap3A_211, %swap3A_212] : memref<160x1024xf32, #tpu.memory_space<vmem>>, vector<160x256xf32>
      tpu.vector_store %arg3[%swap3A_211, %swap3A_212], %mul3A_210 {strides = array<i32>} : memref<160x1024xf32, #tpu.memory_space<vmem>>, vector<160x256xf32>,
    }
    %scan3A_130 = arith.constant 128 : i32
    %iota3A_131 = tpu.iota {dimensions = array<i32: 1>} : vector<160x128xi32>
    %get3A_132 = arith.constant 0 : index
    %get3A_133 = arith.constant 896 : index
    %get3A_134 = vector.load %arg0[%get3A_132, %get3A_133] : memref<640x1024xf32, #tpu.memory_space<vmem>>, vector<640x128xf32>
    %slice3A_135 = vector.extract_strided_slice %get3A_134 {offsets = [0, 0], sizes = [160, 128], strides = [1, 1]} : vector<640x128xf32> to vector<160x128xf32>
    %slice3A_136 = vector.extract_strided_slice %get3A_134 {offsets = [160, 0], sizes = [160, 128], strides = [1, 1]} : vector<640x128xf32> to vector<160x128xf32>
    %slice3A_137 = vector.extract_strided_slice %get3A_134 {offsets = [320, 0], sizes = [160, 128], strides = [1, 1]} : vector<640x128xf32> to vector<160x128xf32>
    %slice3A_138 = vector.extract_strided_slice %get3A_134 {offsets = [480, 0], sizes = [160, 128], strides = [1, 1]} : vector<640x128xf32> to vector<160x128xf32>
    %sub3A_139 = arith.subf %slice3A_137, %slice3A_135 : vector<160x128xf32>
    %sub3A_140 = arith.subf %slice3A_138, %slice3A_136 : vector<160x128xf32>
    %mul3A_141 = arith.mulf %sub3A_139, %sub3A_140 : vector<160x128xf32>
    %get3A_142 = arith.constant 0 : index
    %get3A_143 = arith.constant 896 : index
    %get3A_144 = vector.load %arg0[%get3A_142, %get3A_143] : memref<640x1024xf32, #tpu.memory_space<vmem>>, vector<640x128xf32>
    %scan3A_145 = arith.constant 0 : i32
    %scan3A_146 = arith.constant 104 : i32
    %scan3A_147 = arith.addi %scan3A_145, %scan3A_146 : i32
    %scan3A_148 = arith.constant 1 : i32
    scf.for %scan3A_160 = %scan3A_145 to %scan3A_147 step %scan3A_148  : i32 {
      %eq3A = vector.broadcast %scan3A_160 : i32 to vector<128x1xi32>
      %eq3A_161 = arith.cmpi eq, %iota3A, %eq3A : vector<128x1xi32>
      %convert_element_type3A = arith.extui %eq3A_161 : vector<128x1xi1> to vector<128x1xi32>
      %convert_element_type3A_162 = arith.sitofp %convert_element_type3A : vector<128x1xi32> to vector<128x1xf32>
      %dot_general3A = arith.constant dense<0.000000e+00> : vector<640x1xf32>
      %dot_general3A_163 = tpu.matmul %get3A_144, %convert_element_type3A_162, %dot_general3A {dimension_numbers = #tpu.dot_dimension_numbers<[1], [0], [0], [1], [0, 0, 1, 1], [], []>, precision = #tpu.contract_precision<fp32>, transpose_lhs_hint = false} : vector<640x128xf32>, vector<128x1xf32>, vector<640x1xf32> -> vector<640x1xf32>
      %get3A_164 = arith.constant 0 : index
      %get3A_165 = arith.constant 896 : index
      %get3A_166 = vector.load %arg3[%get3A_164, %get3A_165] : memref<160x1024xf32, #tpu.memory_space<vmem>>, vector<160x128xf32>
      %dot_general3A_167 = arith.constant dense<0.000000e+00> : vector<160x1xf32>
      %dot_general3A_168 = tpu.matmul %get3A_166, %convert_element_type3A_162, %dot_general3A_167 {dimension_numbers = #tpu.dot_dimension_numbers<[1], [0], [0], [1], [0, 0, 1, 1], [], []>, precision = #tpu.contract_precision<fp32>, transpose_lhs_hint = false} : vector<160x128xf32>, vector<128x1xf32>, vector<160x1xf32> -> vector<160x1xf32>
      %slice3A_169 = vector.extract_strided_slice %dot_general3A_163 {offsets = [0, 0], sizes = [160, 1], strides = [1, 1]} : vector<640x1xf32> to vector<160x1xf32>
      %slice3A_170 = vector.extract_strided_slice %dot_general3A_163 {offsets = [160, 0], sizes = [160, 1], strides = [1, 1]} : vector<640x1xf32> to vector<160x1xf32>
      %slice3A_171 = vector.extract_strided_slice %dot_general3A_163 {offsets = [320, 0], sizes = [160, 1], strides = [1, 1]} : vector<640x1xf32> to vector<160x1xf32>
      %slice3A_172 = vector.extract_strided_slice %dot_general3A_163 {offsets = [480, 0], sizes = [160, 1], strides = [1, 1]} : vector<640x1xf32> to vector<160x1xf32>
      %sub3A_173 = arith.subf %slice3A_171, %slice3A_169 : vector<160x1xf32>
      %sub3A_174 = arith.subf %slice3A_172, %slice3A_170 : vector<160x1xf32>
      %mul3A_175 = arith.mulf %sub3A_173, %sub3A_174 : vector<160x1xf32>
      %max3A = vector.broadcast %slice3A_169 : vector<160x1xf32> to vector<160x128xf32>
      %max3A_176 = arith.maximumf %max3A, %slice3A_135 : vector<160x128xf32>
      %max3A_177 = vector.broadcast %slice3A_170 : vector<160x1xf32> to vector<160x128xf32>
      %max3A_178 = arith.maximumf %max3A_177, %slice3A_136 : vector<160x128xf32>
      %min3A = vector.broadcast %slice3A_171 : vector<160x1xf32> to vector<160x128xf32>
      %min3A_179 = arith.minimumf %min3A, %slice3A_137 : vector<160x128xf32>
      %min3A_180 = vector.broadcast %slice3A_172 : vector<160x1xf32> to vector<160x128xf32>
      %min3A_181 = arith.minimumf %min3A_180, %slice3A_138 : vector<160x128xf32>
      %sub3A_182 = arith.subf %min3A_179, %max3A_176 : vector<160x128xf32>
      %max3A_183 = arith.constant 0.000000e+00 : f32
      %max3A_184 = vector.broadcast %max3A_183 : f32 to vector<160x128xf32>
      %max3A_185 = arith.maximumf %sub3A_182, %max3A_184 : vector<160x128xf32>
      %sub3A_186 = arith.subf %min3A_181, %max3A_178 : vector<160x128xf32>
      %max3A_187 = arith.constant 0.000000e+00 : f32
      %max3A_188 = vector.broadcast %max3A_187 : f32 to vector<160x128xf32>
      %max3A_189 = arith.maximumf %sub3A_186, %max3A_188 : vector<160x128xf32>
      %mul3A_190 = arith.mulf %max3A_185, %max3A_189 : vector<160x128xf32>
      %add3A = vector.broadcast %mul3A_175 : vector<160x1xf32> to vector<160x128xf32>
      %add3A_191 = arith.addf %add3A, %mul3A_141 : vector<160x128xf32>
      %sub3A_192 = arith.subf %add3A_191, %mul3A_190 : vector<160x128xf32>
      %add3A_193 = arith.constant 9.99999993E-9 : f32
      %add3A_194 = vector.broadcast %add3A_193 : f32 to vector<160x128xf32>
      %add3A_195 = arith.addf %sub3A_192, %add3A_194 : vector<160x128xf32>
      %div3A = arith.divf %mul3A_190, %add3A_195 : vector<160x128xf32>
      %gt3A = arith.constant 3.000000e-01 : f32
      %gt3A_196 = vector.broadcast %gt3A : f32 to vector<160x128xf32>
      %gt3A_197 = arith.cmpf ogt, %div3A, %gt3A_196 : vector<160x128xf32>
      %gt3A_198 = vector.broadcast %scan3A_160 : i32 to vector<160x128xi32>
      %gt3A_199 = arith.cmpi sgt, %iota3A_131, %gt3A_198 : vector<160x128xi32>
      %and3A = arith.andi %gt3A_197, %gt3A_199 : vector<160x128xi1>
      %convert_element_type3A_200 = arith.extui %and3A : vector<160x128xi1> to vector<160x128xi32>
      %convert_element_type3A_201 = arith.sitofp %convert_element_type3A_200 : vector<160x128xi32> to vector<160x128xf32>
      %mul3A_202 = vector.broadcast %dot_general3A_168 : vector<160x1xf32> to vector<160x128xf32>
      %mul3A_203 = arith.mulf %convert_element_type3A_201, %mul3A_202 : vector<160x128xf32>
      %get3A_204 = arith.constant 0 : index
      %get3A_205 = arith.constant 896 : index
      %get3A_206 = vector.load %arg3[%get3A_204, %get3A_205] : memref<160x1024xf32, #tpu.memory_space<vmem>>, vector<160x128xf32>
      %sub3A_207 = arith.constant 1.000000e+00 : f32
      %sub3A_208 = vector.broadcast %sub3A_207 : f32 to vector<160x128xf32>
      %sub3A_209 = arith.subf %sub3A_208, %mul3A_203 : vector<160x128xf32>
      %mul3A_210 = arith.mulf %get3A_206, %sub3A_209 : vector<160x128xf32>
      %swap3A_211 = arith.constant 0 : index
      %swap3A_212 = arith.constant 896 : index
      %swap3A_213 = vector.load %arg3[%swap3A_211, %swap3A_212] : memref<160x1024xf32, #tpu.memory_space<vmem>>, vector<160x128xf32>
      tpu.vector_store %arg3[%swap3A_211, %swap3A_212], %mul3A_210 {strides = array<i32>} : memref<160x1024xf32, #tpu.memory_space<vmem>>, vector<160x128xf32>,
    }
    %scan3A_149 = arith.constant 104 : i32
    %get3A_150 = arith.constant 0 : index
    %get3A_151 = arith.constant 0 : index
    %get3A_152 = vector.load %arg3[%get3A_150, %get3A_151] : memref<160x1024xf32, #tpu.memory_space<vmem>>, vector<160x1024xf32>
    %get3A_153 = arith.constant 0 : index
    %get3A_154 = arith.constant 0 : index
    %get3A_155 = vector.load %arg1[%get3A_153, %get3A_154] : memref<160x1024xf32, #tpu.memory_space<vmem>>, vector<160x1024xf32>
    %mul3A_156 = arith.mulf %get3A_152, %get3A_155 : vector<160x1024xf32>
    %swap3A_157 = arith.constant 0 : index
    %swap3A_158 = arith.constant 0 : index
    %swap3A_159 = vector.load %arg2[%swap3A_157, %swap3A_158] : memref<160x1024xf32, #tpu.memory_space<vmem>>, vector<160x1024xf32>
    tpu.vector_store %arg2[%swap3A_157, %swap3A_158], %mul3A_156 {strides = array<i32>} : memref<160x1024xf32, #tpu.memory_space<vmem>>, vector<160x1024xf32>,
    return
  }
}

module attributes {stable_mosaic.version = 14 : i64} {
  func.func @_ggnn_body(%arg0: memref<512x4096xf32, #tpu.memory_space<vmem>>, %arg1: memref<256x4096xf32, #tpu.memory_space<vmem>>, %arg2: memref<4096x256xf32, #tpu.memory_space<vmem>>, %arg3: memref<1x256xf32, #tpu.memory_space<vmem>>, %arg4: memref<4096x256xf32, #tpu.memory_space<vmem>>, %arg5: memref<1x256xf32, #tpu.memory_space<vmem>>, %arg6: memref<256x256xf32, #tpu.memory_space<vmem>>, %arg7: memref<256x256xf32, #tpu.memory_space<vmem>>, %arg8: memref<1x256xf32, #tpu.memory_space<vmem>>, %arg9: memref<256x256xf32, #tpu.memory_space<vmem>>, %arg10: memref<256x256xf32, #tpu.memory_space<vmem>>, %arg11: memref<1x256xf32, #tpu.memory_space<vmem>>, %arg12: memref<256x256xf32, #tpu.memory_space<vmem>>, %arg13: memref<256x256xf32, #tpu.memory_space<vmem>>, %arg14: memref<1x256xf32, #tpu.memory_space<vmem>>, %arg15: memref<256x256xf32, #tpu.memory_space<vmem>>, %arg16: memref<256x256xf32, #tpu.memory_space<vmem>>, %arg17: memref<1x256xf32, #tpu.memory_space<vmem>>, %arg18: memref<1x256xf32, #tpu.memory_space<vmem>>, %arg19: memref<1x1xf32, #tpu.memory_space<vmem>>, %arg20: memref<256x51xf32, #tpu.memory_space<vmem>>) attributes {dimension_semantics = [], scalar_prefetch = 0 : i64, scratch_operands = 0 : i64, tpu.core_type = #tpu.core_type<tc>} {
    %get3A = arith.constant 0 : index
    %get3A_0 = arith.constant 0 : index
    %get3A_1 = vector.load %arg0[%get3A, %get3A_0] : memref<512x4096xf32, #tpu.memory_space<vmem>>, vector<512x4096xf32>
    %get3A_2 = arith.constant 0 : index
    %get3A_3 = arith.constant 0 : index
    %get3A_4 = vector.load %arg2[%get3A_2, %get3A_3] : memref<4096x256xf32, #tpu.memory_space<vmem>>, vector<4096x256xf32>
    %dot_general3A = arith.constant dense<0.000000e+00> : vector<512x256xf32>
    %dot_general3A_5 = tpu.matmul %get3A_1, %get3A_4, %dot_general3A {dimension_numbers = #tpu.dot_dimension_numbers<[1], [0], [0], [1], [0, 0, 1, 1], [], []>, transpose_lhs_hint = false} : vector<512x4096xf32>, vector<4096x256xf32>, vector<512x256xf32> -> vector<512x256xf32>
    %get3A_6 = arith.constant 0 : index
    %get3A_7 = arith.constant 0 : index
    %get3A_8 = vector.load %arg3[%get3A_6, %get3A_7] : memref<1x256xf32, #tpu.memory_space<vmem>>, vector<1x256xf32>
    %add3A = vector.broadcast %get3A_8 : vector<1x256xf32> to vector<512x256xf32>
    %add3A_9 = arith.addf %dot_general3A_5, %add3A : vector<512x256xf32>
    %get3A_10 = arith.constant 0 : index
    %get3A_11 = arith.constant 0 : index
    %get3A_12 = vector.load %arg1[%get3A_10, %get3A_11] : memref<256x4096xf32, #tpu.memory_space<vmem>>, vector<256x4096xf32>
    %get3A_13 = arith.constant 0 : index
    %get3A_14 = arith.constant 0 : index
    %get3A_15 = vector.load %arg4[%get3A_13, %get3A_14] : memref<4096x256xf32, #tpu.memory_space<vmem>>, vector<4096x256xf32>
    %dot_general3A_16 = arith.constant dense<0.000000e+00> : vector<256x256xf32>
    %dot_general3A_17 = tpu.matmul %get3A_12, %get3A_15, %dot_general3A_16 {dimension_numbers = #tpu.dot_dimension_numbers<[1], [0], [0], [1], [0, 0, 1, 1], [], []>, transpose_lhs_hint = false} : vector<256x4096xf32>, vector<4096x256xf32>, vector<256x256xf32> -> vector<256x256xf32>
    %get3A_18 = arith.constant 0 : index
    %get3A_19 = arith.constant 0 : index
    %get3A_20 = vector.load %arg5[%get3A_18, %get3A_19] : memref<1x256xf32, #tpu.memory_space<vmem>>, vector<1x256xf32>
    %add3A_21 = vector.broadcast %get3A_20 : vector<1x256xf32> to vector<256x256xf32>
    %add3A_22 = arith.addf %dot_general3A_17, %add3A_21 : vector<256x256xf32>
    %concatenate3A = tpu.concatenate %add3A_9, %add3A_22 in 0 : vector<512x256xf32>, vector<256x256xf32> -> vector<768x256xf32>
    %slice3A = vector.extract_strided_slice %concatenate3A {offsets = [0, 0], sizes = [256, 256], strides = [1, 1]} : vector<768x256xf32> to vector<256x256xf32>
    %slice3A_23 = vector.extract_strided_slice %concatenate3A {offsets = [256, 0], sizes = [256, 256], strides = [1, 1]} : vector<768x256xf32> to vector<256x256xf32>
    %slice3A_24 = vector.extract_strided_slice %concatenate3A {offsets = [512, 0], sizes = [256, 256], strides = [1, 1]} : vector<768x256xf32> to vector<256x256xf32>
    %mul3A = arith.constant 0.0196078438 : f32
    %mul3A_25 = vector.broadcast %mul3A : f32 to vector<256x256xf32>
    %mul3A_26 = arith.mulf %slice3A, %mul3A_25 : vector<256x256xf32>
    %mul3A_27 = arith.constant 0.0196078438 : f32
    %mul3A_28 = vector.broadcast %mul3A_27 : f32 to vector<256x256xf32>
    %mul3A_29 = arith.mulf %slice3A_23, %mul3A_28 : vector<256x256xf32>
    %add3A_30 = arith.addf %mul3A_26, %mul3A_29 : vector<256x256xf32>
    %concatenate3A_31 = tpu.concatenate %slice3A_24, %slice3A_24, %add3A_30 in 0 : vector<256x256xf32>, vector<256x256xf32>, vector<256x256xf32> -> vector<768x256xf32>
    %get3A_32 = arith.constant 0 : index
    %get3A_33 = arith.constant 0 : index
    %get3A_34 = vector.load %arg6[%get3A_32, %get3A_33] : memref<256x256xf32, #tpu.memory_space<vmem>>, vector<256x256xf32>
    %dot_general3A_35 = arith.constant dense<0.000000e+00> : vector<768x256xf32>
    %dot_general3A_36 = tpu.matmul %concatenate3A_31, %get3A_34, %dot_general3A_35 {dimension_numbers = #tpu.dot_dimension_numbers<[1], [0], [0], [1], [0, 0, 1, 1], [], []>, transpose_lhs_hint = false} : vector<768x256xf32>, vector<256x256xf32>, vector<768x256xf32> -> vector<768x256xf32>
    %get3A_37 = arith.constant 0 : index
    %get3A_38 = arith.constant 0 : index
    %get3A_39 = vector.load %arg7[%get3A_37, %get3A_38] : memref<256x256xf32, #tpu.memory_space<vmem>>, vector<256x256xf32>
    %dot_general3A_40 = arith.constant dense<0.000000e+00> : vector<768x256xf32>
    %dot_general3A_41 = tpu.matmul %concatenate3A, %get3A_39, %dot_general3A_40 {dimension_numbers = #tpu.dot_dimension_numbers<[1], [0], [0], [1], [0, 0, 1, 1], [], []>, transpose_lhs_hint = false} : vector<768x256xf32>, vector<256x256xf32>, vector<768x256xf32> -> vector<768x256xf32>
    %add3A_42 = arith.addf %dot_general3A_36, %dot_general3A_41 : vector<768x256xf32>
    %get3A_43 = arith.constant 0 : index
    %get3A_44 = arith.constant 0 : index
    %get3A_45 = vector.load %arg8[%get3A_43, %get3A_44] : memref<1x256xf32, #tpu.memory_space<vmem>>, vector<1x256xf32>
    %add3A_46 = vector.broadcast %get3A_45 : vector<1x256xf32> to vector<768x256xf32>
    %add3A_47 = arith.addf %add3A_42, %add3A_46 : vector<768x256xf32>
    %logistic3A = arith.negf %add3A_47 : vector<768x256xf32>
    %logistic3A_48 = math.exp %logistic3A : vector<768x256xf32>
    %logistic3A_49 = arith.constant 1.000000e+00 : f32
    %logistic3A_50 = vector.broadcast %logistic3A_49 : f32 to vector<768x256xf32>
    %logistic3A_51 = arith.addf %logistic3A_50, %logistic3A_48 : vector<768x256xf32>
    %logistic3A_52 = arith.divf %logistic3A_50, %logistic3A_51 : vector<768x256xf32>
    %get3A_53 = arith.constant 0 : index
    %get3A_54 = arith.constant 0 : index
    %get3A_55 = vector.load %arg9[%get3A_53, %get3A_54] : memref<256x256xf32, #tpu.memory_space<vmem>>, vector<256x256xf32>
    %dot_general3A_56 = arith.constant dense<0.000000e+00> : vector<768x256xf32>
    %dot_general3A_57 = tpu.matmul %concatenate3A_31, %get3A_55, %dot_general3A_56 {dimension_numbers = #tpu.dot_dimension_numbers<[1], [0], [0], [1], [0, 0, 1, 1], [], []>, transpose_lhs_hint = false} : vector<768x256xf32>, vector<256x256xf32>, vector<768x256xf32> -> vector<768x256xf32>
    %get3A_58 = arith.constant 0 : index
    %get3A_59 = arith.constant 0 : index
    %get3A_60 = vector.load %arg10[%get3A_58, %get3A_59] : memref<256x256xf32, #tpu.memory_space<vmem>>, vector<256x256xf32>
    %dot_general3A_61 = arith.constant dense<0.000000e+00> : vector<768x256xf32>
    %dot_general3A_62 = tpu.matmul %concatenate3A, %get3A_60, %dot_general3A_61 {dimension_numbers = #tpu.dot_dimension_numbers<[1], [0], [0], [1], [0, 0, 1, 1], [], []>, transpose_lhs_hint = false} : vector<768x256xf32>, vector<256x256xf32>, vector<768x256xf32> -> vector<768x256xf32>
    %add3A_63 = arith.addf %dot_general3A_57, %dot_general3A_62 : vector<768x256xf32>
    %get3A_64 = arith.constant 0 : index
    %get3A_65 = arith.constant 0 : index
    %get3A_66 = vector.load %arg11[%get3A_64, %get3A_65] : memref<1x256xf32, #tpu.memory_space<vmem>>, vector<1x256xf32>
    %add3A_67 = vector.broadcast %get3A_66 : vector<1x256xf32> to vector<768x256xf32>
    %add3A_68 = arith.addf %add3A_63, %add3A_67 : vector<768x256xf32>
    %logistic3A_69 = arith.negf %add3A_68 : vector<768x256xf32>
    %logistic3A_70 = math.exp %logistic3A_69 : vector<768x256xf32>
    %logistic3A_71 = arith.constant 1.000000e+00 : f32
    %logistic3A_72 = vector.broadcast %logistic3A_71 : f32 to vector<768x256xf32>
    %logistic3A_73 = arith.addf %logistic3A_72, %logistic3A_70 : vector<768x256xf32>
    %logistic3A_74 = arith.divf %logistic3A_72, %logistic3A_73 : vector<768x256xf32>
    %get3A_75 = arith.constant 0 : index
    %get3A_76 = arith.constant 0 : index
    %get3A_77 = vector.load %arg12[%get3A_75, %get3A_76] : memref<256x256xf32, #tpu.memory_space<vmem>>, vector<256x256xf32>
    %dot_general3A_78 = arith.constant dense<0.000000e+00> : vector<768x256xf32>
    %dot_general3A_79 = tpu.matmul %concatenate3A_31, %get3A_77, %dot_general3A_78 {dimension_numbers = #tpu.dot_dimension_numbers<[1], [0], [0], [1], [0, 0, 1, 1], [], []>, transpose_lhs_hint = false} : vector<768x256xf32>, vector<256x256xf32>, vector<768x256xf32> -> vector<768x256xf32>
    %mul3A_80 = arith.mulf %logistic3A_74, %concatenate3A : vector<768x256xf32>
    %get3A_81 = arith.constant 0 : index
    %get3A_82 = arith.constant 0 : index
    %get3A_83 = vector.load %arg13[%get3A_81, %get3A_82] : memref<256x256xf32, #tpu.memory_space<vmem>>, vector<256x256xf32>
    %dot_general3A_84 = arith.constant dense<0.000000e+00> : vector<768x256xf32>
    %dot_general3A_85 = tpu.matmul %mul3A_80, %get3A_83, %dot_general3A_84 {dimension_numbers = #tpu.dot_dimension_numbers<[1], [0], [0], [1], [0, 0, 1, 1], [], []>, transpose_lhs_hint = false} : vector<768x256xf32>, vector<256x256xf32>, vector<768x256xf32> -> vector<768x256xf32>
    %add3A_86 = arith.addf %dot_general3A_79, %dot_general3A_85 : vector<768x256xf32>
    %get3A_87 = arith.constant 0 : index
    %get3A_88 = arith.constant 0 : index
    %get3A_89 = vector.load %arg14[%get3A_87, %get3A_88] : memref<1x256xf32, #tpu.memory_space<vmem>>, vector<1x256xf32>
    %add3A_90 = vector.broadcast %get3A_89 : vector<1x256xf32> to vector<768x256xf32>
    %add3A_91 = arith.addf %add3A_86, %add3A_90 : vector<768x256xf32>
    %tanh3A = math.tanh %add3A_91 : vector<768x256xf32>
    %sub3A = arith.constant 1.000000e+00 : f32
    %sub3A_92 = vector.broadcast %sub3A : f32 to vector<768x256xf32>
    %sub3A_93 = arith.subf %sub3A_92, %logistic3A_52 : vector<768x256xf32>
    %mul3A_94 = arith.mulf %sub3A_93, %concatenate3A : vector<768x256xf32>
    %mul3A_95 = arith.mulf %logistic3A_52, %tanh3A : vector<768x256xf32>
    %add3A_96 = arith.addf %mul3A_94, %mul3A_95 : vector<768x256xf32>
    %slice3A_97 = vector.extract_strided_slice %add3A_96 {offsets = [0, 0], sizes = [256, 256], strides = [1, 1]} : vector<768x256xf32> to vector<256x256xf32>
    %slice3A_98 = vector.extract_strided_slice %add3A_96 {offsets = [256, 0], sizes = [256, 256], strides = [1, 1]} : vector<768x256xf32> to vector<256x256xf32>
    %slice3A_99 = vector.extract_strided_slice %add3A_96 {offsets = [512, 0], sizes = [256, 256], strides = [1, 1]} : vector<768x256xf32> to vector<256x256xf32>
    %mul3A_100 = arith.constant 0.0196078438 : f32
    %mul3A_101 = vector.broadcast %mul3A_100 : f32 to vector<256x256xf32>
    %mul3A_102 = arith.mulf %slice3A_97, %mul3A_101 : vector<256x256xf32>
    %mul3A_103 = arith.constant 0.0196078438 : f32
    %mul3A_104 = vector.broadcast %mul3A_103 : f32 to vector<256x256xf32>
    %mul3A_105 = arith.mulf %slice3A_98, %mul3A_104 : vector<256x256xf32>
    %add3A_106 = arith.addf %mul3A_102, %mul3A_105 : vector<256x256xf32>
    %concatenate3A_107 = tpu.concatenate %slice3A_99, %slice3A_99, %add3A_106 in 0 : vector<256x256xf32>, vector<256x256xf32>, vector<256x256xf32> -> vector<768x256xf32>
    %get3A_108 = arith.constant 0 : index
    %get3A_109 = arith.constant 0 : index
    %get3A_110 = vector.load %arg6[%get3A_108, %get3A_109] : memref<256x256xf32, #tpu.memory_space<vmem>>, vector<256x256xf32>
    %dot_general3A_111 = arith.constant dense<0.000000e+00> : vector<768x256xf32>
    %dot_general3A_112 = tpu.matmul %concatenate3A_107, %get3A_110, %dot_general3A_111 {dimension_numbers = #tpu.dot_dimension_numbers<[1], [0], [0], [1], [0, 0, 1, 1], [], []>, transpose_lhs_hint = false} : vector<768x256xf32>, vector<256x256xf32>, vector<768x256xf32> -> vector<768x256xf32>
    %get3A_113 = arith.constant 0 : index
    %get3A_114 = arith.constant 0 : index
    %get3A_115 = vector.load %arg7[%get3A_113, %get3A_114] : memref<256x256xf32, #tpu.memory_space<vmem>>, vector<256x256xf32>
    %dot_general3A_116 = arith.constant dense<0.000000e+00> : vector<768x256xf32>
    %dot_general3A_117 = tpu.matmul %add3A_96, %get3A_115, %dot_general3A_116 {dimension_numbers = #tpu.dot_dimension_numbers<[1], [0], [0], [1], [0, 0, 1, 1], [], []>, transpose_lhs_hint = false} : vector<768x256xf32>, vector<256x256xf32>, vector<768x256xf32> -> vector<768x256xf32>
    %add3A_118 = arith.addf %dot_general3A_112, %dot_general3A_117 : vector<768x256xf32>
    %get3A_119 = arith.constant 0 : index
    %get3A_120 = arith.constant 0 : index
    %get3A_121 = vector.load %arg8[%get3A_119, %get3A_120] : memref<1x256xf32, #tpu.memory_space<vmem>>, vector<1x256xf32>
    %add3A_122 = vector.broadcast %get3A_121 : vector<1x256xf32> to vector<768x256xf32>
    %add3A_123 = arith.addf %add3A_118, %add3A_122 : vector<768x256xf32>
    %logistic3A_124 = arith.negf %add3A_123 : vector<768x256xf32>
    %logistic3A_125 = math.exp %logistic3A_124 : vector<768x256xf32>
    %logistic3A_126 = arith.constant 1.000000e+00 : f32
    %logistic3A_127 = vector.broadcast %logistic3A_126 : f32 to vector<768x256xf32>
    %logistic3A_128 = arith.addf %logistic3A_127, %logistic3A_125 : vector<768x256xf32>
    %logistic3A_129 = arith.divf %logistic3A_127, %logistic3A_128 : vector<768x256xf32>
    %get3A_130 = arith.constant 0 : index
    %get3A_131 = arith.constant 0 : index
    %get3A_132 = vector.load %arg9[%get3A_130, %get3A_131] : memref<256x256xf32, #tpu.memory_space<vmem>>, vector<256x256xf32>
    %dot_general3A_133 = arith.constant dense<0.000000e+00> : vector<768x256xf32>
    %dot_general3A_134 = tpu.matmul %concatenate3A_107, %get3A_132, %dot_general3A_133 {dimension_numbers = #tpu.dot_dimension_numbers<[1], [0], [0], [1], [0, 0, 1, 1], [], []>, transpose_lhs_hint = false} : vector<768x256xf32>, vector<256x256xf32>, vector<768x256xf32> -> vector<768x256xf32>
    %get3A_135 = arith.constant 0 : index
    %get3A_136 = arith.constant 0 : index
    %get3A_137 = vector.load %arg10[%get3A_135, %get3A_136] : memref<256x256xf32, #tpu.memory_space<vmem>>, vector<256x256xf32>
    %dot_general3A_138 = arith.constant dense<0.000000e+00> : vector<768x256xf32>
    %dot_general3A_139 = tpu.matmul %add3A_96, %get3A_137, %dot_general3A_138 {dimension_numbers = #tpu.dot_dimension_numbers<[1], [0], [0], [1], [0, 0, 1, 1], [], []>, transpose_lhs_hint = false} : vector<768x256xf32>, vector<256x256xf32>, vector<768x256xf32> -> vector<768x256xf32>
    %add3A_140 = arith.addf %dot_general3A_134, %dot_general3A_139 : vector<768x256xf32>
    %get3A_141 = arith.constant 0 : index
    %get3A_142 = arith.constant 0 : index
    %get3A_143 = vector.load %arg11[%get3A_141, %get3A_142] : memref<1x256xf32, #tpu.memory_space<vmem>>, vector<1x256xf32>
    %add3A_144 = vector.broadcast %get3A_143 : vector<1x256xf32> to vector<768x256xf32>
    %add3A_145 = arith.addf %add3A_140, %add3A_144 : vector<768x256xf32>
    %logistic3A_146 = arith.negf %add3A_145 : vector<768x256xf32>
    %logistic3A_147 = math.exp %logistic3A_146 : vector<768x256xf32>
    %logistic3A_148 = arith.constant 1.000000e+00 : f32
    %logistic3A_149 = vector.broadcast %logistic3A_148 : f32 to vector<768x256xf32>
    %logistic3A_150 = arith.addf %logistic3A_149, %logistic3A_147 : vector<768x256xf32>
    %logistic3A_151 = arith.divf %logistic3A_149, %logistic3A_150 : vector<768x256xf32>
    %get3A_152 = arith.constant 0 : index
    %get3A_153 = arith.constant 0 : index
    %get3A_154 = vector.load %arg12[%get3A_152, %get3A_153] : memref<256x256xf32, #tpu.memory_space<vmem>>, vector<256x256xf32>
    %dot_general3A_155 = arith.constant dense<0.000000e+00> : vector<768x256xf32>
    %dot_general3A_156 = tpu.matmul %concatenate3A_107, %get3A_154, %dot_general3A_155 {dimension_numbers = #tpu.dot_dimension_numbers<[1], [0], [0], [1], [0, 0, 1, 1], [], []>, transpose_lhs_hint = false} : vector<768x256xf32>, vector<256x256xf32>, vector<768x256xf32> -> vector<768x256xf32>
    %mul3A_157 = arith.mulf %logistic3A_151, %add3A_96 : vector<768x256xf32>
    %get3A_158 = arith.constant 0 : index
    %get3A_159 = arith.constant 0 : index
    %get3A_160 = vector.load %arg13[%get3A_158, %get3A_159] : memref<256x256xf32, #tpu.memory_space<vmem>>, vector<256x256xf32>
    %dot_general3A_161 = arith.constant dense<0.000000e+00> : vector<768x256xf32>
    %dot_general3A_162 = tpu.matmul %mul3A_157, %get3A_160, %dot_general3A_161 {dimension_numbers = #tpu.dot_dimension_numbers<[1], [0], [0], [1], [0, 0, 1, 1], [], []>, transpose_lhs_hint = false} : vector<768x256xf32>, vector<256x256xf32>, vector<768x256xf32> -> vector<768x256xf32>
    %add3A_163 = arith.addf %dot_general3A_156, %dot_general3A_162 : vector<768x256xf32>
    %get3A_164 = arith.constant 0 : index
    %get3A_165 = arith.constant 0 : index
    %get3A_166 = vector.load %arg14[%get3A_164, %get3A_165] : memref<1x256xf32, #tpu.memory_space<vmem>>, vector<1x256xf32>
    %add3A_167 = vector.broadcast %get3A_166 : vector<1x256xf32> to vector<768x256xf32>
    %add3A_168 = arith.addf %add3A_163, %add3A_167 : vector<768x256xf32>
    %tanh3A_169 = math.tanh %add3A_168 : vector<768x256xf32>
    %sub3A_170 = arith.constant 1.000000e+00 : f32
    %sub3A_171 = vector.broadcast %sub3A_170 : f32 to vector<768x256xf32>
    %sub3A_172 = arith.subf %sub3A_171, %logistic3A_129 : vector<768x256xf32>
    %mul3A_173 = arith.mulf %sub3A_172, %add3A_96 : vector<768x256xf32>
    %mul3A_174 = arith.mulf %logistic3A_129, %tanh3A_169 : vector<768x256xf32>
    %add3A_175 = arith.addf %mul3A_173, %mul3A_174 : vector<768x256xf32>
    %slice3A_176 = vector.extract_strided_slice %add3A_175 {offsets = [0, 0], sizes = [256, 256], strides = [1, 1]} : vector<768x256xf32> to vector<256x256xf32>
    %slice3A_177 = vector.extract_strided_slice %add3A_175 {offsets = [256, 0], sizes = [256, 256], strides = [1, 1]} : vector<768x256xf32> to vector<256x256xf32>
    %slice3A_178 = vector.extract_strided_slice %add3A_175 {offsets = [512, 0], sizes = [256, 256], strides = [1, 1]} : vector<768x256xf32> to vector<256x256xf32>
    %mul3A_179 = arith.constant 0.0196078438 : f32
    %mul3A_180 = vector.broadcast %mul3A_179 : f32 to vector<256x256xf32>
    %mul3A_181 = arith.mulf %slice3A_176, %mul3A_180 : vector<256x256xf32>
    %mul3A_182 = arith.constant 0.0196078438 : f32
    %mul3A_183 = vector.broadcast %mul3A_182 : f32 to vector<256x256xf32>
    %mul3A_184 = arith.mulf %slice3A_177, %mul3A_183 : vector<256x256xf32>
    %add3A_185 = arith.addf %mul3A_181, %mul3A_184 : vector<256x256xf32>
    %concatenate3A_186 = tpu.concatenate %slice3A_178, %slice3A_178, %add3A_185 in 0 : vector<256x256xf32>, vector<256x256xf32>, vector<256x256xf32> -> vector<768x256xf32>
    %get3A_187 = arith.constant 0 : index
    %get3A_188 = arith.constant 0 : index
    %get3A_189 = vector.load %arg6[%get3A_187, %get3A_188] : memref<256x256xf32, #tpu.memory_space<vmem>>, vector<256x256xf32>
    %dot_general3A_190 = arith.constant dense<0.000000e+00> : vector<768x256xf32>
    %dot_general3A_191 = tpu.matmul %concatenate3A_186, %get3A_189, %dot_general3A_190 {dimension_numbers = #tpu.dot_dimension_numbers<[1], [0], [0], [1], [0, 0, 1, 1], [], []>, transpose_lhs_hint = false} : vector<768x256xf32>, vector<256x256xf32>, vector<768x256xf32> -> vector<768x256xf32>
    %get3A_192 = arith.constant 0 : index
    %get3A_193 = arith.constant 0 : index
    %get3A_194 = vector.load %arg7[%get3A_192, %get3A_193] : memref<256x256xf32, #tpu.memory_space<vmem>>, vector<256x256xf32>
    %dot_general3A_195 = arith.constant dense<0.000000e+00> : vector<768x256xf32>
    %dot_general3A_196 = tpu.matmul %add3A_175, %get3A_194, %dot_general3A_195 {dimension_numbers = #tpu.dot_dimension_numbers<[1], [0], [0], [1], [0, 0, 1, 1], [], []>, transpose_lhs_hint = false} : vector<768x256xf32>, vector<256x256xf32>, vector<768x256xf32> -> vector<768x256xf32>
    %add3A_197 = arith.addf %dot_general3A_191, %dot_general3A_196 : vector<768x256xf32>
    %get3A_198 = arith.constant 0 : index
    %get3A_199 = arith.constant 0 : index
    %get3A_200 = vector.load %arg8[%get3A_198, %get3A_199] : memref<1x256xf32, #tpu.memory_space<vmem>>, vector<1x256xf32>
    %add3A_201 = vector.broadcast %get3A_200 : vector<1x256xf32> to vector<768x256xf32>
    %add3A_202 = arith.addf %add3A_197, %add3A_201 : vector<768x256xf32>
    %logistic3A_203 = arith.negf %add3A_202 : vector<768x256xf32>
    %logistic3A_204 = math.exp %logistic3A_203 : vector<768x256xf32>
    %logistic3A_205 = arith.constant 1.000000e+00 : f32
    %logistic3A_206 = vector.broadcast %logistic3A_205 : f32 to vector<768x256xf32>
    %logistic3A_207 = arith.addf %logistic3A_206, %logistic3A_204 : vector<768x256xf32>
    %logistic3A_208 = arith.divf %logistic3A_206, %logistic3A_207 : vector<768x256xf32>
    %get3A_209 = arith.constant 0 : index
    %get3A_210 = arith.constant 0 : index
    %get3A_211 = vector.load %arg9[%get3A_209, %get3A_210] : memref<256x256xf32, #tpu.memory_space<vmem>>, vector<256x256xf32>
    %dot_general3A_212 = arith.constant dense<0.000000e+00> : vector<768x256xf32>
    %dot_general3A_213 = tpu.matmul %concatenate3A_186, %get3A_211, %dot_general3A_212 {dimension_numbers = #tpu.dot_dimension_numbers<[1], [0], [0], [1], [0, 0, 1, 1], [], []>, transpose_lhs_hint = false} : vector<768x256xf32>, vector<256x256xf32>, vector<768x256xf32> -> vector<768x256xf32>
    %get3A_214 = arith.constant 0 : index
    %get3A_215 = arith.constant 0 : index
    %get3A_216 = vector.load %arg10[%get3A_214, %get3A_215] : memref<256x256xf32, #tpu.memory_space<vmem>>, vector<256x256xf32>
    %dot_general3A_217 = arith.constant dense<0.000000e+00> : vector<768x256xf32>
    %dot_general3A_218 = tpu.matmul %add3A_175, %get3A_216, %dot_general3A_217 {dimension_numbers = #tpu.dot_dimension_numbers<[1], [0], [0], [1], [0, 0, 1, 1], [], []>, transpose_lhs_hint = false} : vector<768x256xf32>, vector<256x256xf32>, vector<768x256xf32> -> vector<768x256xf32>
    %add3A_219 = arith.addf %dot_general3A_213, %dot_general3A_218 : vector<768x256xf32>
    %get3A_220 = arith.constant 0 : index
    %get3A_221 = arith.constant 0 : index
    %get3A_222 = vector.load %arg11[%get3A_220, %get3A_221] : memref<1x256xf32, #tpu.memory_space<vmem>>, vector<1x256xf32>
    %add3A_223 = vector.broadcast %get3A_222 : vector<1x256xf32> to vector<768x256xf32>
    %add3A_224 = arith.addf %add3A_219, %add3A_223 : vector<768x256xf32>
    %logistic3A_225 = arith.negf %add3A_224 : vector<768x256xf32>
    %logistic3A_226 = math.exp %logistic3A_225 : vector<768x256xf32>
    %logistic3A_227 = arith.constant 1.000000e+00 : f32
    %logistic3A_228 = vector.broadcast %logistic3A_227 : f32 to vector<768x256xf32>
    %logistic3A_229 = arith.addf %logistic3A_228, %logistic3A_226 : vector<768x256xf32>
    %logistic3A_230 = arith.divf %logistic3A_228, %logistic3A_229 : vector<768x256xf32>
    %get3A_231 = arith.constant 0 : index
    %get3A_232 = arith.constant 0 : index
    %get3A_233 = vector.load %arg12[%get3A_231, %get3A_232] : memref<256x256xf32, #tpu.memory_space<vmem>>, vector<256x256xf32>
    %dot_general3A_234 = arith.constant dense<0.000000e+00> : vector<768x256xf32>
    %dot_general3A_235 = tpu.matmul %concatenate3A_186, %get3A_233, %dot_general3A_234 {dimension_numbers = #tpu.dot_dimension_numbers<[1], [0], [0], [1], [0, 0, 1, 1], [], []>, transpose_lhs_hint = false} : vector<768x256xf32>, vector<256x256xf32>, vector<768x256xf32> -> vector<768x256xf32>
    %mul3A_236 = arith.mulf %logistic3A_230, %add3A_175 : vector<768x256xf32>
    %get3A_237 = arith.constant 0 : index
    %get3A_238 = arith.constant 0 : index
    %get3A_239 = vector.load %arg13[%get3A_237, %get3A_238] : memref<256x256xf32, #tpu.memory_space<vmem>>, vector<256x256xf32>
    %dot_general3A_240 = arith.constant dense<0.000000e+00> : vector<768x256xf32>
    %dot_general3A_241 = tpu.matmul %mul3A_236, %get3A_239, %dot_general3A_240 {dimension_numbers = #tpu.dot_dimension_numbers<[1], [0], [0], [1], [0, 0, 1, 1], [], []>, transpose_lhs_hint = false} : vector<768x256xf32>, vector<256x256xf32>, vector<768x256xf32> -> vector<768x256xf32>
    %add3A_242 = arith.addf %dot_general3A_235, %dot_general3A_241 : vector<768x256xf32>
    %get3A_243 = arith.constant 0 : index
    %get3A_244 = arith.constant 0 : index
    %get3A_245 = vector.load %arg14[%get3A_243, %get3A_244] : memref<1x256xf32, #tpu.memory_space<vmem>>, vector<1x256xf32>
    %add3A_246 = vector.broadcast %get3A_245 : vector<1x256xf32> to vector<768x256xf32>
    %add3A_247 = arith.addf %add3A_242, %add3A_246 : vector<768x256xf32>
    %tanh3A_248 = math.tanh %add3A_247 : vector<768x256xf32>
    %sub3A_249 = arith.constant 1.000000e+00 : f32
    %sub3A_250 = vector.broadcast %sub3A_249 : f32 to vector<768x256xf32>
    %sub3A_251 = arith.subf %sub3A_250, %logistic3A_208 : vector<768x256xf32>
    %mul3A_252 = arith.mulf %sub3A_251, %add3A_175 : vector<768x256xf32>
    %mul3A_253 = arith.mulf %logistic3A_208, %tanh3A_248 : vector<768x256xf32>
    %add3A_254 = arith.addf %mul3A_252, %mul3A_253 : vector<768x256xf32>
    %slice3A_255 = vector.extract_strided_slice %add3A_254 {offsets = [512, 0], sizes = [256, 256], strides = [1, 1]} : vector<768x256xf32> to vector<256x256xf32>
    %get3A_256 = arith.constant 0 : index
    %get3A_257 = arith.constant 0 : index
    %get3A_258 = vector.load %arg15[%get3A_256, %get3A_257] : memref<256x256xf32, #tpu.memory_space<vmem>>, vector<256x256xf32>
    %dot_general3A_259 = arith.constant dense<0.000000e+00> : vector<256x256xf32>
    %dot_general3A_260 = tpu.matmul %slice3A_255, %get3A_258, %dot_general3A_259 {dimension_numbers = #tpu.dot_dimension_numbers<[1], [0], [0], [1], [0, 0, 1, 1], [], []>, transpose_lhs_hint = false} : vector<256x256xf32>, vector<256x256xf32>, vector<256x256xf32> -> vector<256x256xf32>
    %get3A_261 = arith.constant 0 : index
    %get3A_262 = arith.constant 0 : index
    %get3A_263 = vector.load %arg16[%get3A_261, %get3A_262] : memref<256x256xf32, #tpu.memory_space<vmem>>, vector<256x256xf32>
    %dot_general3A_264 = arith.constant dense<0.000000e+00> : vector<256x256xf32>
    %dot_general3A_265 = tpu.matmul %add3A_22, %get3A_263, %dot_general3A_264 {dimension_numbers = #tpu.dot_dimension_numbers<[1], [0], [0], [1], [0, 0, 1, 1], [], []>, transpose_lhs_hint = false} : vector<256x256xf32>, vector<256x256xf32>, vector<256x256xf32> -> vector<256x256xf32>
    %add3A_266 = arith.addf %dot_general3A_260, %dot_general3A_265 : vector<256x256xf32>
    %get3A_267 = arith.constant 0 : index
    %get3A_268 = arith.constant 0 : index
    %get3A_269 = vector.load %arg17[%get3A_267, %get3A_268] : memref<1x256xf32, #tpu.memory_space<vmem>>, vector<1x256xf32>
    %add3A_270 = vector.broadcast %get3A_269 : vector<1x256xf32> to vector<256x256xf32>
    %add3A_271 = arith.addf %add3A_266, %add3A_270 : vector<256x256xf32>
    %max3A = arith.constant 0.000000e+00 : f32
    %max3A_272 = vector.broadcast %max3A : f32 to vector<256x256xf32>
    %max3A_273 = arith.maximumf %add3A_271, %max3A_272 : vector<256x256xf32>
    %get3A_274 = arith.constant 0 : index
    %get3A_275 = arith.constant 0 : index
    %get3A_276 = vector.load %arg18[%get3A_274, %get3A_275] : memref<1x256xf32, #tpu.memory_space<vmem>>, vector<1x256xf32>
    %mul3A_277 = vector.broadcast %get3A_276 : vector<1x256xf32> to vector<256x256xf32>
    %mul3A_278 = arith.mulf %max3A_273, %mul3A_277 : vector<256x256xf32>
    %reduce_sum3A = arith.constant dense<0.000000e+00> : vector<256xf32>
    %reduce_sum3A_279 = vector.multi_reduction <add>, %mul3A_278, %reduce_sum3A [1] : vector<256x256xf32> to vector<256xf32>
    %broadcast_in_dim3A = vector.shape_cast %reduce_sum3A_279 : vector<256xf32> to vector<256x1xf32>
    %get3A_280 = arith.constant 0 : index
    %get3A_281 = arith.constant 0 : index
    %get3A_282 = vector.load %arg19[%get3A_280, %get3A_281] : memref<1x1xf32, #tpu.memory_space<vmem>>, vector<1x1xf32>
    %add3A_283 = vector.broadcast %get3A_282 : vector<1x1xf32> to vector<256x1xf32>
    %add3A_284 = arith.addf %broadcast_in_dim3A, %add3A_283 : vector<256x1xf32>
    %broadcast_in_dim3A_285 = vector.shape_cast %add3A_284 : vector<256x1xf32> to vector<256x1xf32>
    %broadcast_in_dim3A_286 = vector.broadcast %broadcast_in_dim3A_285 : vector<256x1xf32> to vector<256x51xf32>
    %swap3A = arith.constant 0 : index
    %swap3A_287 = arith.constant 0 : index
    %swap3A_288 = vector.load %arg20[%swap3A, %swap3A_287] : memref<256x51xf32, #tpu.memory_space<vmem>>, vector<256x51xf32>
    tpu.vector_store %arg20[%swap3A, %swap3A_287], %broadcast_in_dim3A_286 {strides = array<i32>} : memref<256x51xf32, #tpu.memory_space<vmem>>, vector<256x51xf32>,
    return
  }
}

module attributes {stable_mosaic.version = 14 : i64} {
  func.func @_argmax_body(%arg0: memref<160x1024xf32, #tpu.memory_space<vmem>>, %arg1: memref<1x1024xi32, #tpu.memory_space<vmem>>) attributes {dimension_semantics = [], scalar_prefetch = 0 : i64, scratch_operands = 0 : i64, tpu.core_type = #tpu.core_type<tc>} {
    %get3A = arith.constant 0 : index
    %get3A_0 = arith.constant 0 : index
    %get3A_1 = vector.load %arg0[%get3A, %get3A_0] : memref<160x1024xf32, #tpu.memory_space<vmem>>, vector<160x1024xf32>
    %reduce_max3A = arith.constant dense<0xFF800000> : vector<1024xf32>
    %reduce_max3A_2 = vector.multi_reduction <maximumf>, %get3A_1, %reduce_max3A [0] : vector<160x1024xf32> to vector<1024xf32>
    %broadcast_in_dim3A = vector.shape_cast %reduce_max3A_2 : vector<1024xf32> to vector<1x1024xf32>
    %iota3A = tpu.iota {dimensions = array<i32: 0>} : vector<160x1024xi32>
    %eq3A = vector.broadcast %broadcast_in_dim3A : vector<1x1024xf32> to vector<160x1024xf32>
    %eq3A_3 = arith.cmpf oeq, %get3A_1, %eq3A : vector<160x1024xf32>
    %jit3A = arith.constant 160 : i32
    %broadcast_in_dim3A_4 = vector.broadcast %jit3A : i32 to vector<160x1024xi32>
    %select_n3A = arith.select %eq3A_3, %iota3A, %broadcast_in_dim3A_4 : vector<160x1024xi1>, vector<160x1024xi32>
    %reduce_min3A = arith.constant dense<2147483647> : vector<1024xi32>
    %reduce_min3A_5 = vector.multi_reduction <minsi>, %select_n3A, %reduce_min3A [0] : vector<160x1024xi32> to vector<1024xi32>
    %broadcast_in_dim3A_6 = vector.shape_cast %reduce_min3A_5 : vector<1024xi32> to vector<1x1024xi32>
    %add3A = arith.constant 1 : i32
    %add3A_7 = vector.broadcast %add3A : i32 to vector<1x1024xi32>
    %add3A_8 = arith.addi %broadcast_in_dim3A_6, %add3A_7 : vector<1x1024xi32>
    %swap3A = arith.constant 0 : index
    %swap3A_9 = arith.constant 0 : index
    %swap3A_10 = vector.load %arg1[%swap3A, %swap3A_9] : memref<1x1024xi32, #tpu.memory_space<vmem>>, vector<1x1024xi32>
    tpu.vector_store %arg1[%swap3A, %swap3A_9], %add3A_8 {strides = array<i32>} : memref<1x1024xi32, #tpu.memory_space<vmem>>, vector<1x1024xi32>,
    return
  }
}

</mosaic_0001>

<sc_bundles>
// kernel: gather_offload_async_start.1
scs
__scs_entry_jumppad:
0x0: {  	(pc) =	sbr.rel $0x88, $3  }
0x1: {  	(tag) =	ssettag $0x0;
	lr =	simm.s32 $0x1  }
0x2: {  	[smem:$0x3F88] =	sst lr;
	_ =	strace $0xD0000000  }
0x3: {  	_ = 	snop  }
0x4: {  	_ = 	snop  }
0x5: {  	_ = 	snop  }
0x6: {  	_ = 	snop  }
0x7: {  	_ = 	snop  }
__scs_overlays_trampoline_lowered:
0x8: {  	[smem:$0x3F97] =	sst s0  }
0x9: {  	[smem:$0x3F98] =	sst s1  }
0xa: {  	[smem:$0x3F99] =	sst s2  }
0xb: {  	[smem:$0x3F9A] =	sst s3  }
0xc: {  	[smem:$0x3F9B] =	sst s4  }
0xd: {  	[smem:$0x3F9C] =	sst s5  }
0xe: {  	[smem:$0x3F9D] =	sst s6  }
0xf: {  	[smem:$0x3F9E] =	sst s7  }
0x10: {  	[smem:$0x3F9F] =	sst s8  }
0x11: {  	[smem:$0x3FA0] =	sst s9;
	s0 =	simm.s32 @!p0 $0x0  }
0x12: {  	s1 =	sld [smem:$0x3F86];
	s0 =	simm.s32 @p0 $0x1  }
0x13: {  	[smem:$0x3FA1] =	sst s0;
	s0 =	simm.s32 @!p1 $0x0  }
0x14: {  	s2 =	sld [smem:$0x3F85];
	s0 =	simm.s32 @p1 $0x1  }
0x15: {  	[smem:$0x3FA2] =	sst s0;
	s0 =	simm.s32 @!p2 $0x0  }
0x16: {  	s3 =	sld [smem:$0x3FDB];
	s0 =	simm.s32 @p2 $0x1  }
0x17: {  	s4 =	simm.s32 $0x1BF5;
	[smem:$0x3FA4] =	sst s0  }
0x18: {  	s0 =	sld [smem:$0x3F87];
	_ =	swait.ge [sflag:s4], $0x0  }
0x19: {  	s7 =	sld [smem:$0x3F88]  }
0x1a: {  	s8 =	sadd.s32 $0xFFFFE003, lr  }
0x1b: {  	s9 =	sadd.s32 $0xFFFFFEF7, lr;
	s5 =	simm.s32 $0xFFFFFFFF;
	p2 =	slt.u32 s8, $0xFFFFF086  }
0x1c: {  	p1 =	slt.u32 s9, $0xF7A;
	s5 =	simm.s32 @!p2 $0x0  }
0x1d: {  	s5 =	simm.s32 @p1 $0x1;
	p0 =	seq.s32 s7, s2  }
0x1e: {  	s7 =	smul.u32 @!p0 $0xF7A, s2;
	p2 =	seq.s32 @!p0 s5, $0x0  }
0x1f: {  	s9 =	smul.u32 $0xF7A, s1;
	s8 =	simm.s32 @!p0 $0x1BF5;
	p2 =	por !p2, p0  }
0x20: {  	[sflag:s8] =	ssyncset.s32 @!p0 $0xFFFFF086;
	s6 =	sadd.s32 @!p0 s3, s7;
	s7 =	simm.s32 @!p0 $0x108  }
0x21: {  	s3 =	sadd.s32 s3, s9;
	s6 =	sadd.s32 @!p0 $0x88, s6;
	s7 =	simm.s32 @p2 $0x1082  }
0x22: {  	[simem:s7], [sflag:s8] =	dma.local @!p0 [hbm:s6], $0xF7A  }
0x23: {  	s9 =	sor.u32 $0xD0000000, s2;
	s6 =	simm.s32 $0x108;
	_ =	swait.ge @!p0 [sflag:s8], $0x0  }
0x24: {  	s3 =	sadd.s32 $0x88, s3;
	s6 =	simm.s32 @!p1 $0x1082;
	[sflag:s4] =	ssyncset.s32 $0xFFFFF086  }
0x25: {  	[simem:s6], [sflag:s4] =	dma.local [hbm:s3], $0xF7A  }
0x26: {  	[smem:$0x3F88] =	sst s1;
	(tag) =	ssettag s2;
	_ =	strace s9  }
0x27: {  	s1 =	sld [smem:$0x3F98]  }
0x28: {  	s2 =	sld [smem:$0x3F99]  }
0x29: {  	s4 =	sld [smem:$0x3F9B]  }
0x2a: {  	p0 =	seq.s32 s5, $0x0;
	s5 =	sld [smem:$0x3F9C]  }
0x2b: {  	s6 =	sld [smem:$0x3F9D]  }
0x2c: {  	s7 =	sld [smem:$0x3F9E]  }
0x2d: {  	s3 =	simm.s32 $0x108;
	s8 =	sld [smem:$0x3F9F]  }
0x2e: {  	s3 =	simm.s32 @!p0 $0x1082;
	s9 =	sld [smem:$0x3FA0]  }
0x2f: {  	lr =	sadd.s32 s0, s3;
	s0 =	sld [smem:$0x3F97]  }
0x30: {  	s3 =	sld [smem:$0x3F9A]  }
0x31: {  	[smem:$0x3FA3] =	sst s10  }
0x32: {  	s10 =	sld [smem:$0x3FA1];
	_ =	sdelay $0x3  }
0x33: {  	p0 =	seq.s32 s10, $0x1;
	s10 =	sld [smem:$0x3FA3];
	_ =	sdelay $0x3  }
0x34: {  	[smem:$0x3FA3] =	sst s10  }
0x35: {  	s10 =	sld [smem:$0x3FA2];
	_ =	sdelay $0x3  }
0x36: {  	p1 =	seq.s32 s10, $0x1;
	s10 =	sld [smem:$0x3FA3];
	_ =	sdelay $0x3  }
0x37: {  	[smem:$0x3FA3] =	sst s10  }
0x38: {  	s10 =	sld [smem:$0x3FA4]  }
0x39: {  	_ = 	snop;
	(pc) =	sbr.ind lr, $3  }
0x3a: {  	_ = 	snop  }
0x3b: {  	_ = 	snop  }
0x3c: {  	p2 =	seq.s32 s10, $0x1;
	s10 =	sld [smem:$0x3FA3]  }
0x3d: {  	_ =	shalt  }
0x3e: {  	_ =	shalt  }
0x3f: {  	_ =	shalt  }
0x40: {  	_ =	shalt  }
0x41: {  	_ =	shalt  }
0x42: {  	_ =	shalt  }
0x43: {  	_ =	shalt  }
0x44: {  	_ =	shalt  }
0x45: {  	_ =	shalt  }
0x46: {  	_ =	shalt  }
0x47: {  	_ =	shalt  }
0x48: {  	_ =	shalt  }
0x49: {  	_ =	shalt  }
0x4a: {  	_ =	shalt  }
0x4b: {  	_ =	shalt  }
0x4c: {  	_ =	shalt  }
0x4d: {  	_ =	shalt  }
0x4e: {  	_ =	shalt  }
0x4f: {  	_ =	shalt  }
0x50: {  	_ =	shalt  }
0x51: {  	_ =	shalt  }
0x52: {  	_ =	shalt  }
0x53: {  	_ =	shalt  }
0x54: {  	_ =	shalt  }
0x55: {  	_ =	shalt  }
0x56: {  	_ =	shalt  }
0x57: {  	_ =	shalt  }
0x58: {  	_ =	shalt  }
0x59: {  	_ =	shalt  }
0x5a: {  	_ =	shalt  }
0x5b: {  	_ =	shalt  }
0x5c: {  	_ =	shalt  }
0x5d: {  	_ =	shalt  }
0x5e: {  	_ =	shalt  }
0x5f: {  	_ =	shalt  }
0x60: {  	_ =	shalt  }
0x61: {  	_ =	shalt  }
0x62: {  	_ =	shalt  }
0x63: {  	_ =	shalt  }
0x64: {  	_ =	shalt  }
0x65: {  	_ =	shalt  }
0x66: {  	_ =	shalt  }
0x67: {  	_ =	shalt  }
0x68: {  	_ =	shalt  }
0x69: {  	_ =	shalt  }
0x6a: {  	_ =	shalt  }
0x6b: {  	_ =	shalt  }
0x6c: {  	_ =	shalt  }
0x6d: {  	_ =	shalt  }
0x6e: {  	_ =	shalt  }
0x6f: {  	_ =	shalt  }
0x70: {  	_ =	shalt  }
0x71: {  	_ =	shalt  }
0x72: {  	_ =	shalt  }
0x73: {  	_ =	shalt  }
0x74: {  	_ =	shalt  }
0x75: {  	_ =	shalt  }
0x76: {  	_ =	shalt  }
0x77: {  	_ =	shalt  }
0x78: {  	_ =	shalt  }
0x79: {  	_ =	shalt  }
0x7a: {  	_ =	shalt  }
0x7b: {  	_ =	shalt  }
0x7c: {  	_ =	shalt  }
0x7d: {  	_ =	shalt  }
0x7e: {  	_ =	shalt  }
0x7f: {  	_ =	shalt  }
0x80: {  	_ =	shalt  }
0x81: {  	_ =	shalt  }
0x82: {  	_ =	shalt  }
0x83: {  	_ =	shalt  }
0x84: {  	_ =	shalt  }
0x85: {  	_ =	shalt  }
0x86: {  	_ =	shalt  }
0x87: {  	_ =	shalt  }
.Lfunc_end0:
.L_simem_size_0:
called_computation.1_lowered:
.L_overlay_start_0:
0x88: {  	s0 =	sld [smem:$0x3FD9]  }
0x89: {  	s1 =	sld [smem:$0x3FFE];
	_ =	sdelay $0x3  }
0x8a: {  	s0 =	sadd.s32 s1, s0  }
0x8b: {  	[smem:$0x3FAF] =	sst s0  }
0x8c: {  	_ = 	snop  }
0x8d: {  	s0 =	sld [smem:$0x3FD0];
	_ =	sdelay $0x2  }
0x8e: {  	s13 =	simm.s32 $0xC;
	s2 =	simm.s32 $0x10  }
0x8f: {  	[smem:s2], [sflag:s13] =	dma.local [hbm:s0], $0x1  }
0x90: {  	_ =	swait.eq [sflag:s13], $0x1  }
0x91: {  	[sflag:s13] =	ssyncset.done $0x0  }
0x92: {  	[sflag:s13] =	ssyncadd.s32 $0xFFFFFFFF  }
0x93: {  	s14 =	sld [smem:$0x10];
	(tm) =	ssettm $0x1  }
0x94: {  	s15 =	sld [smem:$0x3FFB];
	_ =	sdelay $0x3  }
0x95: {  	_ =	strace s15  }
0x96: {  	s1 =	sld [smem:$0x3FFC];
	_ =	sdelay $0x3  }
0x97: {  	_ =	strace s1  }
0x98: {  	s1 =	sld [smem:$0x3FFD];
	_ =	sdelay $0x3  }
0x99: {  	_ =	strace s1  }
0x9a: {  	_ =	strace $0x8FFFFFFF  }
0x9b: {  	s16 =	sld [smem:$0x3FDB];
	_ =	sdelay $0x1  }
0x9c: {  	s17 =	simm.s32 $_scs_section_size  }
0x9d: {  	s3 =	simm.s32 $_size__tile_overlayer_lowered;
	s4 =	simm.s32 $_tile_overlayer_lowered  }
0x9e: {  	s20 =	simm.s32 $0x1BFF;
	s19 =	sshll.u32 s4, $0x1;
	s1 =	sadd.s32 s17, s16  }
0x9f: {  	s5 =	simm.s32 $0x0;
	s18 =	sshll.u32 s3, $0x1;
	s3 =	sadd.s32 s19, s1  }
0xa0: {  	[timem:s5], [sflag:s20] =	dma.local [hbm:s3], s18  }
0xa1: {  	_ =	swait.ge [sflag:s20], s18  }
0xa2: {  	s2 =	ssub.s32 $0x0, s18;
	[sflag:s20] =	ssyncset.done $0x0  }
0xa3: {  	[sflag:s20] =	ssyncadd.s32 s2;
	_ =	sdelay $0x1  }
0xa4: {  	s21 =	simm.s32 $0x1B8B  }
0xa5: {  	_ =	swait.ge [sflag:s21], $0x1  }
0xa6: {  	[sflag:s21] =	ssyncset.done $0x0  }
0xa7: {  	s23 =	simm.s32 $0x1B8E;
	s22 =	sld [smem:$0x3FFE];
	[sflag:s21] =	ssyncadd.s32 $0xFFFFFFFF  }
0xa8: {  	s24 =	simm.s32 $execute0_lowered;
	[smem:$0x3FD2] =	sst s23  }
0xa9: {  	s3 =	sshll.u32 s24, $0x1;
	_ =	strace $0x80000046;
	[dreg:$0x1] =	wrdreg $0xFFFFFFFF  }
0xaa: {  	s25 =	simm.s32 $_size_execute0_lowered;
	s1 =	sadd.s32 s1, s3;
	[dreg:$0x0] =	wrdreg $0x0  }
0xab: {  	s3 =	sshll.u32 s25, $0x1;
	[dreg:$0x2] =	wrdreg s1  }
0xac: {  	[dreg:$0x3] =	wrdreg s3  }
0xad: {  	[dreg:$0x4] =	wrdreg $0xC0  }
0xae: {  	_ =	task [dreg:s5], $0x5FFFF  }
0xaf: {  	[dreg:$0x1] =	wrdreg $0xFFFFFFFF  }
0xb0: {  	[dreg:$0x0] =	wrdreg $0x60  }
0xb1: {  	[dreg:$0x2] =	wrdreg s14  }
0xb2: {  	[dreg:$0x3] =	wrdreg s22  }
0xb3: {  	[dreg:$0x4] =	wrdreg $0xB  }
0xb4: {  	_ =	task.clear_ibuf [dreg:s5], $0x5FFFF;
	_ =	strace $0x90000046  }
0xb5: {  	s26 =	simm.s32 $0xB;
	_ =	strace $0x80000048  }
0xb6: {  	_ =	swait.ge [sflag:s26], $0x1  }
0xb7: {  	[sflag:s26] =	ssyncadd.s32 $0xFFFFFFFF  }
0xb8: {  	_ =	strace $0x90000048  }
0xb9: {  	_ =	sfence  }
0xba: {  	s28 =	sld [smem:$0x0];
	_ =	sdelay $0x1  }
0xbb: {  	s29 =	srdreg.scid  }
0xbc: {  	s30 =	sshll.u32 s29, $0xD;
	s31 =	sshrl.u32 s29, $0x2  }
0xbd: {  	s2 =	sand.u32 $0x4000, s30;
	s1 =	sand.u32 $0x1, s29;
	s0 =	sadd.s32 s31, s28  }
0xbe: {  	s1 =	sor.u32 s2, s1;
	s0 =	sshll.u32 s0, $0x11  }
0xbf: {  	s0 =	sor.u32 s0, s1  }
0xc0: {  	s0 =	sadd.s32 $0x8F2B, s0  }
0xc1: {  	[sflag:s0] =	ssyncadd.remote.s32 $0x1  }
0xc2: {  	_ =	sfence.sel $0xFFFF  }
0xc3: {  	[dreg:$0x0] =	wrdreg $0xFFFFFFFF;
	(pc) =	sbr.abs _section_cstart, $3  }
0xc4: {  	[dreg:$0x1] =	wrdreg $0xFFFFFFFF  }
0xc5: {  	_ =	task.clear_ibuf [dreg:s5], $0x2FFFF;
	_ =	strace $0x9FFFFFFF  }
0xc6: {  	(tm) =	ssettm $0x7FFFFFFF  }
0xc7: {  	_ =	shalt  }
tec
execute0_lowered:
.L_overlay_start_1:
0x0: {  	(tag) =	ssettag $0x1  }
0x1: {  	s2 =	rddreg [dreg:$0x0]  }
0x2: {  	s8 =	rddreg [dreg:$0x1]  }
0x3: {  	s0 =	rddreg [dreg:$0x2]  }
0x4: {  	_ =	strace $0x80000047;
	s4 =	simm.s32 $0x1;
	s1 =	stileid.u32  }
0x5: {  	s7 =	simm.s32 $0x1;
	s9 =	simm.s32 $0x1;
	s6 =	simm.s32 $0x2  }
0x6: {  	s10 =	simm.s32 $0x3;
	s13 =	simm.s32 $0x0;
	s12 =	simm.s32 $0x0  }
.Ltmp0:
0x7: {  	s3 =	sadd.s32 $0x5C00, s8;
	p0 =	slt.u32 s1, $0xA;
	(pc) =	sbr.rel .LBB2_1-.Ltmp0, $4  }
0x8: {  	[sflag:s4] =	ssyncpa.u1 $0x0;
	s7 =	simm.s32 @!p0 $0x0;
	p0 =	sne.s32 s1, $0x9  }
0x9: {  	s5 =	smul.u32 $0x1770, s1;
	[sflag:s6] =	ssyncpa.u1 $0x0;
	s9 =	simm.s32 @!p0 $0x0  }
0xa: {  	s8 =	sadd.s32 $0x254600, s8;
	[sflag:s10] =	ssyncpa.u1 $0x0;
	s7 =	sadd.s32 s9, s7  }
0xb: {  	vm0 =	vmmov $0xffff;
	s10 =	simm.s32 $0x0;
	s11 =	smov.u32 s5;
	s9 =	sadd.s32 $0x1, s7  }
.LBB2_4:
0xc: {  	vm1 =	veq.s32 v0, $0x80000000;
	v63 =	vand.u32 $0xFF, v0;
	v2 =	vand.u32 $0x3FF, v2  }
0xd: {  	v0 =	vsel vm1, $0xFFFFFFFF, v63;
	v2 =	vsel vm1, $0xFFFFFFFF, v2  }
0xe: {  	v3 =	vshll.u32 v0, $0xA;
	v4 =	vshll.u32 v2, $0x3  }
0xf: {  	v0 =	vshll.u32 v0, $0x7;
	v3 =	vand.u32 $0xFFFFE000, v3;
	v4 =	vand.u32 $0xFFFFFC00, v4  }
0x10: {  	v0 =	vand.u32 $0x380, v0;
	v3 =	vadd.s32 v3, v4  }
0x11: {  	v2 =	vand.u32 $0x7F, v2;
	v0 =	vor.u32 v0, v3  }
0x12: {  	v0 =	vor.u32 v2, v0;
	_ =	sdelay $0x1  }
0x13: {  	(ifvalue) =	ssetifvalue $0x7FFFFFFF;
	s15 =	sadd.s32 $0x10, s15  }
0x14: {  	[tilespmem:s15], [sflag:$0x1] =	stream.indirect_vreg.gather [hbm4b:s2+s10], $0x1, v1, vm0, $0x4038;
	[tilespmem:$0x5DC0] =	vst v63  }
0x15: {  	(ifvalue) =	ssetifvalue $0x7FFFFFFF;
	s15 =	sadd.s32 $0x10, s15  }
0x16: {  	[tilespmem:s15], [sflag:$0x1] =	stream.indirect_vreg.gather [hbm4b:s2+s10], $0x1, v0, vm0, $0x4038;
	[tilespmem:$0x5DC0] =	vst v63  }
0x17: {  	_ =	swait.ge [sflag:s4], $0x1770  }
0x18: {  	s30 =	sshrl.u32 s13, $0x3;
	[sflag:s4] =	ssyncset.done $0x0  }
0x19: {  	s31 =	sand.u32 $0x7, s13;
	s15 =	sadd.s32 s8, s30;
	[sflag:s4] =	ssyncadd.s32 $0xFFFFE890  }
0x1a: {  	[hbm4b:s15+s31] =	stream.linear.scatter [tilespmem:s14], [sflag:$0x3], $0x1770, $0x38;
	[tilespmem:$0x5DC0] =	vst v63  }
.LBB2_5:
0x1b: {  	s15 =	sadd.s32 $0x17700, s11  }
0x1c: {  	p1 =	sgt.s32 s15, $0x249EF  }
0x1d: {  	s15 =	smov.u32 @p1 s5;
	p1 =	sne.s32 s12, s9  }
.Ltmp1:
0x1e: {  	p0 =	slt.u32 s12, $0x2;
	(pc) =	sbr.rel @!p1 .LBB2_6-.Ltmp1, $4  }
0x1f: {  	s14 =	simm.s32 @!p0 $0x3  }
0x20: {  	_ =	swait.ge @!p0 [sflag:s14], $0x1770  }
0x21: {  	s16 =	sadd.s32 $0x1, s12;
	s13 =	smov.u32 s11;
	[sflag:s14] =	ssyncset.done @!p0 $0x0  }
0x22: {  	s12 =	smov.u32 s16;
	s11 =	smov.u32 s15;
	[sflag:s14] =	ssyncadd.s32 @!p0 $0xFFFFE890  }
.LBB2_1:
0x23: {  	p0 =	sge.u32 s12, s7  }
0x24: {  	s14 =	sxor.u32 @!p0 $0x1, s12  }
0x25: {  	s14 =	smul.u32 @!p0 $0x5DC0, s14  }
0x26: {  	s31 =	sadd.s32 $0xFFFFFFFF, s12;
	s15 =	sshrl.u32 @!p0 s11, $0x3  }
0x27: {  	s16 =	sand.u32 @!p0 $0x7, s11;
	s15 =	sadd.s32 @!p0 s3, s15;
	s14 =	sshra.s32 @!p0 s14, $0x2  }
0x28: {  	[tilespmem:s14], [sflag:$0x2] =	stream.linear.gather @!p0 [hbm4b:s15+s16], $0x1770, $0x38;
	[tilespmem:$0x5DC0] =	vst v63  }
0x29: {  	p0 =	sge.u32 s31, s7  }
.Ltmp2:
0x2a: {  	_ = 	snop;
	(pc) =	sbr.rel @p0 .LBB2_5-.Ltmp2, $1  }
0x2b: {  	_ =	sdelay $0x3  }
0x2c: {  	s14 =	sand.u32 $0x1, s12  }
0x2d: {  	_ =	swait.ge [sflag:s6], $0x1770;
	p0 =	seq.s32 s14, $0x1;
	s14 =	simm.s32 $0x1770  }
0x2e: {  	[sflag:s6] =	ssyncset.done $0x0;
	s14 =	simm.s32 @!p0 $0x0  }
0x2f: {  	[sflag:s6] =	ssyncadd.s32 $0xFFFFE890;
	(ifvalue) =	ssetifvalue $0x7FFFFFFF;
	v0 =	vld.msk [tilespmem:s14+$0x0 ss:$0x1], $0xffff;
	_ =	sdelay $0x3  }
0x30: {  	s15 =	sadd.s32 $0x10, s14  }
0x31: {  	v2 =	vld.msk [tilespmem:s15+$0x0 ss:$0x1], $0xffff;
	v1 =	vshrl.u32 v0, $0x8  }
0x32: {  	vm1 =	veq.s32 v0, $0x80000000;
	v0 =	vand.u32 $0xFF, v0;
	v1 =	vand.u32 $0x3FF, v1  }
0x33: {  	v0 =	vsel vm1, $0xFFFFFFFF, v0;
	v1 =	vsel vm1, $0xFFFFFFFF, v1  }
0x34: {  	v3 =	vshll.u32 v0, $0xA;
	v4 =	vshll.u32 v1, $0x3  }
0x35: {  	v0 =	vshll.u32 v0, $0x7;
	v3 =	vand.u32 $0xFFFFE000, v3;
	v4 =	vand.u32 $0xFFFFFC00, v4  }
0x36: {  	vm1 =	veq.s32 v2, $0x80000000;
	v0 =	vand.u32 $0x380, v0;
	v3 =	vadd.s32 v3, v4  }
0x37: {  	v1 =	vand.u32 $0x7F, v1;
	v0 =	vor.u32 v0, v3;
	v3 =	vshrl.u32 v2, $0x8  }
0x38: {  	s15 =	sadd.s32 $0x10, s15;
	v2 =	vand.u32 $0xFF, v2;
	v1 =	vor.u32 v1, v0;
	v3 =	vand.u32 $0x3FF, v3  }
0x39: {  	v0 =	vld.msk [tilespmem:s15+$0x0 ss:$0x1], $0xffff;
	v2 =	vsel vm1, $0xFFFFFFFF, v2;
	v3 =	vsel vm1, $0xFFFFFFFF, v3  }
0x3a: {  	v63 =	vshll.u32 v2, $0xA;
	v5 =	vshll.u32 v3, $0x3  }
0x3b: {  	v2 =	vshll.u32 v2, $0x7;
	v4 =	vand.u32 $0xFFFFE000, v63;
	v5 =	vand.u32 $0xFFFFFC00, v5  }
0x3c: {  	s14 =	sadd.s32 $0x2EE0, s14;
	(ifvalue) =	ssetifvalue $0x7FFFFFFF;
	v2 =	vand.u32 $0x380, v2;
	v4 =	vadd.s32 v4, v5  }
0x3d: {  	[tilespmem:s14], [sflag:$0x1] =	stream.indirect_vreg.gather [hbm4b:s2+s10], $0x1, v1, vm0, $0x4038;
	v1 =	vand.u32 $0x7F, v3;
	v3 =	vor.u32 v2, v4;
	[tilespmem:$0x5DC0] =	vst v63  }
0x3e: {  	s16 =	simm.s32 $0x20;
	s17 =	sadd.s32 $0x10, s15;
	s15 =	smov.u32 s14;
	v2 =	vshrl.u32 v0, $0x8;
	v1 =	vor.u32 v1, v3  }
.LBB2_3:
0x3f: {  	s16 =	sadd.s32 $0x10, s16;
	vm1 =	veq.s32 v0, $0x80000000;
	v3 =	vand.u32 $0xFF, v0;
	v0 =	vld.msk [tilespmem:s17+$0x0 ss:$0x1], $0xffff;
	v2 =	vand.u32 $0x3FF, v2  }
0x40: {  	p0 =	slt.u32 s16, $0x1760;
	v3 =	vsel vm1, $0xFFFFFFFF, v3;
	v2 =	vsel vm1, $0xFFFFFFFF, v2  }
.Ltmp3:
0x41: {  	v4 =	vshll.u32 v3, $0xA;
	v5 =	vshll.u32 v2, $0x3;
	(pc) =	sbr.rel @p0 .LBB2_3-.Ltmp3, $4  }
0x42: {  	s15 =	sadd.s32 $0x10, s15;
	v3 =	vshll.u32 v3, $0x7;
	v4 =	vand.u32 $0xFFFFE000, v4;
	v5 =	vand.u32 $0xFFFFFC00, v5;
	(ifvalue) =	ssetifvalue $0x7FFFFFFF  }
0x43: {  	v3 =	vand.u32 $0x380, v3;
	v4 =	vadd.s32 v4, v5;
	[tilespmem:s15], [sflag:$0x1] =	stream.indirect_vreg.gather [hbm4b:s2+s10], $0x1, v1, vm0, $0x4038;
	[tilespmem:$0x5DC0] =	vst v63  }
0x44: {  	v1 =	vand.u32 $0x7F, v2;
	v3 =	vor.u32 v3, v4  }
0x45: {  	s17 =	sadd.s32 $0x10, s17;
	v2 =	vshrl.u32 v0, $0x8;
	v1 =	vor.u32 v1, v3  }
.Ltmp4:
0x46: {  	_ = 	snop;
	(pc) =	sbr.rel .LBB2_4-.Ltmp4, $1  }
0x47: {  	_ =	sdelay $0x3  }
.LBB2_6:
0x48: {  	_ =	sfence.sel $0x180000  }
0x49: {  	s2 =	simm.s32 $0x2;
	[bflag:$0x0] =	sbarrier.arrive $0xFFFF  }
0x4a: {  	s30 =	simm.s32 $0x3;
	[sflag:s2] =	ssyncpa.u1 $0x1  }
0x4b: {  	s31 =	simm.s32 $0x1;
	[sflag:s30] =	ssyncpa.u1 $0x1  }
0x4c: {  	[sflag:s31] =	ssyncpa.u1 $0x1  }
0x4d: {  	p0 =	sne.s32 s1, $0x0;
	_ =	strace $0x90000047  }
0x4e: {  	s0 =	sadd.s32 @!p0 $0x100000, s0;
	[bflag:$0x2] =	sbarrier.arrive $0xFFFF  }
0x4f: {  	[sflag:s0] =	ssyncadd.tile.s32 @!p0 $0x1;
	_ =	shalt  }
.Lfunc_end2:
_tile_overlayer_lowered:
.L_overlay_start_2:
0x50: {  	(tag) =	ssettag $0x2  }
0x51: {  	s0 =	rddreg [dreg:$0x0];
	s2 =	stileid.u32  }
0x52: {  	s1 =	rddreg [dreg:$0x1];
	p0 =	sne.s32 s2, $0x0  }
0x53: {  	s3 =	rddreg [dreg:$0x2];
	[bflag:$0x3] =	sbarrier.arrive $0xFFFF;
	s2 =	simm.s32 @!p0 $0x1C01  }
0x54: {  	[timem:s3], [sflag:s2] =	dma.local @!p0 [hbm:s0], s1  }
0x55: {  	s0 =	simm.s32 @!p0 $0x1  }
0x56: {  	_ =	swait.ge @!p0 [sflag:s0], s1  }
0x57: {  	s1 =	ssub.s32 @!p0 $0x0, s1;
	[sflag:s0] =	ssyncset.done @!p0 $0x0  }
0x58: {  	[sflag:s0] =	ssyncadd.s32 @!p0 s1  }
0x59: {  	[bflag:$0x3] =	sbarrier.arrive $0xFFFF  }
0x5a: {  	_ =	shalt  }

// kernel: gather_offload_async_start
scs
__scs_entry_jumppad:
0x0: {  	(pc) =	sbr.rel $0x88, $3  }
0x1: {  	(tag) =	ssettag $0x0;
	lr =	simm.s32 $0x1  }
0x2: {  	[smem:$0x3F88] =	sst lr;
	_ =	strace $0xD0000000  }
0x3: {  	_ = 	snop  }
0x4: {  	_ = 	snop  }
0x5: {  	_ = 	snop  }
0x6: {  	_ = 	snop  }
0x7: {  	_ = 	snop  }
__scs_overlays_trampoline_lowered:
0x8: {  	[smem:$0x3F97] =	sst s0  }
0x9: {  	[smem:$0x3F98] =	sst s1  }
0xa: {  	[smem:$0x3F99] =	sst s2  }
0xb: {  	[smem:$0x3F9A] =	sst s3  }
0xc: {  	[smem:$0x3F9B] =	sst s4  }
0xd: {  	[smem:$0x3F9C] =	sst s5  }
0xe: {  	[smem:$0x3F9D] =	sst s6  }
0xf: {  	[smem:$0x3F9E] =	sst s7  }
0x10: {  	[smem:$0x3F9F] =	sst s8  }
0x11: {  	[smem:$0x3FA0] =	sst s9;
	s0 =	simm.s32 @!p0 $0x0  }
0x12: {  	s1 =	sld [smem:$0x3F86];
	s0 =	simm.s32 @p0 $0x1  }
0x13: {  	[smem:$0x3FA1] =	sst s0;
	s0 =	simm.s32 @!p1 $0x0  }
0x14: {  	s2 =	sld [smem:$0x3F85];
	s0 =	simm.s32 @p1 $0x1  }
0x15: {  	[smem:$0x3FA2] =	sst s0;
	s0 =	simm.s32 @!p2 $0x0  }
0x16: {  	s3 =	sld [smem:$0x3FDB];
	s0 =	simm.s32 @p2 $0x1  }
0x17: {  	s4 =	simm.s32 $0x1BF5;
	[smem:$0x3FA4] =	sst s0  }
0x18: {  	s0 =	sld [smem:$0x3F87];
	_ =	swait.ge [sflag:s4], $0x0  }
0x19: {  	s7 =	sld [smem:$0x3F88]  }
0x1a: {  	s8 =	sadd.s32 $0xFFFFE003, lr  }
0x1b: {  	s9 =	sadd.s32 $0xFFFFFEF7, lr;
	s5 =	simm.s32 $0xFFFFFFFF;
	p2 =	slt.u32 s8, $0xFFFFF086  }
0x1c: {  	p1 =	slt.u32 s9, $0xF7A;
	s5 =	simm.s32 @!p2 $0x0  }
0x1d: {  	s5 =	simm.s32 @p1 $0x1;
	p0 =	seq.s32 s7, s2  }
0x1e: {  	s7 =	smul.u32 @!p0 $0xF7A, s2;
	p2 =	seq.s32 @!p0 s5, $0x0  }
0x1f: {  	s9 =	smul.u32 $0xF7A, s1;
	s8 =	simm.s32 @!p0 $0x1BF5;
	p2 =	por !p2, p0  }
0x20: {  	[sflag:s8] =	ssyncset.s32 @!p0 $0xFFFFF086;
	s6 =	sadd.s32 @!p0 s3, s7;
	s7 =	simm.s32 @!p0 $0x108  }
0x21: {  	s3 =	sadd.s32 s3, s9;
	s6 =	sadd.s32 @!p0 $0x88, s6;
	s7 =	simm.s32 @p2 $0x1082  }
0x22: {  	[simem:s7], [sflag:s8] =	dma.local @!p0 [hbm:s6], $0xF7A  }
0x23: {  	s9 =	sor.u32 $0xD0000000, s2;
	s6 =	simm.s32 $0x108;
	_ =	swait.ge @!p0 [sflag:s8], $0x0  }
0x24: {  	s3 =	sadd.s32 $0x88, s3;
	s6 =	simm.s32 @!p1 $0x1082;
	[sflag:s4] =	ssyncset.s32 $0xFFFFF086  }
0x25: {  	[simem:s6], [sflag:s4] =	dma.local [hbm:s3], $0xF7A  }
0x26: {  	[smem:$0x3F88] =	sst s1;
	(tag) =	ssettag s2;
	_ =	strace s9  }
0x27: {  	s1 =	sld [smem:$0x3F98]  }
0x28: {  	s2 =	sld [smem:$0x3F99]  }
0x29: {  	s4 =	sld [smem:$0x3F9B]  }
0x2a: {  	p0 =	seq.s32 s5, $0x0;
	s5 =	sld [smem:$0x3F9C]  }
0x2b: {  	s6 =	sld [smem:$0x3F9D]  }
0x2c: {  	s7 =	sld [smem:$0x3F9E]  }
0x2d: {  	s3 =	simm.s32 $0x108;
	s8 =	sld [smem:$0x3F9F]  }
0x2e: {  	s3 =	simm.s32 @!p0 $0x1082;
	s9 =	sld [smem:$0x3FA0]  }
0x2f: {  	lr =	sadd.s32 s0, s3;
	s0 =	sld [smem:$0x3F97]  }
0x30: {  	s3 =	sld [smem:$0x3F9A]  }
0x31: {  	[smem:$0x3FA3] =	sst s10  }
0x32: {  	s10 =	sld [smem:$0x3FA1];
	_ =	sdelay $0x3  }
0x33: {  	p0 =	seq.s32 s10, $0x1;
	s10 =	sld [smem:$0x3FA3];
	_ =	sdelay $0x3  }
0x34: {  	[smem:$0x3FA3] =	sst s10  }
0x35: {  	s10 =	sld [smem:$0x3FA2];
	_ =	sdelay $0x3  }
0x36: {  	p1 =	seq.s32 s10, $0x1;
	s10 =	sld [smem:$0x3FA3];
	_ =	sdelay $0x3  }
0x37: {  	[smem:$0x3FA3] =	sst s10  }
0x38: {  	s10 =	sld [smem:$0x3FA4]  }
0x39: {  	_ = 	snop;
	(pc) =	sbr.ind lr, $3  }
0x3a: {  	_ = 	snop  }
0x3b: {  	_ = 	snop  }
0x3c: {  	p2 =	seq.s32 s10, $0x1;
	s10 =	sld [smem:$0x3FA3]  }
0x3d: {  	_ =	shalt  }
0x3e: {  	_ =	shalt  }
0x3f: {  	_ =	shalt  }
0x40: {  	_ =	shalt  }
0x41: {  	_ =	shalt  }
0x42: {  	_ =	shalt  }
0x43: {  	_ =	shalt  }
0x44: {  	_ =	shalt  }
0x45: {  	_ =	shalt  }
0x46: {  	_ =	shalt  }
0x47: {  	_ =	shalt  }
0x48: {  	_ =	shalt  }
0x49: {  	_ =	shalt  }
0x4a: {  	_ =	shalt  }
0x4b: {  	_ =	shalt  }
0x4c: {  	_ =	shalt  }
0x4d: {  	_ =	shalt  }
0x4e: {  	_ =	shalt  }
0x4f: {  	_ =	shalt  }
0x50: {  	_ =	shalt  }
0x51: {  	_ =	shalt  }
0x52: {  	_ =	shalt  }
0x53: {  	_ =	shalt  }
0x54: {  	_ =	shalt  }
0x55: {  	_ =	shalt  }
0x56: {  	_ =	shalt  }
0x57: {  	_ =	shalt  }
0x58: {  	_ =	shalt  }
0x59: {  	_ =	shalt  }
0x5a: {  	_ =	shalt  }
0x5b: {  	_ =	shalt  }
0x5c: {  	_ =	shalt  }
0x5d: {  	_ =	shalt  }
0x5e: {  	_ =	shalt  }
0x5f: {  	_ =	shalt  }
0x60: {  	_ =	shalt  }
0x61: {  	_ =	shalt  }
0x62: {  	_ =	shalt  }
0x63: {  	_ =	shalt  }
0x64: {  	_ =	shalt  }
0x65: {  	_ =	shalt  }
0x66: {  	_ =	shalt  }
0x67: {  	_ =	shalt  }
0x68: {  	_ =	shalt  }
0x69: {  	_ =	shalt  }
0x6a: {  	_ =	shalt  }
0x6b: {  	_ =	shalt  }
0x6c: {  	_ =	shalt  }
0x6d: {  	_ =	shalt  }
0x6e: {  	_ =	shalt  }
0x6f: {  	_ =	shalt  }
0x70: {  	_ =	shalt  }
0x71: {  	_ =	shalt  }
0x72: {  	_ =	shalt  }
0x73: {  	_ =	shalt  }
0x74: {  	_ =	shalt  }
0x75: {  	_ =	shalt  }
0x76: {  	_ =	shalt  }
0x77: {  	_ =	shalt  }
0x78: {  	_ =	shalt  }
0x79: {  	_ =	shalt  }
0x7a: {  	_ =	shalt  }
0x7b: {  	_ =	shalt  }
0x7c: {  	_ =	shalt  }
0x7d: {  	_ =	shalt  }
0x7e: {  	_ =	shalt  }
0x7f: {  	_ =	shalt  }
0x80: {  	_ =	shalt  }
0x81: {  	_ =	shalt  }
0x82: {  	_ =	shalt  }
0x83: {  	_ =	shalt  }
0x84: {  	_ =	shalt  }
0x85: {  	_ =	shalt  }
0x86: {  	_ =	shalt  }
0x87: {  	_ =	shalt  }
.Lfunc_end0:
.L_simem_size_0:
called_computation_lowered:
.L_overlay_start_0:
0x88: {  	s0 =	sld [smem:$0x3FD9]  }
0x89: {  	s1 =	sld [smem:$0x3FFE];
	_ =	sdelay $0x3  }
0x8a: {  	s0 =	sadd.s32 s1, s0  }
0x8b: {  	[smem:$0x3FAF] =	sst s0  }
0x8c: {  	_ = 	snop  }
0x8d: {  	(tm) =	ssettm $0x1  }
0x8e: {  	s15 =	sld [smem:$0x3FFB];
	_ =	sdelay $0x3  }
0x8f: {  	_ =	strace s15  }
0x90: {  	s0 =	sld [smem:$0x3FFC];
	_ =	sdelay $0x3  }
0x91: {  	_ =	strace s0  }
0x92: {  	s0 =	sld [smem:$0x3FFD];
	_ =	sdelay $0x3  }
0x93: {  	_ =	strace s0  }
0x94: {  	_ =	strace $0x8FFFFFFF  }
0x95: {  	s16 =	sld [smem:$0x3FDB];
	_ =	sdelay $0x1  }
0x96: {  	s17 =	simm.s32 $_scs_section_size  }
0x97: {  	s2 =	simm.s32 $_size__tile_overlayer_lowered;
	s3 =	simm.s32 $_tile_overlayer_lowered  }
0x98: {  	s20 =	simm.s32 $0x1BFF;
	s19 =	sshll.u32 s3, $0x1;
	s0 =	sadd.s32 s17, s16  }
0x99: {  	s4 =	simm.s32 $0x0;
	s18 =	sshll.u32 s2, $0x1;
	s2 =	sadd.s32 s19, s0  }
0x9a: {  	[timem:s4], [sflag:s20] =	dma.local [hbm:s2], s18  }
0x9b: {  	_ =	swait.ge [sflag:s20], s18  }
0x9c: {  	s1 =	ssub.s32 $0x0, s18;
	[sflag:s20] =	ssyncset.done $0x0  }
0x9d: {  	[sflag:s20] =	ssyncadd.s32 s1;
	_ =	sdelay $0x1  }
0x9e: {  	s21 =	simm.s32 $0x1B8B  }
0x9f: {  	_ =	swait.ge [sflag:s21], $0x1  }
0xa0: {  	[sflag:s21] =	ssyncset.done $0x0  }
0xa1: {  	s23 =	simm.s32 $0x1B8E;
	s22 =	sld [smem:$0x3FFE];
	[sflag:s21] =	ssyncadd.s32 $0xFFFFFFFF  }
0xa2: {  	s24 =	simm.s32 $execute0_lowered;
	[smem:$0x3FD2] =	sst s23  }
0xa3: {  	s2 =	sshll.u32 s24, $0x1;
	_ =	strace $0x80000049;
	[dreg:$0x1] =	wrdreg $0xFFFFFFFF  }
0xa4: {  	s25 =	simm.s32 $_size_execute0_lowered;
	s0 =	sadd.s32 s0, s2;
	[dreg:$0x0] =	wrdreg $0x0  }
0xa5: {  	s2 =	sshll.u32 s25, $0x1;
	[dreg:$0x2] =	wrdreg s0  }
0xa6: {  	[dreg:$0x3] =	wrdreg s2  }
0xa7: {  	[dreg:$0x4] =	wrdreg $0xC0  }
0xa8: {  	_ =	task [dreg:s4], $0x5FFFF  }
0xa9: {  	[dreg:$0x1] =	wrdreg $0xFFFFFFFF  }
0xaa: {  	[dreg:$0x0] =	wrdreg $0x60  }
0xab: {  	[dreg:$0x2] =	wrdreg s22  }
0xac: {  	[dreg:$0x3] =	wrdreg $0xA  }
0xad: {  	_ =	task.clear_ibuf [dreg:s4], $0x4FFFF;
	_ =	strace $0x90000049  }
0xae: {  	s26 =	simm.s32 $0xA;
	_ =	strace $0x8000004B  }
0xaf: {  	_ =	swait.ge [sflag:s26], $0x1  }
0xb0: {  	[sflag:s26] =	ssyncadd.s32 $0xFFFFFFFF  }
0xb1: {  	_ =	strace $0x9000004B  }
0xb2: {  	_ =	sfence  }
0xb3: {  	s28 =	sld [smem:$0x0];
	_ =	sdelay $0x1  }
0xb4: {  	s29 =	srdreg.scid  }
0xb5: {  	s30 =	sshll.u32 s29, $0xD;
	s31 =	sshrl.u32 s29, $0x2  }
0xb6: {  	s1 =	sand.u32 $0x1, s29;
	s2 =	sand.u32 $0x4000, s30;
	s0 =	sadd.s32 s31, s28  }
0xb7: {  	s1 =	sor.u32 s2, s1;
	s0 =	sshll.u32 s0, $0x11  }
0xb8: {  	s0 =	sor.u32 s0, s1  }
0xb9: {  	s0 =	sadd.s32 $0x8F2B, s0  }
0xba: {  	[sflag:s0] =	ssyncadd.remote.s32 $0x1  }
0xbb: {  	_ =	sfence.sel $0xFFFF  }
0xbc: {  	[dreg:$0x0] =	wrdreg $0xFFFFFFFF;
	(pc) =	sbr.abs _section_cstart, $3  }
0xbd: {  	[dreg:$0x1] =	wrdreg $0xFFFFFFFF  }
0xbe: {  	_ =	task.clear_ibuf [dreg:s4], $0x2FFFF;
	_ =	strace $0x9FFFFFFF  }
0xbf: {  	(tm) =	ssettm $0x7FFFFFFF  }
tec
execute0_lowered:
.L_overlay_start_1:
0x0: {  	(tag) =	ssettag $0x1  }
0x1: {  	s0 =	stileid.u32  }
0x2: {  	s1 =	smul.u32 $0x17, s0  }
0x3: {  	s2 =	smin.u32 s0, $0x7  }
0x4: {  	s1 =	sadd.s32 s2, s1  }
0x5: {  	p0 =	slt.u32 s0, $0x7;
	s2 =	smul.u32 $0x190, s1;
	s1 =	simm.s32 $0x2580  }
0x6: {  	s1 =	simm.s32 @!p0 $0x23F0  }
0x7: {  	s1 =	sadd.s32 s1, s2  }
0x8: {  	s3 =	smin.u32 s1, $0x249F0  }
0x9: {  	s7 =	ssub.s32 s3, s2  }
0xa: {  	p0 =	sgt.s32 s7, $0x0  }
0xb: {  	s7 =	simm.s32 @!p0 $0x0  }
0xc: {  	s31 =	smulhi.u32 $0x51EB851F, s7  }
0xd: {  	s9 =	rddreg [dreg:$0x0];
	s6 =	simm.s32 $0x1;
	s11 =	simm.s32 $0x3  }
0xe: {  	s13 =	simm.s32 $0x0;
	s12 =	simm.s32 $0x0;
	s8 =	sshrl.u32 s31, $0x7  }
0xf: {  	s4 =	sadd.s32 $0xA600, s9;
	s5 =	sadd.s32 $0x5C00, s9;
	s10 =	smul.u32 $0x190, s8  }
.Ltmp0:
0x10: {  	s9 =	sadd.s32 $0x259000, s9;
	s1 =	rddreg [dreg:$0x1];
	(pc) =	sbr.rel .LBB2_1-.Ltmp0, $4  }
0x11: {  	_ =	strace $0x8000004A;
	p0 =	sne.s32 s7, s10;
	s10 =	simm.s32 $0x1  }
0x12: {  	[sflag:s6] =	ssyncpa.u1 $0x0;
	s7 =	simm.s32 $0x2;
	s10 =	simm.s32 @!p0 $0x0  }
0x13: {  	[sflag:s7] =	ssyncpa.u1 $0x0;
	p0 =	por $0x0, $0x0;
	s8 =	sadd.s32 s10, s8  }
0x14: {  	vm0 =	vmmov $0xff;
	vm1 =	vcmask $0x3F20;
	[sflag:s11] =	ssyncpa.u1 $0x0;
	s11 =	smov.u32 s2;
	s10 =	sadd.s32 $0x1, s8  }
.LBB2_6:
0x15: {  	[hbm:s17] =	stream.linear.scatter [tilespmem:s14], [sflag:$0x3], $0x400, $0x38;
	[tilespmem:$0x19320] =	vst v63  }
.LBB2_7:
0x16: {  	s13 =	sadd.s32 $0x190, s11  }
0x17: {  	s15 =	smov.u32 s2;
	p2 =	slt.s32 s13, s3  }
0x18: {  	s15 =	smov.u32 @p2 s13;
	p2 =	sne.s32 s12, s10  }
.Ltmp1:
0x19: {  	p1 =	slt.u32 s12, $0x2;
	(pc) =	sbr.rel @!p2 .LBB2_8-.Ltmp1, $4  }
0x1a: {  	s14 =	simm.s32 @!p1 $0x3  }
0x1b: {  	s16 =	sadd.s32 $0x1, s12;
	_ =	swait.ge @!p1 [sflag:s14], $0xC800  }
0x1c: {  	p0 =	por !p0, !p0;
	s13 =	smov.u32 s11;
	[sflag:s14] =	ssyncset.done @!p1 $0x0  }
0x1d: {  	s12 =	smov.u32 s16;
	s11 =	smov.u32 s15;
	[sflag:s14] =	ssyncadd.s32 @!p1 $0xFFFF3800  }
.LBB2_1:
0x1e: {  	p1 =	sge.u32 s12, s8  }
0x1f: {  	s14 =	sxor.u32 @!p1 $0xFFFFFFFF, s12  }
0x20: {  	s14 =	sand.u32 @!p1 $0x1, s14  }
0x21: {  	s14 =	smul.u32 @!p1 $0x640, s14  }
0x22: {  	s31 =	sadd.s32 $0xFFFFFFFF, s12;
	s15 =	sshrl.u32 @!p1 s11, $0x3  }
0x23: {  	s16 =	sand.u32 @!p1 $0x7, s11;
	s15 =	sadd.s32 @!p1 s5, s15;
	s14 =	sshrl.u32 @!p1 s14, $0x2  }
0x24: {  	[tilespmem:s14], [sflag:$0x2] =	stream.linear.gather @!p1 [hbm4b:s15+s16], $0x190, $0x38;
	[tilespmem:$0x19320] =	vst v63  }
0x25: {  	p1 =	sge.u32 s31, s8  }
.Ltmp2:
0x26: {  	_ = 	snop;
	(pc) =	sbr.rel @p1 .LBB2_7-.Ltmp2, $1  }
0x27: {  	_ =	sdelay $0x3  }
0x28: {  	s14 =	simm.s32 $0x1  }
0x29: {  	s14 =	simm.s32 @!p0 $0x0  }
0x2a: {  	s15 =	smul.u32 $0x640, s14  }
0x2b: {  	_ =	swait.ge [sflag:s7], $0x190  }
0x2c: {  	[sflag:s7] =	ssyncset.done $0x0;
	s16 =	sshrl.u32 s15, $0x2  }
0x2d: {  	[sflag:s7] =	ssyncadd.s32 $0xFFFFFE70;
	s15 =	sadd.s32 $0x0, s16  }
0x2e: {  	v0 =	vld.msk [tilespmem:s15+$0x0 ss:$0x1], $0xffff;
	_ =	sdelay $0x4  }
0x2f: {  	v1 =	vand.u32 $0xFF, v0;
	v2 =	vshrl.u32 v0, $0x1  }
0x30: {  	vm2 =	veq.s32 v0, $0x80000000;
	v0 =	vmul.u32 $0x1F400, v1;
	v1 =	vand.u32 $0x1FF80, v2  }
0x31: {  	v1 =	vsel vm2, $0xFFFFFF80, v1  }
0x32: {  	v0 =	vsel vm2, $0xFFFE0C00, v0;
	v2 =	vand.u32 $0xFFFFFC00, v1  }
0x33: {  	v1 =	vand.u32 $0x380, v1;
	v0 =	vadd.s32 v0, v2  }
0x34: {  	v0 =	vor.u32 v1, v0  }
0x35: {  	v0 =	vshrl.u32 v0, $0x3  }
0x36: {  	s14 =	smul.u32 $0x32000, s14;
	_ =	sdelay $0x1  }
0x37: {  	s14 =	sshrl.u32 s14, $0x2  }
0x38: {  	s14 =	sor.u32 $0x320, s14  }
0x39: {  	[tilespmem:s14], [sflag:$0x1] =	stream.indirect_vreg.gather [hbm:s4], $0x80, v0, vm0, $0x38;
	[tilespmem:$0x19320] =	vst v63  }
0x3a: {  	s17 =	sadd.s32 $0x10, s16;
	s15 =	sadd.s32 $0x400, s14  }
0x3b: {  	[tilespmem:s15], [sflag:$0x1] =	stream.indirect_vreg.gather [hbm:s4], $0x80, v0, vm1, $0x38;
	[tilespmem:$0x19320] =	vst v63  }
0x3c: {  	s18 =	simm.s32 $0x80;
	v0 =	vld.msk [tilespmem:s17+$0x0 ss:$0x1], $0xffff;
	s17 =	smov.u32 s14  }
.LBB2_3:
0x3d: {  	p1 =	sne.s32 s18, $0x600;
	_ =	sdelay $0x4  }
0x3e: {  	v1 =	vand.u32 $0xFF, v0;
	v2 =	vshrl.u32 v0, $0x1  }
0x3f: {  	vm2 =	veq.s32 v0, $0x80000000;
	v0 =	vmul.u32 $0x1F400, v1;
	v1 =	vand.u32 $0x1FF80, v2  }
0x40: {  	v1 =	vsel vm2, $0xFFFFFF80, v1  }
0x41: {  	v0 =	vsel vm2, $0xFFFE0C00, v0;
	v2 =	vand.u32 $0xFFFFFC00, v1  }
0x42: {  	v1 =	vand.u32 $0x380, v1;
	v0 =	vadd.s32 v0, v2  }
0x43: {  	v0 =	vor.u32 v1, v0  }
0x44: {  	v0 =	vshrl.u32 v0, $0x3;
	_ =	sdelay $0x3  }
.Ltmp3:
0x45: {  	s19 =	sshra.s32 s18, $0x2;
	s17 =	sadd.s32 $0x800, s17;
	(pc) =	sbr.rel @p1 .LBB2_3-.Ltmp3, $4  }
0x46: {  	[tilespmem:s17], [sflag:$0x1] =	stream.indirect_vreg.gather [hbm:s4], $0x80, v0, vm0, $0x38;
	[tilespmem:$0x19320] =	vst v63  }
0x47: {  	s19 =	sadd.s32 s19, s16;
	s20 =	sadd.s32 $0x400, s17  }
0x48: {  	[tilespmem:s20], [sflag:$0x1] =	stream.indirect_vreg.gather [hbm:s4], $0x80, v0, vm1, $0x38;
	[tilespmem:$0x19320] =	vst v63  }
0x49: {  	s18 =	sadd.s32 $0x40, s18;
	v0 =	vld.msk [tilespmem:s19+$0x0 ss:$0x1], $0xffff  }
0x4a: {  	_ =	sdelay $0x3  }
0x4b: {  	v1 =	vand.u32 $0xFF, v0;
	v2 =	vshrl.u32 v0, $0x1  }
0x4c: {  	vm2 =	veq.s32 v0, $0x80000000;
	v61 =	vmul.u32 $0x1F400, v1;
	v62 =	vand.u32 $0x1FF80, v2  }
0x4d: {  	v1 =	vsel vm2, $0xFFFFFF80, v62  }
0x4e: {  	v0 =	vsel vm2, $0xFFFE0C00, v61;
	v63 =	vand.u32 $0xFFFFFC00, v1  }
0x4f: {  	v1 =	vand.u32 $0x380, v1;
	v0 =	vadd.s32 v0, v63  }
0x50: {  	v0 =	vor.u32 v1, v0  }
0x51: {  	v0 =	vshrl.u32 v0, $0x3;
	_ =	sdelay $0x3  }
0x52: {  	s16 =	sadd.s32 $0x800, s17  }
0x53: {  	[tilespmem:s16], [sflag:$0x1] =	stream.indirect_vreg.gather [hbm:s4], $0x80, v0, vm0, $0x38;
	[tilespmem:$0x19320] =	vst v63  }
0x54: {  	s16 =	sadd.s32 $0x400, s16  }
0x55: {  	[tilespmem:s16], [sflag:$0x1] =	stream.indirect_vreg.gather [hbm:s4], $0x80, v0, vm1, $0x38;
	[tilespmem:$0x19320] =	vst v63  }
0x56: {  	s13 =	sshll.u32 s13, $0x4;
	_ =	swait.ge [sflag:s6], $0xC800  }
0x57: {  	s13 =	sadd.s32 s13, s9;
	[sflag:s6] =	ssyncset.done $0x0  }
0x58: {  	s17 =	sadd.s32 $0x0, s13;
	s16 =	simm.s32 $0x80;
	[sflag:s6] =	ssyncadd.s32 $0xFFFF3800  }
.LBB2_5:
0x59: {  	[hbm:s17] =	stream.linear.scatter [tilespmem:s14], [sflag:$0x3], $0x400, $0x38;
	[tilespmem:$0x19320] =	vst v63  }
0x5a: {  	s17 =	smov.u32 s16;
	s14 =	smov.u32 s15;
	p1 =	sne.s32 s16, $0x1880  }
.Ltmp4:
0x5b: {  	s16 =	sadd.s32 $0x80, s16;
	(pc) =	sbr.rel @p1 .LBB2_5-.Ltmp4, $2  }
0x5c: {  	_ =	sdelay $0x2  }
0x5d: {  	s15 =	sadd.s32 $0x400, s15;
	s17 =	sadd.s32 s17, s13  }
.Ltmp5:
0x5e: {  	_ = 	snop;
	(pc) =	sbr.rel .LBB2_6-.Ltmp5, $1  }
0x5f: {  	_ =	sdelay $0x3  }
.LBB2_8:
0x60: {  	_ =	sfence.sel $0x180000  }
0x61: {  	s2 =	simm.s32 $0x2;
	[bflag:$0x0] =	sbarrier.arrive $0xFFFF  }
0x62: {  	s30 =	simm.s32 $0x3;
	[sflag:s2] =	ssyncpa.u1 $0x1  }
0x63: {  	s31 =	simm.s32 $0x1;
	[sflag:s30] =	ssyncpa.u1 $0x1  }
0x64: {  	[sflag:s31] =	ssyncpa.u1 $0x1  }
0x65: {  	p0 =	sne.s32 s0, $0x0;
	_ =	strace $0x9000004A  }
0x66: {  	s0 =	sadd.s32 @!p0 $0x100000, s1;
	[bflag:$0x2] =	sbarrier.arrive $0xFFFF  }
0x67: {  	[sflag:s0] =	ssyncadd.tile.s32 @!p0 $0x1;
	_ =	shalt  }
.Lfunc_end2:
_tile_overlayer_lowered:
.L_overlay_start_2:
0x68: {  	(tag) =	ssettag $0x2  }
0x69: {  	s0 =	rddreg [dreg:$0x0];
	s2 =	stileid.u32  }
0x6a: {  	s1 =	rddreg [dreg:$0x1];
	p0 =	sne.s32 s2, $0x0  }
0x6b: {  	s3 =	rddreg [dreg:$0x2];
	[bflag:$0x3] =	sbarrier.arrive $0xFFFF;
	s2 =	simm.s32 @!p0 $0x1C01  }
0x6c: {  	[timem:s3], [sflag:s2] =	dma.local @!p0 [hbm:s0], s1  }
0x6d: {  	s0 =	simm.s32 @!p0 $0x1  }
0x6e: {  	_ =	swait.ge @!p0 [sflag:s0], s1  }
0x6f: {  	s1 =	ssub.s32 @!p0 $0x0, s1;
	[sflag:s0] =	ssyncset.done @!p0 $0x0  }
0x70: {  	[sflag:s0] =	ssyncadd.s32 @!p0 s1  }
0x71: {  	[bflag:$0x3] =	sbarrier.arrive $0xFFFF  }
0x72: {  	_ =	shalt  }

// kernel: kernel.10.cloned.1.call-start
scs
__scs_entry_jumppad:
0x0: {  	(pc) =	sbr.rel $0x88, $3  }
0x1: {  	(tag) =	ssettag $0x0;
	lr =	simm.s32 $0x1  }
0x2: {  	[smem:$0x3F88] =	sst lr;
	_ =	strace $0xD0000000  }
0x3: {  	_ = 	snop  }
0x4: {  	_ = 	snop  }
0x5: {  	_ = 	snop  }
0x6: {  	_ = 	snop  }
0x7: {  	_ = 	snop  }
__scs_overlays_trampoline_lowered:
0x8: {  	[smem:$0x3F97] =	sst s0  }
0x9: {  	[smem:$0x3F98] =	sst s1  }
0xa: {  	[smem:$0x3F99] =	sst s2  }
0xb: {  	[smem:$0x3F9A] =	sst s3  }
0xc: {  	[smem:$0x3F9B] =	sst s4  }
0xd: {  	[smem:$0x3F9C] =	sst s5  }
0xe: {  	[smem:$0x3F9D] =	sst s6  }
0xf: {  	[smem:$0x3F9E] =	sst s7  }
0x10: {  	[smem:$0x3F9F] =	sst s8  }
0x11: {  	[smem:$0x3FA0] =	sst s9;
	s0 =	simm.s32 @!p0 $0x0  }
0x12: {  	s1 =	sld [smem:$0x3F86];
	s0 =	simm.s32 @p0 $0x1  }
0x13: {  	[smem:$0x3FA1] =	sst s0;
	s0 =	simm.s32 @!p1 $0x0  }
0x14: {  	s2 =	sld [smem:$0x3F85];
	s0 =	simm.s32 @p1 $0x1  }
0x15: {  	[smem:$0x3FA2] =	sst s0;
	s0 =	simm.s32 @!p2 $0x0  }
0x16: {  	s3 =	sld [smem:$0x3FDB];
	s0 =	simm.s32 @p2 $0x1  }
0x17: {  	s4 =	simm.s32 $0x1BF5;
	[smem:$0x3FA4] =	sst s0  }
0x18: {  	s0 =	sld [smem:$0x3F87];
	_ =	swait.ge [sflag:s4], $0x0  }
0x19: {  	s7 =	sld [smem:$0x3F88]  }
0x1a: {  	s8 =	sadd.s32 $0xFFFFE003, lr  }
0x1b: {  	s9 =	sadd.s32 $0xFFFFFEF7, lr;
	s5 =	simm.s32 $0xFFFFFFFF;
	p2 =	slt.u32 s8, $0xFFFFF086  }
0x1c: {  	p1 =	slt.u32 s9, $0xF7A;
	s5 =	simm.s32 @!p2 $0x0  }
0x1d: {  	s5 =	simm.s32 @p1 $0x1;
	p0 =	seq.s32 s7, s2  }
0x1e: {  	s7 =	smul.u32 @!p0 $0xF7A, s2;
	p2 =	seq.s32 @!p0 s5, $0x0  }
0x1f: {  	s9 =	smul.u32 $0xF7A, s1;
	s8 =	simm.s32 @!p0 $0x1BF5;
	p2 =	por !p2, p0  }
0x20: {  	[sflag:s8] =	ssyncset.s32 @!p0 $0xFFFFF086;
	s6 =	sadd.s32 @!p0 s3, s7;
	s7 =	simm.s32 @!p0 $0x108  }
0x21: {  	s3 =	sadd.s32 s3, s9;
	s6 =	sadd.s32 @!p0 $0x88, s6;
	s7 =	simm.s32 @p2 $0x1082  }
0x22: {  	[simem:s7], [sflag:s8] =	dma.local @!p0 [hbm:s6], $0xF7A  }
0x23: {  	s9 =	sor.u32 $0xD0000000, s2;
	s6 =	simm.s32 $0x108;
	_ =	swait.ge @!p0 [sflag:s8], $0x0  }
0x24: {  	s3 =	sadd.s32 $0x88, s3;
	s6 =	simm.s32 @!p1 $0x1082;
	[sflag:s4] =	ssyncset.s32 $0xFFFFF086  }
0x25: {  	[simem:s6], [sflag:s4] =	dma.local [hbm:s3], $0xF7A  }
0x26: {  	[smem:$0x3F88] =	sst s1;
	(tag) =	ssettag s2;
	_ =	strace s9  }
0x27: {  	s1 =	sld [smem:$0x3F98]  }
0x28: {  	s2 =	sld [smem:$0x3F99]  }
0x29: {  	s4 =	sld [smem:$0x3F9B]  }
0x2a: {  	p0 =	seq.s32 s5, $0x0;
	s5 =	sld [smem:$0x3F9C]  }
0x2b: {  	s6 =	sld [smem:$0x3F9D]  }
0x2c: {  	s7 =	sld [smem:$0x3F9E]  }
0x2d: {  	s3 =	simm.s32 $0x108;
	s8 =	sld [smem:$0x3F9F]  }
0x2e: {  	s3 =	simm.s32 @!p0 $0x1082;
	s9 =	sld [smem:$0x3FA0]  }
0x2f: {  	lr =	sadd.s32 s0, s3;
	s0 =	sld [smem:$0x3F97]  }
0x30: {  	s3 =	sld [smem:$0x3F9A]  }
0x31: {  	[smem:$0x3FA3] =	sst s10  }
0x32: {  	s10 =	sld [smem:$0x3FA1];
	_ =	sdelay $0x3  }
0x33: {  	p0 =	seq.s32 s10, $0x1;
	s10 =	sld [smem:$0x3FA3];
	_ =	sdelay $0x3  }
0x34: {  	[smem:$0x3FA3] =	sst s10  }
0x35: {  	s10 =	sld [smem:$0x3FA2];
	_ =	sdelay $0x3  }
0x36: {  	p1 =	seq.s32 s10, $0x1;
	s10 =	sld [smem:$0x3FA3];
	_ =	sdelay $0x3  }
0x37: {  	[smem:$0x3FA3] =	sst s10  }
0x38: {  	s10 =	sld [smem:$0x3FA4]  }
0x39: {  	_ = 	snop;
	(pc) =	sbr.ind lr, $3  }
0x3a: {  	_ = 	snop  }
0x3b: {  	_ = 	snop  }
0x3c: {  	p2 =	seq.s32 s10, $0x1;
	s10 =	sld [smem:$0x3FA3]  }
0x3d: {  	_ =	shalt  }
0x3e: {  	_ =	shalt  }
0x3f: {  	_ =	shalt  }
0x40: {  	_ =	shalt  }
0x41: {  	_ =	shalt  }
0x42: {  	_ =	shalt  }
0x43: {  	_ =	shalt  }
0x44: {  	_ =	shalt  }
0x45: {  	_ =	shalt  }
0x46: {  	_ =	shalt  }
0x47: {  	_ =	shalt  }
0x48: {  	_ =	shalt  }
0x49: {  	_ =	shalt  }
0x4a: {  	_ =	shalt  }
0x4b: {  	_ =	shalt  }
0x4c: {  	_ =	shalt  }
0x4d: {  	_ =	shalt  }
0x4e: {  	_ =	shalt  }
0x4f: {  	_ =	shalt  }
0x50: {  	_ =	shalt  }
0x51: {  	_ =	shalt  }
0x52: {  	_ =	shalt  }
0x53: {  	_ =	shalt  }
0x54: {  	_ =	shalt  }
0x55: {  	_ =	shalt  }
0x56: {  	_ =	shalt  }
0x57: {  	_ =	shalt  }
0x58: {  	_ =	shalt  }
0x59: {  	_ =	shalt  }
0x5a: {  	_ =	shalt  }
0x5b: {  	_ =	shalt  }
0x5c: {  	_ =	shalt  }
0x5d: {  	_ =	shalt  }
0x5e: {  	_ =	shalt  }
0x5f: {  	_ =	shalt  }
0x60: {  	_ =	shalt  }
0x61: {  	_ =	shalt  }
0x62: {  	_ =	shalt  }
0x63: {  	_ =	shalt  }
0x64: {  	_ =	shalt  }
0x65: {  	_ =	shalt  }
0x66: {  	_ =	shalt  }
0x67: {  	_ =	shalt  }
0x68: {  	_ =	shalt  }
0x69: {  	_ =	shalt  }
0x6a: {  	_ =	shalt  }
0x6b: {  	_ =	shalt  }
0x6c: {  	_ =	shalt  }
0x6d: {  	_ =	shalt  }
0x6e: {  	_ =	shalt  }
0x6f: {  	_ =	shalt  }
0x70: {  	_ =	shalt  }
0x71: {  	_ =	shalt  }
0x72: {  	_ =	shalt  }
0x73: {  	_ =	shalt  }
0x74: {  	_ =	shalt  }
0x75: {  	_ =	shalt  }
0x76: {  	_ =	shalt  }
0x77: {  	_ =	shalt  }
0x78: {  	_ =	shalt  }
0x79: {  	_ =	shalt  }
0x7a: {  	_ =	shalt  }
0x7b: {  	_ =	shalt  }
0x7c: {  	_ =	shalt  }
0x7d: {  	_ =	shalt  }
0x7e: {  	_ =	shalt  }
0x7f: {  	_ =	shalt  }
0x80: {  	_ =	shalt  }
0x81: {  	_ =	shalt  }
0x82: {  	_ =	shalt  }
0x83: {  	_ =	shalt  }
0x84: {  	_ =	shalt  }
0x85: {  	_ =	shalt  }
0x86: {  	_ =	shalt  }
0x87: {  	_ =	shalt  }
.Lfunc_end0:
.L_simem_size_0:
called_computation.3_lowered:
.L_overlay_start_0:
0x88: {  	s2 =	sld [smem:$0x3FD9]  }
0x89: {  	s3 =	sld [smem:$0x3FFE];
	_ =	sdelay $0x1  }
0x8a: {  	s1 =	srdreg.scid  }
0x8b: {  	s0 =	sand.u32 $0x1, s1  }
0x8c: {  	s15 =	sshll.u32 s0, $0xA;
	s2 =	sadd.s32 s3, s2  }
0x8d: {  	s2 =	sadd.s32 s2, s15  }
0x8e: {  	[smem:$0x3FAF] =	sst s2  }
0x8f: {  	_ = 	snop  }
0x90: {  	s16 =	sld [smem:$0x3FD0];
	_ =	sdelay $0x2  }
0x91: {  	s4 =	simm.s32 $0xC;
	s5 =	simm.s32 $0x10;
	s2 =	sld [smem:$0x3FC9]  }
0x92: {  	[smem:s5], [sflag:s4] =	dma.local [hbm:s16], $0x1  }
0x93: {  	_ =	swait.eq [sflag:s4], $0x1  }
0x94: {  	[sflag:s4] =	ssyncset.done $0x0  }
0x95: {  	[sflag:s4] =	ssyncadd.s32 $0xFFFFFFFF  }
0x96: {  	s17 =	sld [smem:$0x11];
	(tm) =	ssettm $0x1  }
0x97: {  	s18 =	sld [smem:$0x3FFB];
	_ =	sdelay $0x3  }
0x98: {  	_ =	strace s18  }
0x99: {  	s3 =	sld [smem:$0x3FFC];
	_ =	sdelay $0x3  }
0x9a: {  	_ =	strace s3  }
0x9b: {  	s3 =	sld [smem:$0x3FFD];
	_ =	sdelay $0x3  }
0x9c: {  	_ =	strace s3  }
0x9d: {  	_ =	strace $0x8FFFFFFF  }
0x9e: {  	s19 =	sld [smem:$0x3FDB];
	_ =	sdelay $0x1  }
0x9f: {  	s20 =	simm.s32 $_scs_section_size  }
0xa0: {  	s6 =	simm.s32 $_size__tile_overlayer_lowered;
	s7 =	simm.s32 $_tile_overlayer_lowered  }
0xa1: {  	s8 =	simm.s32 $0x1BFF;
	s21 =	sshll.u32 s7, $0x1;
	s5 =	sadd.s32 s20, s19  }
0xa2: {  	s22 =	simm.s32 $0x0;
	s6 =	sshll.u32 s6, $0x1;
	s7 =	sadd.s32 s21, s5  }
0xa3: {  	[timem:s22], [sflag:s8] =	dma.local [hbm:s7], s6  }
0xa4: {  	_ =	swait.ge [sflag:s8], s6  }
0xa5: {  	s6 =	ssub.s32 $0x0, s6;
	[sflag:s8] =	ssyncset.done $0x0  }
0xa6: {  	[sflag:s8] =	ssyncadd.s32 s6;
	_ =	sdelay $0x1  }
0xa7: {  	s23 =	simm.s32 $0x1B8B  }
0xa8: {  	_ =	swait.ge [sflag:s23], $0x1  }
0xa9: {  	[sflag:s23] =	ssyncset.done $0x0  }
0xaa: {  	[sflag:s23] =	ssyncadd.s32 $0xFFFFFFFF  }
0xab: {  	s6 =	sld [smem:$0x0]  }
0xac: {  	s7 =	sand.u32 $0xFFFFFFFE, s1  }
0xad: {  	p0 =	sne.s32 s1, s7  }
0xae: {  	s7 =	sshll.u32 @p0 s7, $0xE  }
0xaf: {  	s7 =	sadd.s32 @p0 $0x11B8D, s7;
	s8 =	sshll.u32 @p0 s6, $0x11  }
0xb0: {  	s7 =	sor.u32 @p0 s8, s7  }
0xb1: {  	[sflag:s7] =	ssyncadd.remote.s32 @p0 $0x1;
	_ =	sdelay $0x1  }
0xb2: {  	s7 =	simm.s32 @p0 $0x1B8D  }
0xb3: {  	_ =	swait.eq @p0 [sflag:s7], $0x1  }
0xb4: {  	[sflag:s7] =	ssyncadd.s32 @p0 $0xFFFFFFFF  }
0xb5: {  	s8 =	sshll.u32 @!p0 s1, $0xE  }
0xb6: {  	s8 =	sor.u32 @!p0 $0x4000, s8;
	s7 =	simm.s32 @!p0 $0x1B8D  }
0xb7: {  	s6 =	sshll.u32 @!p0 s6, $0x11;
	s8 =	sadd.s32 @!p0 $0x11B8D, s8;
	_ =	swait.eq @!p0 [sflag:s7], $0x1  }
0xb8: {  	s6 =	sor.u32 @!p0 s6, s8;
	[sflag:s7] =	ssyncadd.s32 @!p0 $0xFFFFFFFF  }
0xb9: {  	s25 =	simm.s32 $0x1B8E;
	s24 =	sld [smem:$0x3FFE];
	[sflag:s6] =	ssyncadd.remote.s32 @!p0 $0x1  }
0xba: {  	s26 =	simm.s32 $execute0_lowered;
	[smem:$0x3FD2] =	sst s25  }
0xbb: {  	s7 =	sshll.u32 s26, $0x1;
	_ =	strace $0x8000004C;
	[dreg:$0x1] =	wrdreg $0xFFFFFFFF  }
0xbc: {  	s28 =	simm.s32 $_size_execute0_lowered;
	s5 =	sadd.s32 s5, s7;
	[dreg:$0x0] =	wrdreg $0x0  }
0xbd: {  	s7 =	sshll.u32 s28, $0x1;
	[dreg:$0x2] =	wrdreg s5  }
0xbe: {  	[dreg:$0x3] =	wrdreg s7  }
0xbf: {  	[dreg:$0x4] =	wrdreg $0xC0  }
0xc0: {  	_ =	task [dreg:s22], $0x5FFFF  }
0xc1: {  	[dreg:$0x1] =	wrdreg $0xFFFFFFFF  }
0xc2: {  	[dreg:$0x0] =	wrdreg $0x60  }
0xc3: {  	[dreg:$0x2] =	wrdreg s2  }
0xc4: {  	[dreg:$0x3] =	wrdreg s17  }
0xc5: {  	[dreg:$0x4] =	wrdreg s24  }
0xc6: {  	[dreg:$0x5] =	wrdreg $0x9  }
0xc7: {  	_ =	task.clear_ibuf [dreg:s22], $0x6FFFF;
	_ =	strace $0x9000004C  }
0xc8: {  	s29 =	simm.s32 $0x9;
	_ =	strace $0x8000004E  }
0xc9: {  	_ =	swait.ge [sflag:s29], $0x1  }
0xca: {  	[sflag:s29] =	ssyncadd.s32 $0xFFFFFFFF  }
0xcb: {  	_ =	strace $0x9000004E  }
0xcc: {  	_ =	sfence  }
0xcd: {  	s30 =	sld [smem:$0x0];
	_ =	sdelay $0x2  }
0xce: {  	s31 =	sshll.u32 s1, $0xD;
	s1 =	sshrl.u32 s1, $0x2  }
0xcf: {  	s4 =	sand.u32 $0x4000, s31;
	s1 =	sadd.s32 s1, s30  }
0xd0: {  	s0 =	sor.u32 s4, s0;
	s1 =	sshll.u32 s1, $0x11  }
0xd1: {  	s0 =	sor.u32 s1, s0  }
0xd2: {  	s0 =	sadd.s32 $0x8F2B, s0  }
0xd3: {  	[sflag:s0] =	ssyncadd.remote.s32 $0x1  }
0xd4: {  	_ =	sfence.sel $0xFFFF  }
0xd5: {  	[dreg:$0x0] =	wrdreg $0xFFFFFFFF;
	(pc) =	sbr.abs _section_cstart, $3  }
0xd6: {  	[dreg:$0x1] =	wrdreg $0xFFFFFFFF  }
0xd7: {  	_ =	task.clear_ibuf [dreg:s22], $0x2FFFF;
	_ =	strace $0x9FFFFFFF  }
0xd8: {  	(tm) =	ssettm $0x7FFFFFFF  }
0xd9: {  	_ =	shalt  }
tec
execute0_lowered:
.L_overlay_start_1:
0x0: {  	(tag) =	ssettag $0x1  }
0x1: {  	s3 =	rddreg [dreg:$0x0]  }
0x2: {  	s0 =	srdreg.scid;
	s1 =	rddreg [dreg:$0x1]  }
0x3: {  	s2 =	stileid.u32;
	s4 =	rddreg [dreg:$0x2]  }
0x4: {  	s7 =	simm.s32 $0x1880;
	s8 =	simm.s32 $0x2080;
	s9 =	simm.s32 $0x2880  }
0x5: {  	s10 =	simm.s32 $0x3080;
	s6 =	sshll.u32 s2, $0x4;
	s2 =	simm.s32 $0x0  }
0x6: {  	s11 =	simm.s32 $0x3880;
	s12 =	simm.s32 $0x4080;
	[smem:$0x7FF] =	sst s2  }
0x7: {  	s13 =	simm.s32 $0x4880;
	_ =	strace $0x8000004D;
	[dreg:$0x8] =	wrdreg s7  }
0x8: {  	s14 =	simm.s32 $0x5080;
	s15 =	simm.s32 $0x5880;
	[dreg:$0x9] =	wrdreg s8  }
0x9: {  	s16 =	simm.s32 $0x6080;
	s17 =	simm.s32 $0x6880;
	[dreg:$0xa] =	wrdreg s9  }
0xa: {  	s18 =	simm.s32 $0x7080;
	s19 =	simm.s32 $0x7880;
	[dreg:$0xb] =	wrdreg s10  }
0xb: {  	s20 =	simm.s32 $0x8080;
	s21 =	simm.s32 $0x8880;
	[dreg:$0xc] =	wrdreg s11  }
0xc: {  	s22 =	simm.s32 $0x9080;
	s23 =	simm.s32 $0x9880;
	[dreg:$0xd] =	wrdreg s12  }
0xd: {  	s24 =	simm.s32 $0xA080;
	s25 =	simm.s32 $0xA880;
	[dreg:$0xe] =	wrdreg s13  }
0xe: {  	p0 =	por $0x0, $0x0;
	s28 =	simm.s32 $0xE080;
	[dreg:$0xf] =	wrdreg s14  }
0xf: {  	s29 =	simm.s32 $0xE880;
	s31 =	simm.s32 $0xF080;
	[dreg:$0x10] =	wrdreg s15  }
0x10: {  	s30 =	simm.s32 $0x1;
	s0 =	sand.u32 $0x1, s0;
	[dreg:$0x11] =	wrdreg s16  }
0x11: {  	s5 =	sshll.u32 s0, $0x8;
	s0 =	ssub.s32 $0x2, s0;
	[dreg:$0x12] =	wrdreg s17  }
0x12: {  	s5 =	sor.u32 s6, s5;
	s7 =	sadd.s32 $0x400, s3;
	[dreg:$0x13] =	wrdreg s18  }
0x13: {  	s8 =	sadd.s32 $0x500, s3;
	s9 =	sadd.s32 $0x600, s3;
	[dreg:$0x14] =	wrdreg s19  }
0x14: {  	s10 =	sadd.s32 $0x700, s3;
	s11 =	sadd.s32 $0x800, s3;
	[dreg:$0x15] =	wrdreg s20  }
0x15: {  	s12 =	sadd.s32 $0x900, s3;
	s13 =	sadd.s32 $0xA00, s3;
	[dreg:$0x16] =	wrdreg s21  }
0x16: {  	s14 =	sadd.s32 $0xB00, s3;
	s15 =	sadd.s32 $0xC00, s3;
	[dreg:$0x17] =	wrdreg s22  }
0x17: {  	s16 =	sadd.s32 $0xD00, s3;
	s17 =	sadd.s32 $0xE00, s3;
	[dreg:$0x18] =	wrdreg s23  }
0x18: {  	s19 =	sadd.s32 $0xF00, s3;
	s18 =	simm.s32 $0x2;
	[dreg:$0x19] =	wrdreg s24  }
0x19: {  	s20 =	simm.s32 $0x80;
	[dreg:$0x1a] =	wrdreg s25;
	s6 =	sshll.u32 s5, $0x9  }
0x1a: {  	s23 =	simm.s32 $0xC080;
	s4 =	sadd.s32 s6, s4;
	s6 =	sshrl.u32 s0, $0x1  }
0x1b: {  	s24 =	simm.s32 $0xC880;
	s5 =	sshrl.u32 s5, $0x3;
	s0 =	ssub.s32 s0, s6  }
0x1c: {  	s25 =	simm.s32 $0xD080;
	s1 =	sadd.s32 s1, s5;
	s0 =	smax.u32 s0, $0x1  }
0x1d: {  	s5 =	simm.s32 $0x1080;
	[dreg:$0x4] =	wrdreg s1;
	p1 =	sne.s32 s0, $0x1  }
.Ltmp0:
0x1e: {  	s26 =	sadd.s32 $0x4A3000, s4;
	[dreg:$0x7] =	wrdreg s5;
	(pc) =	sbr.rel @!p1 .LBB2_1-.Ltmp0, $4  }
0x1f: {  	s22 =	simm.s32 $0xF880;
	s4 =	simm.s32 $0x880;
	[dreg:$0x5] =	wrdreg s26  }
0x20: {  	v1 =	vlaneseq.u32;
	s5 =	sadd.s32 $0x200, s3;
	[dreg:$0x6] =	wrdreg s4;
	s26 =	simm.s32 $0xB080  }
0x21: {  	vm0 =	vmmov $0xffff;
	v0 =	vshrl.u32 v1, $0x3;
	s6 =	sadd.s32 $0x300, s3;
	s4 =	sadd.s32 $0x100, s3;
	[dreg:$0x1b] =	wrdreg s26  }
0x22: {  	v2 =	vand.u32 $0x7, v1;
	v1 =	vor.u32 $0x8, v1;
	v0 =	vmul.u32 $0x8, v0;
	s21 =	sadd.s32 $0xFFFFFFFF, s0;
	s26 =	simm.s32 $0xD880;
	s0 =	rddreg [dreg:$0x4]  }
0x23: {  	[tilespmem:s2], [sflag:$0x2] =	stream.linear.gather [hbm4b:s0+s2], $0x10, $0x38;
	[tilespmem:$0x10080] =	vst v63  }
0x24: {  	_ =	swait.ge [sflag:s18], $0x10  }
0x25: {  	[sflag:s18] =	ssyncset.done $0x0  }
0x26: {  	[sflag:s18] =	ssyncadd.s32 $0xFFFFFFF0  }
0x27: {  	v3 =	vld [tilespmem:$0x0];
	_ =	sdelay $0x4  }
0x28: {  	v4 =	vshll.u32 v3, $0x5  }
0x29: {  	v3 =	vand.u32 $0x7, v3;
	v4 =	vand.u32 $0xFFFFFF00, v4  }
0x2a: {  	v3 =	vor.u32 v3, v4  }
0x2b: {  	v4 =	vperm.xlane v3, v2;
	_ =	sdelay $0x1  }
0x2c: {  	v4 =	vadd.s32 v0, v4;
	_ =	sdelay $0x4  }
0x2d: {  	[tilespmem:s20], [sflag:$0x1] =	stream.indirect_vreg.gather [hbm4b:s3+s2], $0x80, v4, vm0, $0xb8;
	[tilespmem:$0x10080] =	vst v63  }
0x2e: {  	s0 =	rddreg [dreg:$0x6]  }
0x2f: {  	[tilespmem:s0], [sflag:$0x1] =	stream.indirect_vreg.gather [hbm4b:s4+s2], $0x80, v4, vm0, $0xb8;
	[tilespmem:$0x10080] =	vst v63  }
0x30: {  	s1 =	rddreg [dreg:$0x7]  }
0x31: {  	[tilespmem:s1], [sflag:$0x1] =	stream.indirect_vreg.gather [hbm4b:s5+s2], $0x80, v4, vm0, $0xb8;
	[tilespmem:$0x10080] =	vst v63  }
0x32: {  	s0 =	rddreg [dreg:$0x8]  }
0x33: {  	[tilespmem:s0], [sflag:$0x1] =	stream.indirect_vreg.gather [hbm4b:s6+s2], $0x80, v4, vm0, $0xb8;
	[tilespmem:$0x10080] =	vst v63  }
0x34: {  	s1 =	rddreg [dreg:$0x9]  }
0x35: {  	[tilespmem:s1], [sflag:$0x1] =	stream.indirect_vreg.gather [hbm4b:s7+s2], $0x80, v4, vm0, $0xb8;
	[tilespmem:$0x10080] =	vst v63  }
0x36: {  	s0 =	rddreg [dreg:$0xa]  }
0x37: {  	[tilespmem:s0], [sflag:$0x1] =	stream.indirect_vreg.gather [hbm4b:s8+s2], $0x80, v4, vm0, $0xb8;
	[tilespmem:$0x10080] =	vst v63  }
0x38: {  	s1 =	rddreg [dreg:$0xb]  }
0x39: {  	[tilespmem:s1], [sflag:$0x1] =	stream.indirect_vreg.gather [hbm4b:s9+s2], $0x80, v4, vm0, $0xb8;
	[tilespmem:$0x10080] =	vst v63  }
0x3a: {  	s0 =	rddreg [dreg:$0xc]  }
0x3b: {  	[tilespmem:s0], [sflag:$0x1] =	stream.indirect_vreg.gather [hbm4b:s10+s2], $0x80, v4, vm0, $0xb8;
	[tilespmem:$0x10080] =	vst v63  }
0x3c: {  	s1 =	rddreg [dreg:$0xd]  }
0x3d: {  	[tilespmem:s1], [sflag:$0x1] =	stream.indirect_vreg.gather [hbm4b:s11+s2], $0x80, v4, vm0, $0xb8;
	[tilespmem:$0x10080] =	vst v63  }
0x3e: {  	s0 =	rddreg [dreg:$0xe]  }
0x3f: {  	[tilespmem:s0], [sflag:$0x1] =	stream.indirect_vreg.gather [hbm4b:s12+s2], $0x80, v4, vm0, $0xb8;
	[tilespmem:$0x10080] =	vst v63  }
0x40: {  	s1 =	rddreg [dreg:$0xf]  }
0x41: {  	[tilespmem:s1], [sflag:$0x1] =	stream.indirect_vreg.gather [hbm4b:s13+s2], $0x80, v4, vm0, $0xb8;
	[tilespmem:$0x10080] =	vst v63  }
0x42: {  	s0 =	rddreg [dreg:$0x10]  }
0x43: {  	[tilespmem:s0], [sflag:$0x1] =	stream.indirect_vreg.gather [hbm4b:s14+s2], $0x80, v4, vm0, $0xb8;
	[tilespmem:$0x10080] =	vst v63  }
0x44: {  	s1 =	rddreg [dreg:$0x11]  }
0x45: {  	[tilespmem:s1], [sflag:$0x1] =	stream.indirect_vreg.gather [hbm4b:s15+s2], $0x80, v4, vm0, $0xb8;
	[tilespmem:$0x10080] =	vst v63  }
0x46: {  	v3 =	vperm.xlane v3, v1;
	s0 =	rddreg [dreg:$0x12]  }
0x47: {  	[tilespmem:s0], [sflag:$0x1] =	stream.indirect_vreg.gather [hbm4b:s16+s2], $0x80, v4, vm0, $0xb8;
	[tilespmem:$0x10080] =	vst v63  }
0x48: {  	v3 =	vadd.s32 v0, v3;
	s1 =	rddreg [dreg:$0x13]  }
0x49: {  	[tilespmem:s1], [sflag:$0x1] =	stream.indirect_vreg.gather [hbm4b:s17+s2], $0x80, v4, vm0, $0xb8;
	[tilespmem:$0x10080] =	vst v63  }
0x4a: {  	s0 =	rddreg [dreg:$0x14]  }
0x4b: {  	[tilespmem:s0], [sflag:$0x1] =	stream.indirect_vreg.gather [hbm4b:s19+s2], $0x80, v4, vm0, $0xb8;
	[tilespmem:$0x10080] =	vst v63  }
0x4c: {  	s1 =	rddreg [dreg:$0x15]  }
0x4d: {  	[tilespmem:s1], [sflag:$0x1] =	stream.indirect_vreg.gather [hbm4b:s3+s2], $0x80, v3, vm0, $0xb8;
	[tilespmem:$0x10080] =	vst v63  }
0x4e: {  	s0 =	rddreg [dreg:$0x16]  }
0x4f: {  	[tilespmem:s0], [sflag:$0x1] =	stream.indirect_vreg.gather [hbm4b:s4+s2], $0x80, v3, vm0, $0xb8;
	[tilespmem:$0x10080] =	vst v63  }
0x50: {  	s1 =	rddreg [dreg:$0x17]  }
0x51: {  	[tilespmem:s1], [sflag:$0x1] =	stream.indirect_vreg.gather [hbm4b:s5+s2], $0x80, v3, vm0, $0xb8;
	[tilespmem:$0x10080] =	vst v63  }
0x52: {  	s0 =	rddreg [dreg:$0x18]  }
0x53: {  	[tilespmem:s0], [sflag:$0x1] =	stream.indirect_vreg.gather [hbm4b:s6+s2], $0x80, v3, vm0, $0xb8;
	[tilespmem:$0x10080] =	vst v63  }
0x54: {  	s1 =	rddreg [dreg:$0x19]  }
0x55: {  	[tilespmem:s1], [sflag:$0x1] =	stream.indirect_vreg.gather [hbm4b:s7+s2], $0x80, v3, vm0, $0xb8;
	[tilespmem:$0x10080] =	vst v63  }
0x56: {  	s0 =	rddreg [dreg:$0x1a]  }
0x57: {  	[tilespmem:s0], [sflag:$0x1] =	stream.indirect_vreg.gather [hbm4b:s8+s2], $0x80, v3, vm0, $0xb8;
	[tilespmem:$0x10080] =	vst v63  }
0x58: {  	s1 =	rddreg [dreg:$0x1b]  }
0x59: {  	[tilespmem:s1], [sflag:$0x1] =	stream.indirect_vreg.gather [hbm4b:s9+s2], $0x80, v3, vm0, $0xb8;
	[tilespmem:$0x10080] =	vst v63  }
0x5a: {  	s1 =	simm.s32 $0xB880  }
0x5b: {  	[tilespmem:s1], [sflag:$0x1] =	stream.indirect_vreg.gather [hbm4b:s10+s2], $0x80, v3, vm0, $0xb8;
	[tilespmem:$0x10080] =	vst v63  }
0x5c: {  	_ = 	snop  }
0x5d: {  	[tilespmem:s23], [sflag:$0x1] =	stream.indirect_vreg.gather [hbm4b:s11+s2], $0x80, v3, vm0, $0xb8;
	[tilespmem:$0x10080] =	vst v63  }
0x5e: {  	_ = 	snop  }
0x5f: {  	[tilespmem:s24], [sflag:$0x1] =	stream.indirect_vreg.gather [hbm4b:s12+s2], $0x80, v3, vm0, $0xb8;
	[tilespmem:$0x10080] =	vst v63  }
0x60: {  	_ = 	snop  }
0x61: {  	[tilespmem:s25], [sflag:$0x1] =	stream.indirect_vreg.gather [hbm4b:s13+s2], $0x80, v3, vm0, $0xb8;
	[tilespmem:$0x10080] =	vst v63  }
0x62: {  	_ = 	snop  }
0x63: {  	[tilespmem:s26], [sflag:$0x1] =	stream.indirect_vreg.gather [hbm4b:s14+s2], $0x80, v3, vm0, $0xb8;
	[tilespmem:$0x10080] =	vst v63  }
0x64: {  	_ = 	snop  }
0x65: {  	[tilespmem:s28], [sflag:$0x1] =	stream.indirect_vreg.gather [hbm4b:s15+s2], $0x80, v3, vm0, $0xb8;
	[tilespmem:$0x10080] =	vst v63  }
0x66: {  	_ = 	snop  }
0x67: {  	[tilespmem:s29], [sflag:$0x1] =	stream.indirect_vreg.gather [hbm4b:s16+s2], $0x80, v3, vm0, $0xb8;
	[tilespmem:$0x10080] =	vst v63  }
0x68: {  	_ = 	snop  }
0x69: {  	[tilespmem:s31], [sflag:$0x1] =	stream.indirect_vreg.gather [hbm4b:s17+s2], $0x80, v3, vm0, $0xb8;
	[tilespmem:$0x10080] =	vst v63  }
0x6a: {  	_ = 	snop  }
0x6b: {  	[tilespmem:s22], [sflag:$0x1] =	stream.indirect_vreg.gather [hbm4b:s19+s2], $0x80, v3, vm0, $0xb8;
	[tilespmem:$0x10080] =	vst v63  }
0x6c: {  	p1 =	sne.s32 s21, $0x1;
	_ =	swait.ge [sflag:s30], $0x10000  }
.Ltmp1:
0x6d: {  	[sflag:s30] =	ssyncset.done $0x0;
	(pc) =	sbr.rel @!p1 .LBB2_3-.Ltmp1, $4  }
0x6e: {  	s1 =	rddreg [dreg:$0x5];
	[sflag:s30] =	ssyncadd.s32 $0xFFFF0000  }
0x6f: {  	[hbm4b:s1+s2] =	stream.linear.scatter [tilespmem:s20], [sflag:$0x2], $0x10000, $0x38;
	[tilespmem:$0x10080] =	vst v63  }
0x70: {  	p0 =	por $0x1, $0x1;
	_ =	swait.ge [sflag:s18], $0x10000  }
0x71: {  	s1 =	sadd.s32 $0xFFFFFFFF, s21;
	s0 =	rddreg [dreg:$0x4];
	[sflag:s18] =	ssyncset.done $0x0  }
.LBB2_4:
0x72: {  	[sflag:s18] =	ssyncadd.s32 $0xFFFF0000  }
0x73: {  	[tilespmem:s2], [sflag:$0x2] =	stream.linear.gather [hbm4b:s0+s2], $0x10, $0x38;
	[tilespmem:$0x10080] =	vst v63  }
0x74: {  	_ =	swait.ge [sflag:s18], $0x10  }
0x75: {  	[sflag:s18] =	ssyncset.done $0x0  }
0x76: {  	[sflag:s18] =	ssyncadd.s32 $0xFFFFFFF0  }
0x77: {  	v3 =	vld [tilespmem:$0x0];
	_ =	sdelay $0x4  }
0x78: {  	v4 =	vshll.u32 v3, $0x5  }
0x79: {  	v3 =	vand.u32 $0x7, v3;
	v4 =	vand.u32 $0xFFFFFF00, v4  }
0x7a: {  	v3 =	vor.u32 v3, v4  }
0x7b: {  	v4 =	vperm.xlane v3, v2;
	_ =	sdelay $0x1  }
0x7c: {  	v4 =	vadd.s32 v0, v4;
	_ =	sdelay $0x4  }
0x7d: {  	[tilespmem:s20], [sflag:$0x1] =	stream.indirect_vreg.gather [hbm4b:s3+s2], $0x80, v4, vm0, $0xb8;
	[tilespmem:$0x10080] =	vst v63  }
0x7e: {  	s0 =	rddreg [dreg:$0x6]  }
0x7f: {  	[tilespmem:s0], [sflag:$0x1] =	stream.indirect_vreg.gather [hbm4b:s4+s2], $0x80, v4, vm0, $0xb8;
	[tilespmem:$0x10080] =	vst v63  }
0x80: {  	s21 =	rddreg [dreg:$0x7]  }
0x81: {  	[tilespmem:s21], [sflag:$0x1] =	stream.indirect_vreg.gather [hbm4b:s5+s2], $0x80, v4, vm0, $0xb8;
	[tilespmem:$0x10080] =	vst v63  }
0x82: {  	s0 =	rddreg [dreg:$0x8]  }
0x83: {  	[tilespmem:s0], [sflag:$0x1] =	stream.indirect_vreg.gather [hbm4b:s6+s2], $0x80, v4, vm0, $0xb8;
	[tilespmem:$0x10080] =	vst v63  }
0x84: {  	s21 =	rddreg [dreg:$0x9]  }
0x85: {  	[tilespmem:s21], [sflag:$0x1] =	stream.indirect_vreg.gather [hbm4b:s7+s2], $0x80, v4, vm0, $0xb8;
	[tilespmem:$0x10080] =	vst v63  }
0x86: {  	s0 =	rddreg [dreg:$0xa]  }
0x87: {  	[tilespmem:s0], [sflag:$0x1] =	stream.indirect_vreg.gather [hbm4b:s8+s2], $0x80, v4, vm0, $0xb8;
	[tilespmem:$0x10080] =	vst v63  }
0x88: {  	s21 =	rddreg [dreg:$0xb]  }
0x89: {  	[tilespmem:s21], [sflag:$0x1] =	stream.indirect_vreg.gather [hbm4b:s9+s2], $0x80, v4, vm0, $0xb8;
	[tilespmem:$0x10080] =	vst v63  }
0x8a: {  	s0 =	rddreg [dreg:$0xc]  }
0x8b: {  	[tilespmem:s0], [sflag:$0x1] =	stream.indirect_vreg.gather [hbm4b:s10+s2], $0x80, v4, vm0, $0xb8;
	[tilespmem:$0x10080] =	vst v63  }
0x8c: {  	s21 =	rddreg [dreg:$0xd]  }
0x8d: {  	[tilespmem:s21], [sflag:$0x1] =	stream.indirect_vreg.gather [hbm4b:s11+s2], $0x80, v4, vm0, $0xb8;
	[tilespmem:$0x10080] =	vst v63  }
0x8e: {  	s0 =	rddreg [dreg:$0xe]  }
0x8f: {  	[tilespmem:s0], [sflag:$0x1] =	stream.indirect_vreg.gather [hbm4b:s12+s2], $0x80, v4, vm0, $0xb8;
	[tilespmem:$0x10080] =	vst v63  }
0x90: {  	s21 =	rddreg [dreg:$0xf]  }
0x91: {  	[tilespmem:s21], [sflag:$0x1] =	stream.indirect_vreg.gather [hbm4b:s13+s2], $0x80, v4, vm0, $0xb8;
	[tilespmem:$0x10080] =	vst v63  }
0x92: {  	s0 =	rddreg [dreg:$0x10]  }
0x93: {  	[tilespmem:s0], [sflag:$0x1] =	stream.indirect_vreg.gather [hbm4b:s14+s2], $0x80, v4, vm0, $0xb8;
	[tilespmem:$0x10080] =	vst v63  }
0x94: {  	s21 =	rddreg [dreg:$0x11]  }
0x95: {  	[tilespmem:s21], [sflag:$0x1] =	stream.indirect_vreg.gather [hbm4b:s15+s2], $0x80, v4, vm0, $0xb8;
	[tilespmem:$0x10080] =	vst v63  }
0x96: {  	v3 =	vperm.xlane v3, v1;
	s0 =	rddreg [dreg:$0x12]  }
0x97: {  	[tilespmem:s0], [sflag:$0x1] =	stream.indirect_vreg.gather [hbm4b:s16+s2], $0x80, v4, vm0, $0xb8;
	[tilespmem:$0x10080] =	vst v63  }
0x98: {  	v3 =	vadd.s32 v0, v3;
	s21 =	rddreg [dreg:$0x13]  }
0x99: {  	[tilespmem:s21], [sflag:$0x1] =	stream.indirect_vreg.gather [hbm4b:s17+s2], $0x80, v4, vm0, $0xb8;
	[tilespmem:$0x10080] =	vst v63  }
0x9a: {  	s0 =	rddreg [dreg:$0x14]  }
0x9b: {  	[tilespmem:s0], [sflag:$0x1] =	stream.indirect_vreg.gather [hbm4b:s19+s2], $0x80, v4, vm0, $0xb8;
	[tilespmem:$0x10080] =	vst v63  }
0x9c: {  	s21 =	rddreg [dreg:$0x15]  }
0x9d: {  	[tilespmem:s21], [sflag:$0x1] =	stream.indirect_vreg.gather [hbm4b:s3+s2], $0x80, v3, vm0, $0xb8;
	[tilespmem:$0x10080] =	vst v63  }
0x9e: {  	s0 =	rddreg [dreg:$0x16]  }
0x9f: {  	[tilespmem:s0], [sflag:$0x1] =	stream.indirect_vreg.gather [hbm4b:s4+s2], $0x80, v3, vm0, $0xb8;
	[tilespmem:$0x10080] =	vst v63  }
0xa0: {  	s21 =	rddreg [dreg:$0x17]  }
0xa1: {  	[tilespmem:s21], [sflag:$0x1] =	stream.indirect_vreg.gather [hbm4b:s5+s2], $0x80, v3, vm0, $0xb8;
	[tilespmem:$0x10080] =	vst v63  }
0xa2: {  	s0 =	rddreg [dreg:$0x18]  }
0xa3: {  	[tilespmem:s0], [sflag:$0x1] =	stream.indirect_vreg.gather [hbm4b:s6+s2], $0x80, v3, vm0, $0xb8;
	[tilespmem:$0x10080] =	vst v63  }
0xa4: {  	s21 =	rddreg [dreg:$0x19]  }
0xa5: {  	[tilespmem:s21], [sflag:$0x1] =	stream.indirect_vreg.gather [hbm4b:s7+s2], $0x80, v3, vm0, $0xb8;
	[tilespmem:$0x10080] =	vst v63  }
0xa6: {  	s0 =	rddreg [dreg:$0x1a]  }
0xa7: {  	[tilespmem:s0], [sflag:$0x1] =	stream.indirect_vreg.gather [hbm4b:s8+s2], $0x80, v3, vm0, $0xb8;
	[tilespmem:$0x10080] =	vst v63  }
0xa8: {  	s21 =	rddreg [dreg:$0x1b]  }
0xa9: {  	[tilespmem:s21], [sflag:$0x1] =	stream.indirect_vreg.gather [hbm4b:s9+s2], $0x80, v3, vm0, $0xb8;
	[tilespmem:$0x10080] =	vst v63  }
0xaa: {  	s21 =	simm.s32 $0xB880  }
0xab: {  	[tilespmem:s21], [sflag:$0x1] =	stream.indirect_vreg.gather [hbm4b:s10+s2], $0x80, v3, vm0, $0xb8;
	[tilespmem:$0x10080] =	vst v63  }
0xac: {  	_ = 	snop  }
0xad: {  	[tilespmem:s23], [sflag:$0x1] =	stream.indirect_vreg.gather [hbm4b:s11+s2], $0x80, v3, vm0, $0xb8;
	[tilespmem:$0x10080] =	vst v63  }
0xae: {  	_ = 	snop  }
0xaf: {  	[tilespmem:s24], [sflag:$0x1] =	stream.indirect_vreg.gather [hbm4b:s12+s2], $0x80, v3, vm0, $0xb8;
	[tilespmem:$0x10080] =	vst v63  }
0xb0: {  	_ = 	snop  }
0xb1: {  	[tilespmem:s25], [sflag:$0x1] =	stream.indirect_vreg.gather [hbm4b:s13+s2], $0x80, v3, vm0, $0xb8;
	[tilespmem:$0x10080] =	vst v63  }
0xb2: {  	_ = 	snop  }
0xb3: {  	[tilespmem:s26], [sflag:$0x1] =	stream.indirect_vreg.gather [hbm4b:s14+s2], $0x80, v3, vm0, $0xb8;
	[tilespmem:$0x10080] =	vst v63  }
0xb4: {  	_ = 	snop  }
0xb5: {  	[tilespmem:s28], [sflag:$0x1] =	stream.indirect_vreg.gather [hbm4b:s15+s2], $0x80, v3, vm0, $0xb8;
	[tilespmem:$0x10080] =	vst v63  }
0xb6: {  	_ = 	snop  }
0xb7: {  	[tilespmem:s29], [sflag:$0x1] =	stream.indirect_vreg.gather [hbm4b:s16+s2], $0x80, v3, vm0, $0xb8;
	[tilespmem:$0x10080] =	vst v63  }
0xb8: {  	_ = 	snop  }
0xb9: {  	[tilespmem:s31], [sflag:$0x1] =	stream.indirect_vreg.gather [hbm4b:s17+s2], $0x80, v3, vm0, $0xb8;
	[tilespmem:$0x10080] =	vst v63  }
0xba: {  	_ = 	snop  }
0xbb: {  	[tilespmem:s22], [sflag:$0x1] =	stream.indirect_vreg.gather [hbm4b:s19+s2], $0x80, v3, vm0, $0xb8;
	[tilespmem:$0x10080] =	vst v63  }
0xbc: {  	p1 =	sne.s32 s1, $0x1;
	_ =	swait.ge [sflag:s30], $0x10000  }
.Ltmp2:
0xbd: {  	[sflag:s30] =	ssyncset.done $0x0;
	(pc) =	sbr.rel @p1 .LBB2_4-.Ltmp2, $4  }
0xbe: {  	s21 =	rddreg [dreg:$0x5];
	[sflag:s30] =	ssyncadd.s32 $0xFFFF0000  }
0xbf: {  	[hbm4b:s21+s2] =	stream.linear.scatter [tilespmem:s20], [sflag:$0x2], $0x10000, $0x38;
	[tilespmem:$0x10080] =	vst v63  }
0xc0: {  	_ =	swait.ge [sflag:s18], $0x10000  }
0xc1: {  	s1 =	sadd.s32 $0xFFFFFFFF, s1;
	s0 =	rddreg [dreg:$0x4];
	[sflag:s18] =	ssyncset.done $0x0  }
0xc2: {  	s21 =	simm.s32 $0xF880;
	s31 =	simm.s32 $0xF080;
	s29 =	simm.s32 $0xE880  }
0xc3: {  	s28 =	simm.s32 $0xE080;
	s26 =	simm.s32 $0xD880;
	s25 =	simm.s32 $0xD080  }
0xc4: {  	s24 =	simm.s32 $0xC880;
	s23 =	simm.s32 $0xC080;
	s22 =	simm.s32 $0xB880  }
.LBB2_6:
0xc5: {  	[sflag:s18] =	ssyncadd.s32 @p0 $0xFFFF0000  }
0xc6: {  	[tilespmem:s2], [sflag:$0x2] =	stream.linear.gather [hbm4b:s0+s2], $0x10, $0x38;
	[tilespmem:$0x10080] =	vst v63  }
0xc7: {  	_ =	swait.ge [sflag:s18], $0x10  }
0xc8: {  	[sflag:s18] =	ssyncset.done $0x0  }
0xc9: {  	[sflag:s18] =	ssyncadd.s32 $0xFFFFFFF0  }
0xca: {  	v3 =	vld [tilespmem:$0x0];
	_ =	sdelay $0x4  }
0xcb: {  	v4 =	vshll.u32 v3, $0x5  }
0xcc: {  	v3 =	vand.u32 $0x7, v3;
	v4 =	vand.u32 $0xFFFFFF00, v4  }
0xcd: {  	v3 =	vor.u32 v3, v4  }
0xce: {  	v2 =	vperm.xlane v3, v2;
	_ =	sdelay $0x1  }
0xcf: {  	v2 =	vadd.s32 v0, v2;
	_ =	sdelay $0x4  }
0xd0: {  	[tilespmem:s20], [sflag:$0x1] =	stream.indirect_vreg.gather [hbm4b:s3+s2], $0x80, v2, vm0, $0xb8;
	[tilespmem:$0x10080] =	vst v63  }
0xd1: {  	s0 =	rddreg [dreg:$0x6]  }
0xd2: {  	[tilespmem:s0], [sflag:$0x1] =	stream.indirect_vreg.gather [hbm4b:s4+s2], $0x80, v2, vm0, $0xb8;
	[tilespmem:$0x10080] =	vst v63  }
0xd3: {  	s1 =	rddreg [dreg:$0x7]  }
0xd4: {  	[tilespmem:s1], [sflag:$0x1] =	stream.indirect_vreg.gather [hbm4b:s5+s2], $0x80, v2, vm0, $0xb8;
	[tilespmem:$0x10080] =	vst v63  }
0xd5: {  	s0 =	rddreg [dreg:$0x8]  }
0xd6: {  	[tilespmem:s0], [sflag:$0x1] =	stream.indirect_vreg.gather [hbm4b:s6+s2], $0x80, v2, vm0, $0xb8;
	[tilespmem:$0x10080] =	vst v63  }
0xd7: {  	s1 =	rddreg [dreg:$0x9]  }
0xd8: {  	[tilespmem:s1], [sflag:$0x1] =	stream.indirect_vreg.gather [hbm4b:s7+s2], $0x80, v2, vm0, $0xb8;
	[tilespmem:$0x10080] =	vst v63  }
0xd9: {  	s0 =	rddreg [dreg:$0xa]  }
0xda: {  	[tilespmem:s0], [sflag:$0x1] =	stream.indirect_vreg.gather [hbm4b:s8+s2], $0x80, v2, vm0, $0xb8;
	[tilespmem:$0x10080] =	vst v63  }
0xdb: {  	s1 =	rddreg [dreg:$0xb]  }
0xdc: {  	[tilespmem:s1], [sflag:$0x1] =	stream.indirect_vreg.gather [hbm4b:s9+s2], $0x80, v2, vm0, $0xb8;
	[tilespmem:$0x10080] =	vst v63  }
0xdd: {  	s0 =	rddreg [dreg:$0xc]  }
0xde: {  	[tilespmem:s0], [sflag:$0x1] =	stream.indirect_vreg.gather [hbm4b:s10+s2], $0x80, v2, vm0, $0xb8;
	[tilespmem:$0x10080] =	vst v63  }
0xdf: {  	s1 =	rddreg [dreg:$0xd]  }
0xe0: {  	[tilespmem:s1], [sflag:$0x1] =	stream.indirect_vreg.gather [hbm4b:s11+s2], $0x80, v2, vm0, $0xb8;
	[tilespmem:$0x10080] =	vst v63  }
0xe1: {  	s0 =	rddreg [dreg:$0xe]  }
0xe2: {  	[tilespmem:s0], [sflag:$0x1] =	stream.indirect_vreg.gather [hbm4b:s12+s2], $0x80, v2, vm0, $0xb8;
	[tilespmem:$0x10080] =	vst v63  }
0xe3: {  	s1 =	rddreg [dreg:$0xf]  }
0xe4: {  	[tilespmem:s1], [sflag:$0x1] =	stream.indirect_vreg.gather [hbm4b:s13+s2], $0x80, v2, vm0, $0xb8;
	[tilespmem:$0x10080] =	vst v63  }
0xe5: {  	s0 =	rddreg [dreg:$0x10]  }
0xe6: {  	[tilespmem:s0], [sflag:$0x1] =	stream.indirect_vreg.gather [hbm4b:s14+s2], $0x80, v2, vm0, $0xb8;
	[tilespmem:$0x10080] =	vst v63  }
0xe7: {  	s1 =	rddreg [dreg:$0x11]  }
0xe8: {  	[tilespmem:s1], [sflag:$0x1] =	stream.indirect_vreg.gather [hbm4b:s15+s2], $0x80, v2, vm0, $0xb8;
	[tilespmem:$0x10080] =	vst v63  }
0xe9: {  	v1 =	vperm.xlane v3, v1;
	s0 =	rddreg [dreg:$0x12]  }
0xea: {  	[tilespmem:s0], [sflag:$0x1] =	stream.indirect_vreg.gather [hbm4b:s16+s2], $0x80, v2, vm0, $0xb8;
	[tilespmem:$0x10080] =	vst v63  }
0xeb: {  	v63 =	vadd.s32 v0, v1;
	s1 =	rddreg [dreg:$0x13]  }
0xec: {  	[tilespmem:s1], [sflag:$0x1] =	stream.indirect_vreg.gather [hbm4b:s17+s2], $0x80, v2, vm0, $0xb8;
	[tilespmem:$0x10080] =	vst v63  }
0xed: {  	s0 =	rddreg [dreg:$0x14]  }
0xee: {  	[tilespmem:s0], [sflag:$0x1] =	stream.indirect_vreg.gather [hbm4b:s19+s2], $0x80, v2, vm0, $0xb8;
	[tilespmem:$0x10080] =	vst v63  }
0xef: {  	s1 =	rddreg [dreg:$0x15]  }
0xf0: {  	[tilespmem:s1], [sflag:$0x1] =	stream.indirect_vreg.gather [hbm4b:s3+s2], $0x80, v63, vm0, $0xb8;
	[tilespmem:$0x10080] =	vst v63  }
0xf1: {  	s0 =	rddreg [dreg:$0x16]  }
0xf2: {  	[tilespmem:s0], [sflag:$0x1] =	stream.indirect_vreg.gather [hbm4b:s4+s2], $0x80, v63, vm0, $0xb8;
	[tilespmem:$0x10080] =	vst v63  }
0xf3: {  	s3 =	rddreg [dreg:$0x17]  }
0xf4: {  	[tilespmem:s3], [sflag:$0x1] =	stream.indirect_vreg.gather [hbm4b:s5+s2], $0x80, v63, vm0, $0xb8;
	[tilespmem:$0x10080] =	vst v63  }
0xf5: {  	s4 =	rddreg [dreg:$0x18]  }
0xf6: {  	[tilespmem:s4], [sflag:$0x1] =	stream.indirect_vreg.gather [hbm4b:s6+s2], $0x80, v63, vm0, $0xb8;
	[tilespmem:$0x10080] =	vst v63  }
0xf7: {  	s5 =	rddreg [dreg:$0x19]  }
0xf8: {  	[tilespmem:s5], [sflag:$0x1] =	stream.indirect_vreg.gather [hbm4b:s7+s2], $0x80, v63, vm0, $0xb8;
	[tilespmem:$0x10080] =	vst v63  }
0xf9: {  	s6 =	rddreg [dreg:$0x1a]  }
0xfa: {  	[tilespmem:s6], [sflag:$0x1] =	stream.indirect_vreg.gather [hbm4b:s8+s2], $0x80, v63, vm0, $0xb8;
	[tilespmem:$0x10080] =	vst v63  }
0xfb: {  	s7 =	rddreg [dreg:$0x1b]  }
0xfc: {  	[tilespmem:s7], [sflag:$0x1] =	stream.indirect_vreg.gather [hbm4b:s9+s2], $0x80, v63, vm0, $0xb8;
	[tilespmem:$0x10080] =	vst v63  }
0xfd: {  	_ = 	snop  }
0xfe: {  	[tilespmem:s22], [sflag:$0x1] =	stream.indirect_vreg.gather [hbm4b:s10+s2], $0x80, v63, vm0, $0xb8;
	[tilespmem:$0x10080] =	vst v63  }
0xff: {  	_ = 	snop  }
0x100: {  	[tilespmem:s23], [sflag:$0x1] =	stream.indirect_vreg.gather [hbm4b:s11+s2], $0x80, v63, vm0, $0xb8;
	[tilespmem:$0x10080] =	vst v63  }
0x101: {  	_ = 	snop  }
0x102: {  	[tilespmem:s24], [sflag:$0x1] =	stream.indirect_vreg.gather [hbm4b:s12+s2], $0x80, v63, vm0, $0xb8;
	[tilespmem:$0x10080] =	vst v63  }
0x103: {  	_ = 	snop  }
0x104: {  	[tilespmem:s25], [sflag:$0x1] =	stream.indirect_vreg.gather [hbm4b:s13+s2], $0x80, v63, vm0, $0xb8;
	[tilespmem:$0x10080] =	vst v63  }
0x105: {  	_ = 	snop  }
0x106: {  	[tilespmem:s26], [sflag:$0x1] =	stream.indirect_vreg.gather [hbm4b:s14+s2], $0x80, v63, vm0, $0xb8;
	[tilespmem:$0x10080] =	vst v63  }
0x107: {  	_ = 	snop  }
0x108: {  	[tilespmem:s28], [sflag:$0x1] =	stream.indirect_vreg.gather [hbm4b:s15+s2], $0x80, v63, vm0, $0xb8;
	[tilespmem:$0x10080] =	vst v63  }
0x109: {  	_ = 	snop  }
0x10a: {  	[tilespmem:s29], [sflag:$0x1] =	stream.indirect_vreg.gather [hbm4b:s16+s2], $0x80, v63, vm0, $0xb8;
	[tilespmem:$0x10080] =	vst v63  }
0x10b: {  	_ = 	snop  }
0x10c: {  	[tilespmem:s31], [sflag:$0x1] =	stream.indirect_vreg.gather [hbm4b:s17+s2], $0x80, v63, vm0, $0xb8;
	[tilespmem:$0x10080] =	vst v63  }
0x10d: {  	_ = 	snop  }
0x10e: {  	[tilespmem:s21], [sflag:$0x1] =	stream.indirect_vreg.gather [hbm4b:s19+s2], $0x80, v63, vm0, $0xb8;
	[tilespmem:$0x10080] =	vst v63  }
0x10f: {  	_ =	swait.ge [sflag:s30], $0x10000  }
0x110: {  	[sflag:s30] =	ssyncset.done $0x0  }
0x111: {  	s29 =	rddreg [dreg:$0x5];
	[sflag:s30] =	ssyncadd.s32 $0xFFFF0000  }
0x112: {  	[hbm4b:s29+s2] =	stream.linear.scatter [tilespmem:s20], [sflag:$0x2], $0x10000, $0x38;
	[tilespmem:$0x10080] =	vst v63  }
0x113: {  	_ =	swait.ge [sflag:s18], $0x10000  }
0x114: {  	[sflag:s18] =	ssyncset.done $0x0  }
0x115: {  	[sflag:s18] =	ssyncadd.s32 $0xFFFF0000  }
0x116: {  	_ =	sfence.sel $0x180000  }
0x117: {  	[bflag:$0x0] =	sbarrier.arrive $0xFFFF  }
0x118: {  	_ =	strace $0x9000004D  }
0x119: {  	s31 =	stileid.u32;
	[bflag:$0x2] =	sbarrier.arrive $0xFFFF  }
0x11a: {  	p0 =	sne.s32 s31, $0x0;
	s0 =	rddreg [dreg:$0x3]  }
0x11b: {  	s0 =	sadd.s32 @!p0 $0x100000, s0  }
0x11c: {  	[sflag:s0] =	ssyncadd.tile.s32 @!p0 $0x1;
	_ =	shalt  }
.LBB2_1:
.Ltmp3:
0x11d: {  	(pc) =	sbr.rel .LBB2_6-.Ltmp3, $4  }
0x11e: {  	_ = 	snop  }
0x11f: {  	s21 =	simm.s32 $0xF880;
	s31 =	simm.s32 $0xF080;
	s29 =	simm.s32 $0xE880  }
0x120: {  	s28 =	simm.s32 $0xE080;
	s26 =	simm.s32 $0xD880;
	s25 =	simm.s32 $0xD080  }
0x121: {  	s24 =	simm.s32 $0xC880;
	s23 =	simm.s32 $0xC080;
	s22 =	simm.s32 $0xB880  }
.LBB2_3:
.Ltmp4:
0x122: {  	(pc) =	sbr.rel .LBB2_6-.Ltmp4, $4  }
0x123: {  	_ = 	snop  }
0x124: {  	s21 =	simm.s32 $0xF880;
	s31 =	simm.s32 $0xF080;
	s29 =	simm.s32 $0xE880  }
0x125: {  	s28 =	simm.s32 $0xE080;
	s26 =	simm.s32 $0xD880;
	s25 =	simm.s32 $0xD080  }
0x126: {  	s24 =	simm.s32 $0xC880;
	s23 =	simm.s32 $0xC080;
	s22 =	simm.s32 $0xB880  }
.Lfunc_end2:
_tile_overlayer_lowered:
.L_overlay_start_2:
0x127: {  	(tag) =	ssettag $0x2  }
0x128: {  	s0 =	rddreg [dreg:$0x0];
	s2 =	stileid.u32  }
0x129: {  	s1 =	rddreg [dreg:$0x1];
	p0 =	sne.s32 s2, $0x0  }
0x12a: {  	s3 =	rddreg [dreg:$0x2];
	[bflag:$0x3] =	sbarrier.arrive $0xFFFF;
	s2 =	simm.s32 @!p0 $0x1C02  }
0x12b: {  	[timem:s3], [sflag:s2] =	dma.local @!p0 [hbm:s0], s1  }
0x12c: {  	s0 =	simm.s32 @!p0 $0x2  }
0x12d: {  	_ =	swait.ge @!p0 [sflag:s0], s1  }
0x12e: {  	s1 =	ssub.s32 @!p0 $0x0, s1;
	[sflag:s0] =	ssyncset.done @!p0 $0x0  }
0x12f: {  	[sflag:s0] =	ssyncadd.s32 @!p0 s1  }
0x130: {  	[bflag:$0x3] =	sbarrier.arrive $0xFFFF  }
0x131: {  	_ =	shalt  }

// kernel: kernel.7.cloned.1.call-start
scs
__scs_entry_jumppad:
0x0: {  	(pc) =	sbr.rel $0x88, $3  }
0x1: {  	(tag) =	ssettag $0x0;
	lr =	simm.s32 $0x1  }
0x2: {  	[smem:$0x3F88] =	sst lr;
	_ =	strace $0xD0000000  }
0x3: {  	_ = 	snop  }
0x4: {  	_ = 	snop  }
0x5: {  	_ = 	snop  }
0x6: {  	_ = 	snop  }
0x7: {  	_ = 	snop  }
__scs_overlays_trampoline_lowered:
0x8: {  	[smem:$0x3F97] =	sst s0  }
0x9: {  	[smem:$0x3F98] =	sst s1  }
0xa: {  	[smem:$0x3F99] =	sst s2  }
0xb: {  	[smem:$0x3F9A] =	sst s3  }
0xc: {  	[smem:$0x3F9B] =	sst s4  }
0xd: {  	[smem:$0x3F9C] =	sst s5  }
0xe: {  	[smem:$0x3F9D] =	sst s6  }
0xf: {  	[smem:$0x3F9E] =	sst s7  }
0x10: {  	[smem:$0x3F9F] =	sst s8  }
0x11: {  	[smem:$0x3FA0] =	sst s9;
	s0 =	simm.s32 @!p0 $0x0  }
0x12: {  	s1 =	sld [smem:$0x3F86];
	s0 =	simm.s32 @p0 $0x1  }
0x13: {  	[smem:$0x3FA1] =	sst s0;
	s0 =	simm.s32 @!p1 $0x0  }
0x14: {  	s2 =	sld [smem:$0x3F85];
	s0 =	simm.s32 @p1 $0x1  }
0x15: {  	[smem:$0x3FA2] =	sst s0;
	s0 =	simm.s32 @!p2 $0x0  }
0x16: {  	s3 =	sld [smem:$0x3FDB];
	s0 =	simm.s32 @p2 $0x1  }
0x17: {  	s4 =	simm.s32 $0x1BF5;
	[smem:$0x3FA4] =	sst s0  }
0x18: {  	s0 =	sld [smem:$0x3F87];
	_ =	swait.ge [sflag:s4], $0x0  }
0x19: {  	s7 =	sld [smem:$0x3F88]  }
0x1a: {  	s8 =	sadd.s32 $0xFFFFE003, lr  }
0x1b: {  	s9 =	sadd.s32 $0xFFFFFEF7, lr;
	s5 =	simm.s32 $0xFFFFFFFF;
	p2 =	slt.u32 s8, $0xFFFFF086  }
0x1c: {  	p1 =	slt.u32 s9, $0xF7A;
	s5 =	simm.s32 @!p2 $0x0  }
0x1d: {  	s5 =	simm.s32 @p1 $0x1;
	p0 =	seq.s32 s7, s2  }
0x1e: {  	s7 =	smul.u32 @!p0 $0xF7A, s2;
	p2 =	seq.s32 @!p0 s5, $0x0  }
0x1f: {  	s9 =	smul.u32 $0xF7A, s1;
	s8 =	simm.s32 @!p0 $0x1BF5;
	p2 =	por !p2, p0  }
0x20: {  	[sflag:s8] =	ssyncset.s32 @!p0 $0xFFFFF086;
	s6 =	sadd.s32 @!p0 s3, s7;
	s7 =	simm.s32 @!p0 $0x108  }
0x21: {  	s3 =	sadd.s32 s3, s9;
	s6 =	sadd.s32 @!p0 $0x88, s6;
	s7 =	simm.s32 @p2 $0x1082  }
0x22: {  	[simem:s7], [sflag:s8] =	dma.local @!p0 [hbm:s6], $0xF7A  }
0x23: {  	s9 =	sor.u32 $0xD0000000, s2;
	s6 =	simm.s32 $0x108;
	_ =	swait.ge @!p0 [sflag:s8], $0x0  }
0x24: {  	s3 =	sadd.s32 $0x88, s3;
	s6 =	simm.s32 @!p1 $0x1082;
	[sflag:s4] =	ssyncset.s32 $0xFFFFF086  }
0x25: {  	[simem:s6], [sflag:s4] =	dma.local [hbm:s3], $0xF7A  }
0x26: {  	[smem:$0x3F88] =	sst s1;
	(tag) =	ssettag s2;
	_ =	strace s9  }
0x27: {  	s1 =	sld [smem:$0x3F98]  }
0x28: {  	s2 =	sld [smem:$0x3F99]  }
0x29: {  	s4 =	sld [smem:$0x3F9B]  }
0x2a: {  	p0 =	seq.s32 s5, $0x0;
	s5 =	sld [smem:$0x3F9C]  }
0x2b: {  	s6 =	sld [smem:$0x3F9D]  }
0x2c: {  	s7 =	sld [smem:$0x3F9E]  }
0x2d: {  	s3 =	simm.s32 $0x108;
	s8 =	sld [smem:$0x3F9F]  }
0x2e: {  	s3 =	simm.s32 @!p0 $0x1082;
	s9 =	sld [smem:$0x3FA0]  }
0x2f: {  	lr =	sadd.s32 s0, s3;
	s0 =	sld [smem:$0x3F97]  }
0x30: {  	s3 =	sld [smem:$0x3F9A]  }
0x31: {  	[smem:$0x3FA3] =	sst s10  }
0x32: {  	s10 =	sld [smem:$0x3FA1];
	_ =	sdelay $0x3  }
0x33: {  	p0 =	seq.s32 s10, $0x1;
	s10 =	sld [smem:$0x3FA3];
	_ =	sdelay $0x3  }
0x34: {  	[smem:$0x3FA3] =	sst s10  }
0x35: {  	s10 =	sld [smem:$0x3FA2];
	_ =	sdelay $0x3  }
0x36: {  	p1 =	seq.s32 s10, $0x1;
	s10 =	sld [smem:$0x3FA3];
	_ =	sdelay $0x3  }
0x37: {  	[smem:$0x3FA3] =	sst s10  }
0x38: {  	s10 =	sld [smem:$0x3FA4]  }
0x39: {  	_ = 	snop;
	(pc) =	sbr.ind lr, $3  }
0x3a: {  	_ = 	snop  }
0x3b: {  	_ = 	snop  }
0x3c: {  	p2 =	seq.s32 s10, $0x1;
	s10 =	sld [smem:$0x3FA3]  }
0x3d: {  	_ =	shalt  }
0x3e: {  	_ =	shalt  }
0x3f: {  	_ =	shalt  }
0x40: {  	_ =	shalt  }
0x41: {  	_ =	shalt  }
0x42: {  	_ =	shalt  }
0x43: {  	_ =	shalt  }
0x44: {  	_ =	shalt  }
0x45: {  	_ =	shalt  }
0x46: {  	_ =	shalt  }
0x47: {  	_ =	shalt  }
0x48: {  	_ =	shalt  }
0x49: {  	_ =	shalt  }
0x4a: {  	_ =	shalt  }
0x4b: {  	_ =	shalt  }
0x4c: {  	_ =	shalt  }
0x4d: {  	_ =	shalt  }
0x4e: {  	_ =	shalt  }
0x4f: {  	_ =	shalt  }
0x50: {  	_ =	shalt  }
0x51: {  	_ =	shalt  }
0x52: {  	_ =	shalt  }
0x53: {  	_ =	shalt  }
0x54: {  	_ =	shalt  }
0x55: {  	_ =	shalt  }
0x56: {  	_ =	shalt  }
0x57: {  	_ =	shalt  }
0x58: {  	_ =	shalt  }
0x59: {  	_ =	shalt  }
0x5a: {  	_ =	shalt  }
0x5b: {  	_ =	shalt  }
0x5c: {  	_ =	shalt  }
0x5d: {  	_ =	shalt  }
0x5e: {  	_ =	shalt  }
0x5f: {  	_ =	shalt  }
0x60: {  	_ =	shalt  }
0x61: {  	_ =	shalt  }
0x62: {  	_ =	shalt  }
0x63: {  	_ =	shalt  }
0x64: {  	_ =	shalt  }
0x65: {  	_ =	shalt  }
0x66: {  	_ =	shalt  }
0x67: {  	_ =	shalt  }
0x68: {  	_ =	shalt  }
0x69: {  	_ =	shalt  }
0x6a: {  	_ =	shalt  }
0x6b: {  	_ =	shalt  }
0x6c: {  	_ =	shalt  }
0x6d: {  	_ =	shalt  }
0x6e: {  	_ =	shalt  }
0x6f: {  	_ =	shalt  }
0x70: {  	_ =	shalt  }
0x71: {  	_ =	shalt  }
0x72: {  	_ =	shalt  }
0x73: {  	_ =	shalt  }
0x74: {  	_ =	shalt  }
0x75: {  	_ =	shalt  }
0x76: {  	_ =	shalt  }
0x77: {  	_ =	shalt  }
0x78: {  	_ =	shalt  }
0x79: {  	_ =	shalt  }
0x7a: {  	_ =	shalt  }
0x7b: {  	_ =	shalt  }
0x7c: {  	_ =	shalt  }
0x7d: {  	_ =	shalt  }
0x7e: {  	_ =	shalt  }
0x7f: {  	_ =	shalt  }
0x80: {  	_ =	shalt  }
0x81: {  	_ =	shalt  }
0x82: {  	_ =	shalt  }
0x83: {  	_ =	shalt  }
0x84: {  	_ =	shalt  }
0x85: {  	_ =	shalt  }
0x86: {  	_ =	shalt  }
0x87: {  	_ =	shalt  }
.Lfunc_end0:
.L_simem_size_0:
called_computation.2_lowered:
.L_overlay_start_0:
0x88: {  	s2 =	sld [smem:$0x3FD9]  }
0x89: {  	s3 =	sld [smem:$0x3FFE];
	_ =	sdelay $0x1  }
0x8a: {  	s1 =	srdreg.scid  }
0x8b: {  	s0 =	sand.u32 $0x1, s1  }
0x8c: {  	s17 =	sshll.u32 s0, $0xA;
	s2 =	sadd.s32 s3, s2  }
0x8d: {  	s2 =	sadd.s32 s2, s17  }
0x8e: {  	[smem:$0x3FAF] =	sst s2  }
0x8f: {  	_ = 	snop  }
0x90: {  	(tm) =	ssettm $0x1  }
0x91: {  	s18 =	sld [smem:$0x3FFB];
	_ =	sdelay $0x3  }
0x92: {  	_ =	strace s18  }
0x93: {  	s2 =	sld [smem:$0x3FFC];
	_ =	sdelay $0x3  }
0x94: {  	_ =	strace s2  }
0x95: {  	s2 =	sld [smem:$0x3FFD];
	_ =	sdelay $0x3  }
0x96: {  	_ =	strace s2  }
0x97: {  	_ =	strace $0x8FFFFFFF  }
0x98: {  	s19 =	sld [smem:$0x3FDB];
	_ =	sdelay $0x1  }
0x99: {  	s20 =	simm.s32 $_scs_section_size  }
0x9a: {  	s4 =	simm.s32 $_size__tile_overlayer_lowered;
	s5 =	simm.s32 $_tile_overlayer_lowered  }
0x9b: {  	s6 =	simm.s32 $0x1BFF;
	s21 =	sshll.u32 s5, $0x1;
	s3 =	sadd.s32 s20, s19  }
0x9c: {  	s22 =	simm.s32 $0x0;
	s4 =	sshll.u32 s4, $0x1;
	s5 =	sadd.s32 s21, s3  }
0x9d: {  	[timem:s22], [sflag:s6] =	dma.local [hbm:s5], s4  }
0x9e: {  	_ =	swait.ge [sflag:s6], s4  }
0x9f: {  	s4 =	ssub.s32 $0x0, s4;
	[sflag:s6] =	ssyncset.done $0x0  }
0xa0: {  	[sflag:s6] =	ssyncadd.s32 s4;
	_ =	sdelay $0x1  }
0xa1: {  	s23 =	simm.s32 $0x1B8B  }
0xa2: {  	_ =	swait.ge [sflag:s23], $0x1  }
0xa3: {  	[sflag:s23] =	ssyncset.done $0x0  }
0xa4: {  	[sflag:s23] =	ssyncadd.s32 $0xFFFFFFFF  }
0xa5: {  	s4 =	sld [smem:$0x0]  }
0xa6: {  	s5 =	sand.u32 $0xFFFFFFFE, s1  }
0xa7: {  	p0 =	sne.s32 s1, s5  }
0xa8: {  	s5 =	sshll.u32 @p0 s5, $0xE  }
0xa9: {  	s5 =	sadd.s32 @p0 $0x11B8D, s5;
	s6 =	sshll.u32 @p0 s4, $0x11  }
0xaa: {  	s5 =	sor.u32 @p0 s6, s5  }
0xab: {  	[sflag:s5] =	ssyncadd.remote.s32 @p0 $0x1;
	_ =	sdelay $0x1  }
0xac: {  	s5 =	simm.s32 @p0 $0x1B8D  }
0xad: {  	_ =	swait.eq @p0 [sflag:s5], $0x1  }
0xae: {  	[sflag:s5] =	ssyncadd.s32 @p0 $0xFFFFFFFF  }
0xaf: {  	s6 =	sshll.u32 @!p0 s1, $0xE  }
0xb0: {  	s6 =	sor.u32 @!p0 $0x4000, s6;
	s5 =	simm.s32 @!p0 $0x1B8D  }
0xb1: {  	s4 =	sshll.u32 @!p0 s4, $0x11;
	s6 =	sadd.s32 @!p0 $0x11B8D, s6;
	_ =	swait.eq @!p0 [sflag:s5], $0x1  }
0xb2: {  	s4 =	sor.u32 @!p0 s4, s6;
	[sflag:s5] =	ssyncadd.s32 @!p0 $0xFFFFFFFF  }
0xb3: {  	s25 =	simm.s32 $0x1B8E;
	s24 =	sld [smem:$0x3FFE];
	[sflag:s4] =	ssyncadd.remote.s32 @!p0 $0x1  }
0xb4: {  	s26 =	simm.s32 $execute0_lowered;
	[smem:$0x3FD2] =	sst s25  }
0xb5: {  	s5 =	sshll.u32 s26, $0x1;
	_ =	strace $0x8000004F;
	[dreg:$0x1] =	wrdreg $0xFFFFFFFF  }
0xb6: {  	s28 =	simm.s32 $_size_execute0_lowered;
	s3 =	sadd.s32 s3, s5;
	[dreg:$0x0] =	wrdreg $0x0  }
0xb7: {  	s5 =	sshll.u32 s28, $0x1;
	[dreg:$0x2] =	wrdreg s3  }
0xb8: {  	[dreg:$0x3] =	wrdreg s5  }
0xb9: {  	[dreg:$0x4] =	wrdreg $0xC0  }
0xba: {  	_ =	task [dreg:s22], $0x5FFFF  }
0xbb: {  	[dreg:$0x1] =	wrdreg $0xFFFFFFFF  }
0xbc: {  	[dreg:$0x0] =	wrdreg $0x60  }
0xbd: {  	[dreg:$0x2] =	wrdreg s24  }
0xbe: {  	[dreg:$0x3] =	wrdreg $0xA  }
0xbf: {  	_ =	task.clear_ibuf [dreg:s22], $0x4FFFF;
	_ =	strace $0x9000004F  }
0xc0: {  	s29 =	simm.s32 $0xA;
	_ =	strace $0x80000051  }
0xc1: {  	_ =	swait.ge [sflag:s29], $0x1  }
0xc2: {  	[sflag:s29] =	ssyncadd.s32 $0xFFFFFFFF  }
0xc3: {  	_ =	strace $0x90000051  }
0xc4: {  	_ =	sfence  }
0xc5: {  	s30 =	sld [smem:$0x0];
	_ =	sdelay $0x2  }
0xc6: {  	s31 =	sshll.u32 s1, $0xD;
	s1 =	sshrl.u32 s1, $0x2  }
0xc7: {  	s4 =	sand.u32 $0x4000, s31;
	s1 =	sadd.s32 s1, s30  }
0xc8: {  	s0 =	sor.u32 s4, s0;
	s1 =	sshll.u32 s1, $0x11  }
0xc9: {  	s0 =	sor.u32 s1, s0  }
0xca: {  	s0 =	sadd.s32 $0x8F2B, s0  }
0xcb: {  	[sflag:s0] =	ssyncadd.remote.s32 $0x1  }
0xcc: {  	_ =	sfence.sel $0xFFFF  }
0xcd: {  	[dreg:$0x0] =	wrdreg $0xFFFFFFFF;
	(pc) =	sbr.abs _section_cstart, $3  }
0xce: {  	[dreg:$0x1] =	wrdreg $0xFFFFFFFF  }
0xcf: {  	_ =	task.clear_ibuf [dreg:s22], $0x2FFFF;
	_ =	strace $0x9FFFFFFF  }
0xd0: {  	(tm) =	ssettm $0x7FFFFFFF  }
0xd1: {  	_ =	shalt  }
tec
execute0_lowered:
.L_overlay_start_1:
0x0: {  	(tag) =	ssettag $0x1  }
0x1: {  	s0 =	srdreg.scid;
	s4 =	rddreg [dreg:$0x0]  }
0x2: {  	s2 =	simm.s32 $0x0;
	s8 =	simm.s32 $0x1400;
	s3 =	sand.u32 $0x1, s0  }
0x3: {  	s9 =	simm.s32 $0x80;
	s0 =	stileid.u32;
	s1 =	sshll.u32 s3, $0x4  }
0x4: {  	s10 =	simm.s32 $0x0;
	[smem:$0x7FF] =	sst s2;
	s5 =	sor.u32 s0, s1  }
0x5: {  	s6 =	ssub.s32 $0x2, s3;
	s3 =	sadd.s32 $0x6000, s4;
	s5 =	smul.u32 $0x280, s5  }
0x6: {  	s1 =	rddreg [dreg:$0x1];
	_ =	strace $0x80000050;
	s7 =	sshrl.u32 s6, $0x1  }
0x7: {  	s6 =	ssub.s32 s6, s7;
	s7 =	simm.s32 $0x1;
	s5 =	sadd.s32 s5, s4  }
0x8: {  	s6 =	smax.u32 s6, $0x1;
	s4 =	sadd.s32 $0x1000, s5;
	s5 =	sadd.s32 $0x4E3000, s5  }
.LBB2_1:
0x9: {  	[tilespmem:s2], [sflag:$0x1] =	stream.linear.gather [hbm4b:s4+s2], $0x1400, $0x38;
	[tilespmem:$0x2800] =	vst v63  }
0xa: {  	_ =	swait.ge [sflag:s7], $0x1400  }
0xb: {  	[sflag:s7] =	ssyncset.done $0x0  }
0xc: {  	[sflag:s7] =	ssyncadd.s32 $0xFFFFEC00  }
0xd: {  	[tilespmem:s8], [sflag:$0x1] =	stream.linear.gather [hbm4b:s5+s2], $0x1400, $0x38;
	[tilespmem:$0x2800] =	vst v63  }
0xe: {  	_ =	swait.ge [sflag:s7], $0x1400  }
0xf: {  	[sflag:s7] =	ssyncset.done $0x0  }
0x10: {  	s11 =	simm.s32 $0x0;
	s12 =	simm.s32 $0x1400;
	[sflag:s7] =	ssyncadd.s32 $0xFFFFEC00  }
0x11: {  	[hbm4b:s3+s9] =	stream.indirect.scatter [tilespmem:s11], [sflag:$0x1], $0x1, s12, s9, $0xb8;
	[tilespmem:$0x2800] =	vst v63  }
0x12: {  	s11 =	simm.s32 $0x200;
	_ =	swait.ge [sflag:s7], $0x80  }
.LBB2_2:
0x13: {  	s12 =	sshra.s32 s11, $0x2;
	[sflag:s7] =	ssyncset.done $0x0;
	p0 =	sne.s32 s11, $0x4E00  }
.Ltmp0:
0x14: {  	s13 =	sadd.s32 $0x1400, s12;
	[sflag:s7] =	ssyncadd.s32 $0xFFFFFF80;
	(pc) =	sbr.rel @p0 .LBB2_2-.Ltmp0, $3  }
0x15: {  	[hbm4b:s3+s9] =	stream.indirect.scatter [tilespmem:s12], [sflag:$0x1], $0x1, s13, s9, $0xb8;
	[tilespmem:$0x2800] =	vst v63  }
0x16: {  	s11 =	sadd.s32 $0x200, s11;
	_ =	sdelay $0x1  }
0x17: {  	_ =	swait.ge [sflag:s7], $0x80  }
0x18: {  	s10 =	sadd.s32 $0x1, s10  }
0x19: {  	p0 =	sne.s32 s10, s6  }
.Ltmp1:
0x1a: {  	_ = 	snop;
	(pc) =	sbr.rel @p0 .LBB2_1-.Ltmp1, $3  }
0x1b: {  	_ =	sdelay $0x1  }
0x1c: {  	[sflag:s7] =	ssyncset.done $0x0  }
0x1d: {  	[sflag:s7] =	ssyncadd.s32 $0xFFFFFF80  }
0x1e: {  	_ =	sfence.sel $0x180000  }
0x1f: {  	[bflag:$0x0] =	sbarrier.arrive $0xFFFF  }
0x20: {  	p0 =	sne.s32 s0, $0x0;
	_ =	strace $0x90000050  }
0x21: {  	s0 =	sadd.s32 @!p0 $0x100000, s1;
	[bflag:$0x2] =	sbarrier.arrive $0xFFFF  }
0x22: {  	[sflag:s0] =	ssyncadd.tile.s32 @!p0 $0x1;
	_ =	shalt  }
.Lfunc_end2:
_tile_overlayer_lowered:
.L_overlay_start_2:
0x23: {  	(tag) =	ssettag $0x2  }
0x24: {  	s0 =	rddreg [dreg:$0x0];
	s2 =	stileid.u32  }
0x25: {  	s1 =	rddreg [dreg:$0x1];
	p0 =	sne.s32 s2, $0x0  }
0x26: {  	s3 =	rddreg [dreg:$0x2];
	[bflag:$0x3] =	sbarrier.arrive $0xFFFF;
	s2 =	simm.s32 @!p0 $0x1C01  }
0x27: {  	[timem:s3], [sflag:s2] =	dma.local @!p0 [hbm:s0], s1  }
0x28: {  	s0 =	simm.s32 @!p0 $0x1  }
0x29: {  	_ =	swait.ge @!p0 [sflag:s0], s1  }
0x2a: {  	s1 =	ssub.s32 @!p0 $0x0, s1;
	[sflag:s0] =	ssyncset.done @!p0 $0x0  }
0x2b: {  	[sflag:s0] =	ssyncadd.s32 @!p0 s1  }
0x2c: {  	[bflag:$0x3] =	sbarrier.arrive $0xFFFF  }
0x2d: {  	_ =	shalt  }

</sc_bundles>
